<compile_context>
chip_gen: v7x
topology: tpu7x:2x2x1
jax: 0.10.2.dev20260603
libtpu: 0.0.44.dev20260713+nightly
codegen_flags: <defaults>
</compile_context>

<pallas_src>
import functools

import jax
import jax.numpy as jnp
from jax import lax
from jax.experimental import pallas as pl
from jax.experimental.pallas import tpu as pltpu
from jax.experimental.pallas import tpu_sc as plsc

_NW = 32
_K = 16


def kernel(x, pos_emb):
    nb, ns, nd = x.shape
    rows_pw = ns // _NW
    nsteps = (rows_pw // _K) * nb
    mesh = plsc.VectorSubcoreMesh(core_axis_name="c", subcore_axis_name="s")

    @functools.partial(
        pl.kernel,
        out_type=jax.ShapeDtypeStruct((nb, ns, nd), jnp.float32),
        mesh=mesh,
        scratch_types=[
            pltpu.VMEM((_K, nd), jnp.float32),
            pltpu.VMEM((2, _K, nd), jnp.float32),
            pltpu.SemaphoreType.DMA((2,)),
            pltpu.SemaphoreType.DMA((2,)),
        ],
    )
    def sc_add(x_hbm, pos_hbm, out_hbm, pos_v, xb_v, in_sem, out_sem):
        wid = lax.axis_index("s") * 2 + lax.axis_index("c")
        s0 = wid * rows_pw

        def in_copy(step, p):
            c = step // nb
            b = step % nb
            row = s0 + c * _K
            return pltpu.make_async_copy(
                x_hbm.at[b, pl.ds(row, _K)], xb_v.at[p], in_sem.at[p])

        def out_copy(step, p):
            c = step // nb
            b = step % nb
            row = s0 + c * _K
            return pltpu.make_async_copy(
                xb_v.at[p], out_hbm.at[b, pl.ds(row, _K)], out_sem.at[p])

        in_copy(0, 0).start()

        def step_body(s, carry):
            p = s % 2
            q = (s + 1) % 2
            b = s % nb

            in_copy(s, p).wait()

            @pl.when(b == 0)
            def _():
                row = s0 + (s // nb) * _K
                pltpu.sync_copy(pos_hbm.at[pl.ds(row, _K)], pos_v)

            @pl.when(s + 1 < nsteps)
            def _():
                @pl.when(s >= 1)
                def _():
                    out_copy(s - 1, q).wait()
                in_copy(s + 1, q).start()

            def row_body(r, rcarry):
                for j in range(nd // 16):
                    sl = pl.ds(j * 16, 16)
                    plsc.addupdate(xb_v.at[p, r, sl], pos_v[r, sl])
                return rcarry

            lax.fori_loop(0, _K, row_body, 0)

            out_copy(s, p).start()
            return carry

        lax.fori_loop(0, nsteps, step_body, 0)
        out_copy(nsteps - 2, nsteps % 2).wait()
        out_copy(nsteps - 1, (nsteps - 1) % 2).wait()

    return sc_add(x, pos_emb)

# --- scband reference (transcript-rebuilt; emitter-appended) ---
"""Pipeline reference for scband-learned-positional-encoding-56573309224062 (READ-ONLY COPY).

The authoritative reference and input builder live on the scoring server;
editing this copy changes nothing except your own understanding.
"""

import jax, jax.numpy as jnp
import numpy as np

B, S, D = 4, 8192, 2048
MAX_LEN = 8192

def setup_inputs(seed: int = 0) -> dict:
    key = jax.random.key(seed)
    k1, k2 = jax.random.split(key)
    x = jax.random.normal(k1, (B, S, D), dtype=jnp.float32)
    pos_emb = jax.random.normal(k2, (MAX_LEN, D), dtype=jnp.float32) * 0.02
    return {"x": x, "pos_emb": pos_emb}

def reference(x, pos_emb):
    batch_size, seq_len, _ = x.shape
    positions = jnp.broadcast_to(jnp.arange(seq_len)[None, :], (batch_size, seq_len))
    pos_encoding = jnp.take(pos_emb, positions, axis=0)
    out = x + pos_encoding
    # dropout p=0.0 -> identity
    return out

if __name__ == "__main__":
    import jax
    _d = setup_inputs()
    print(jax.jit(kernel)(*tuple(_d.values())))

</pallas_src>

<mosaic_0001>
#map = affine_map<(d0, d1) -> (0, 0, 0)>
#map1 = affine_map<(d0, d1) -> (0, 0)>
module attributes {stable_mosaic.version = 14 : i64} {
  func.func @sc_add(%arg0: i32, %arg1: i32, %arg2: memref<4x8192x2048xf32, #tpu.memory_space<hbm>>, %arg3: memref<8192x2048xf32, #tpu.memory_space<hbm>>, %arg4: memref<4x8192x2048xf32, #tpu.memory_space<hbm>>, %arg5: memref<16x2048xf32, #tpu.memory_space<vmem>>, %arg6: memref<2x16x2048xf32, #tpu.memory_space<vmem>>, %arg7: memref<2x!tpu.dma_semaphore, #tpu.memory_space<semaphore_mem>>, %arg8: memref<2x!tpu.dma_semaphore, #tpu.memory_space<semaphore_mem>>) attributes {dimension_semantics = [#tpu.dimension_semantics<core_parallel>, #tpu.dimension_semantics<subcore_parallel>], iteration_bounds = array<i64: 2, 16>, scalar_prefetch = 0 : i64, scratch_operands = 4 : i64, tpu.core_type = #tpu.core_type<sc_vector_subcore>, window_params = [{transform_indices = #map}, {transform_indices = #map1}, {transform_indices = #map}]} {
    %mul3A = arith.constant 2 : i32
    %mul3A_0 = arith.muli %arg1, %mul3A : i32
    %add3A = arith.addi %mul3A_0, %arg0 : i32
    %mul3A_1 = arith.constant 256 : i32
    %mul3A_2 = arith.muli %add3A, %mul3A_1 : i32
    %add3A_3 = arith.constant 0 : i32
    %add3A_4 = arith.addi %mul3A_2, %add3A_3 : i32
    %dma_start3A = arith.constant 0 : i32
    %dma_start3A_5 = arith.constant 0 : i32
    %dma_start3A_6 = arith.constant 0 : i32
    %dma_start3A_7 = arith.constant 0 : i32
    %dma_start3A_8 = arith.constant 0 : i32
    %dma_start3A_9 = tpu.memref_slice %arg6[%dma_start3A_5, %dma_start3A_7, %dma_start3A_8] : memref<2x16x2048xf32, #tpu.memory_space<vmem>> -> memref<1x16x2048xf32, #tpu.memory_space<vmem>>
    %dma_start3A_10 = tpu.memref_squeeze %dma_start3A_9 : memref<1x16x2048xf32, #tpu.memory_space<vmem>> -> memref<16x2048xf32, #tpu.memory_space<vmem>>
    %dma_start3A_11 = arith.constant 0 : i32
    %dma_start3A_12 = tpu.memref_slice %arg2[%dma_start3A, %add3A_4, %dma_start3A_11] : memref<4x8192x2048xf32, #tpu.memory_space<hbm>> -> memref<1x16x2048xf32, #tpu.memory_space<hbm>>
    %dma_start3A_13 = tpu.memref_squeeze %dma_start3A_12 : memref<1x16x2048xf32, #tpu.memory_space<hbm>> -> memref<16x2048xf32, #tpu.memory_space<hbm>>
    %dma_start3A_14 = tpu.memref_slice %arg7[%dma_start3A_6] : memref<2x!tpu.dma_semaphore, #tpu.memory_space<semaphore_mem>> -> memref<1x!tpu.dma_semaphore, #tpu.memory_space<semaphore_mem>>
    %dma_start3A_15 = tpu.memref_squeeze %dma_start3A_14 : memref<1x!tpu.dma_semaphore, #tpu.memory_space<semaphore_mem>> -> memref<!tpu.dma_semaphore, #tpu.memory_space<semaphore_mem>>
    %dma_start3A_16 = arith.constant 0 : i32
    %dma_start3A_17 = arith.constant 0 : i32
    %dma_start3A_18 = tpu.memref_slice %arg6[%dma_start3A_5, %dma_start3A_16, %dma_start3A_17] : memref<2x16x2048xf32, #tpu.memory_space<vmem>> -> memref<1x16x2048xf32, #tpu.memory_space<vmem>>
    %dma_start3A_19 = tpu.memref_squeeze %dma_start3A_18 : memref<1x16x2048xf32, #tpu.memory_space<vmem>> -> memref<16x2048xf32, #tpu.memory_space<vmem>>
    %dma_start3A_20 = arith.constant 0 : i32
    %dma_start3A_21 = tpu.memref_slice %arg2[%dma_start3A, %add3A_4, %dma_start3A_20] : memref<4x8192x2048xf32, #tpu.memory_space<hbm>> -> memref<1x16x2048xf32, #tpu.memory_space<hbm>>
    %dma_start3A_22 = tpu.memref_squeeze %dma_start3A_21 : memref<1x16x2048xf32, #tpu.memory_space<hbm>> -> memref<16x2048xf32, #tpu.memory_space<hbm>>
    tpu.enqueue_dma source(%dma_start3A_22 : memref<16x2048xf32, #tpu.memory_space<hbm>>) target(%dma_start3A_19 : memref<16x2048xf32, #tpu.memory_space<vmem>>) target_semaphore(%dma_start3A_15 : memref<!tpu.dma_semaphore, #tpu.memory_space<semaphore_mem>>)
    %scan3A = arith.constant 0 : i32
    %scan3A_23 = arith.constant 0 : i32
    %scan3A_24 = arith.constant 64 : i32
    %scan3A_25 = arith.addi %scan3A_23, %scan3A_24 : i32
    %scan3A_26 = arith.constant 1 : i32
    scf.for %scan3A_69 = %scan3A_23 to %scan3A_25 step %scan3A_26  : i32 {
      %jit3A = arith.constant 2 : i32
      %eq3A = arith.constant 0 : i32
      %eq3A_70 = arith.cmpi eq, %jit3A, %eq3A : i32
      %jit3A_71 = arith.constant 1 : i32
      %select_n3A = arith.select %eq3A_70, %jit3A_71, %jit3A : i32
      %rem3A = arith.remsi %scan3A_69, %select_n3A : i32
      %ne3A = arith.constant 0 : i32
      %ne3A_72 = arith.cmpi ne, %rem3A, %ne3A : i32
      %lt3A = arith.constant 0 : i32
      %lt3A_73 = arith.cmpi slt, %rem3A, %lt3A : i32
      %lt3A_74 = arith.constant 0 : i32
      %lt3A_75 = arith.cmpi slt, %select_n3A, %lt3A_74 : i32
      %ne3A_76 = arith.xori %lt3A_73, %lt3A_75 : i1
      %and3A = arith.andi %ne3A_76, %ne3A_72 : i1
      %add3A_77 = arith.addi %rem3A, %select_n3A : i32
      %select_n3A_78 = arith.select %and3A, %add3A_77, %rem3A : i32
      %add3A_79 = arith.constant 1 : i32
      %add3A_80 = arith.addi %scan3A_69, %add3A_79 : i32
      %jit3A_81 = arith.constant 2 : i32
      %eq3A_82 = arith.constant 0 : i32
      %eq3A_83 = arith.cmpi eq, %jit3A_81, %eq3A_82 : i32
      %jit3A_84 = arith.constant 1 : i32
      %select_n3A_85 = arith.select %eq3A_83, %jit3A_84, %jit3A_81 : i32
      %rem3A_86 = arith.remsi %add3A_80, %select_n3A_85 : i32
      %ne3A_87 = arith.constant 0 : i32
      %ne3A_88 = arith.cmpi ne, %rem3A_86, %ne3A_87 : i32
      %lt3A_89 = arith.constant 0 : i32
      %lt3A_90 = arith.cmpi slt, %rem3A_86, %lt3A_89 : i32
      %lt3A_91 = arith.constant 0 : i32
      %lt3A_92 = arith.cmpi slt, %select_n3A_85, %lt3A_91 : i32
      %ne3A_93 = arith.xori %lt3A_90, %lt3A_92 : i1
      %and3A_94 = arith.andi %ne3A_93, %ne3A_88 : i1
      %add3A_95 = arith.addi %rem3A_86, %select_n3A_85 : i32
      %select_n3A_96 = arith.select %and3A_94, %add3A_95, %rem3A_86 : i32
      %jit3A_97 = arith.constant 4 : i32
      %eq3A_98 = arith.constant 0 : i32
      %eq3A_99 = arith.cmpi eq, %jit3A_97, %eq3A_98 : i32
      %jit3A_100 = arith.constant 1 : i32
      %select_n3A_101 = arith.select %eq3A_99, %jit3A_100, %jit3A_97 : i32
      %rem3A_102 = arith.remsi %scan3A_69, %select_n3A_101 : i32
      %ne3A_103 = arith.constant 0 : i32
      %ne3A_104 = arith.cmpi ne, %rem3A_102, %ne3A_103 : i32
      %lt3A_105 = arith.constant 0 : i32
      %lt3A_106 = arith.cmpi slt, %rem3A_102, %lt3A_105 : i32
      %lt3A_107 = arith.constant 0 : i32
      %lt3A_108 = arith.cmpi slt, %select_n3A_101, %lt3A_107 : i32
      %ne3A_109 = arith.xori %lt3A_106, %lt3A_108 : i1
      %and3A_110 = arith.andi %ne3A_109, %ne3A_104 : i1
      %add3A_111 = arith.addi %rem3A_102, %select_n3A_101 : i32
      %select_n3A_112 = arith.select %and3A_110, %add3A_111, %rem3A_102 : i32
      %jit3A_113 = arith.constant 4 : i32
      %div3A = arith.divsi %scan3A_69, %jit3A_113 : i32
      %sign3A = arith.constant 0 : i32
      %sign3A_114 = arith.cmpi sgt, %scan3A_69, %sign3A : i32
      %sign3A_115 = arith.extui %sign3A_114 : i1 to i32
      %sign3A_116 = arith.constant 0 : i32
      %sign3A_117 = arith.cmpi slt, %scan3A_69, %sign3A_116 : i32
      %sign3A_118 = arith.extui %sign3A_117 : i1 to i32
      %sign3A_119 = arith.subi %sign3A_115, %sign3A_118 : i32
      %sign3A_120 = arith.constant 0 : i32
      %sign3A_121 = arith.cmpi sgt, %jit3A_113, %sign3A_120 : i32
      %sign3A_122 = arith.extui %sign3A_121 : i1 to i32
      %sign3A_123 = arith.constant 0 : i32
      %sign3A_124 = arith.cmpi slt, %jit3A_113, %sign3A_123 : i32
      %sign3A_125 = arith.extui %sign3A_124 : i1 to i32
      %sign3A_126 = arith.subi %sign3A_122, %sign3A_125 : i32
      %ne3A_127 = arith.cmpi ne, %sign3A_119, %sign3A_126 : i32
      %rem3A_128 = arith.remsi %scan3A_69, %jit3A_113 : i32
      %ne3A_129 = arith.constant 0 : i32
      %ne3A_130 = arith.cmpi ne, %rem3A_128, %ne3A_129 : i32
      %and3A_131 = arith.andi %ne3A_127, %ne3A_130 : i1
      %sub3A = arith.constant 1 : i32
      %sub3A_132 = arith.subi %div3A, %sub3A : i32
      %select_n3A_133 = arith.select %and3A_131, %sub3A_132, %div3A : i32
      %jit3A_134 = arith.constant 4 : i32
      %eq3A_135 = arith.constant 0 : i32
      %eq3A_136 = arith.cmpi eq, %jit3A_134, %eq3A_135 : i32
      %jit3A_137 = arith.constant 1 : i32
      %select_n3A_138 = arith.select %eq3A_136, %jit3A_137, %jit3A_134 : i32
      %rem3A_139 = arith.remsi %scan3A_69, %select_n3A_138 : i32
      %ne3A_140 = arith.constant 0 : i32
      %ne3A_141 = arith.cmpi ne, %rem3A_139, %ne3A_140 : i32
      %lt3A_142 = arith.constant 0 : i32
      %lt3A_143 = arith.cmpi slt, %rem3A_139, %lt3A_142 : i32
      %lt3A_144 = arith.constant 0 : i32
      %lt3A_145 = arith.cmpi slt, %select_n3A_138, %lt3A_144 : i32
      %ne3A_146 = arith.xori %lt3A_143, %lt3A_145 : i1
      %and3A_147 = arith.andi %ne3A_146, %ne3A_141 : i1
      %add3A_148 = arith.addi %rem3A_139, %select_n3A_138 : i32
      %select_n3A_149 = arith.select %and3A_147, %add3A_148, %rem3A_139 : i32
      %mul3A_150 = arith.constant 16 : i32
      %mul3A_151 = arith.muli %select_n3A_133, %mul3A_150 : i32
      %add3A_152 = arith.addi %mul3A_2, %mul3A_151 : i32
      %dma_wait3A_153 = arith.constant 0 : i32
      %dma_wait3A_154 = arith.constant 0 : i32
      %dma_wait3A_155 = tpu.memref_slice %arg6[%select_n3A_78, %dma_wait3A_153, %dma_wait3A_154] : memref<2x16x2048xf32, #tpu.memory_space<vmem>> -> memref<1x16x2048xf32, #tpu.memory_space<vmem>>
      %dma_wait3A_156 = tpu.memref_squeeze %dma_wait3A_155 : memref<1x16x2048xf32, #tpu.memory_space<vmem>> -> memref<16x2048xf32, #tpu.memory_space<vmem>>
      %dma_wait3A_157 = arith.constant 0 : i32
      %dma_wait3A_158 = tpu.memref_slice %arg2[%select_n3A_149, %add3A_152, %dma_wait3A_157] : memref<4x8192x2048xf32, #tpu.memory_space<hbm>> -> memref<1x16x2048xf32, #tpu.memory_space<hbm>>
      %dma_wait3A_159 = tpu.memref_squeeze %dma_wait3A_158 : memref<1x16x2048xf32, #tpu.memory_space<hbm>> -> memref<16x2048xf32, #tpu.memory_space<hbm>>
      %dma_wait3A_160 = tpu.memref_slice %arg7[%select_n3A_78] : memref<2x!tpu.dma_semaphore, #tpu.memory_space<semaphore_mem>> -> memref<1x!tpu.dma_semaphore, #tpu.memory_space<semaphore_mem>>
      %dma_wait3A_161 = tpu.memref_squeeze %dma_wait3A_160 : memref<1x!tpu.dma_semaphore, #tpu.memory_space<semaphore_mem>> -> memref<!tpu.dma_semaphore, #tpu.memory_space<semaphore_mem>>
      %dma_wait3A_162 = arith.constant 0 : i32
      %dma_wait3A_163 = arith.constant 0 : i32
      %dma_wait3A_164 = tpu.memref_slice %arg6[%select_n3A_78, %dma_wait3A_162, %dma_wait3A_163] : memref<2x16x2048xf32, #tpu.memory_space<vmem>> -> memref<1x16x2048xf32, #tpu.memory_space<vmem>>
      %dma_wait3A_165 = tpu.memref_squeeze %dma_wait3A_164 : memref<1x16x2048xf32, #tpu.memory_space<vmem>> -> memref<16x2048xf32, #tpu.memory_space<vmem>>
      %dma_wait3A_166 = arith.constant 0 : i32
      %dma_wait3A_167 = tpu.memref_slice %arg2[%select_n3A_149, %add3A_152, %dma_wait3A_166] : memref<4x8192x2048xf32, #tpu.memory_space<hbm>> -> memref<1x16x2048xf32, #tpu.memory_space<hbm>>
      %dma_wait3A_168 = tpu.memref_squeeze %dma_wait3A_167 : memref<1x16x2048xf32, #tpu.memory_space<hbm>> -> memref<16x2048xf32, #tpu.memory_space<hbm>>
      tpu.wait_dma2 semaphore(%dma_wait3A_161 : memref<!tpu.dma_semaphore, #tpu.memory_space<semaphore_mem>>) src(%dma_wait3A_168 : memref<16x2048xf32, #tpu.memory_space<hbm>>) dst(%dma_wait3A_165 : memref<16x2048xf32, #tpu.memory_space<vmem>>)
      %eq3A_169 = arith.constant 0 : i32
      %eq3A_170 = arith.cmpi eq, %select_n3A_112, %eq3A_169 : i32
      %convert_element_type3A = arith.extui %eq3A_170 : i1 to i32
      %cond3A = arith.constant 0 : i32
      %cond3A_171 = arith.cmpi ne, %convert_element_type3A, %cond3A : i32
      scf.if %cond3A_171 {
        %jit3A_244 = arith.constant 4 : i32
        %div3A_245 = arith.divsi %scan3A_69, %jit3A_244 : i32
        %sign3A_246 = arith.constant 0 : i32
        %sign3A_247 = arith.cmpi sgt, %scan3A_69, %sign3A_246 : i32
        %sign3A_248 = arith.extui %sign3A_247 : i1 to i32
        %sign3A_249 = arith.constant 0 : i32
        %sign3A_250 = arith.cmpi slt, %scan3A_69, %sign3A_249 : i32
        %sign3A_251 = arith.extui %sign3A_250 : i1 to i32
        %sign3A_252 = arith.subi %sign3A_248, %sign3A_251 : i32
        %sign3A_253 = arith.constant 0 : i32
        %sign3A_254 = arith.cmpi sgt, %jit3A_244, %sign3A_253 : i32
        %sign3A_255 = arith.extui %sign3A_254 : i1 to i32
        %sign3A_256 = arith.constant 0 : i32
        %sign3A_257 = arith.cmpi slt, %jit3A_244, %sign3A_256 : i32
        %sign3A_258 = arith.extui %sign3A_257 : i1 to i32
        %sign3A_259 = arith.subi %sign3A_255, %sign3A_258 : i32
        %ne3A_260 = arith.cmpi ne, %sign3A_252, %sign3A_259 : i32
        %rem3A_261 = arith.remsi %scan3A_69, %jit3A_244 : i32
        %ne3A_262 = arith.constant 0 : i32
        %ne3A_263 = arith.cmpi ne, %rem3A_261, %ne3A_262 : i32
        %and3A_264 = arith.andi %ne3A_260, %ne3A_263 : i1
        %sub3A_265 = arith.constant 1 : i32
        %sub3A_266 = arith.subi %div3A_245, %sub3A_265 : i32
        %select_n3A_267 = arith.select %and3A_264, %sub3A_266, %div3A_245 : i32
        %mul3A_268 = arith.constant 16 : i32
        %mul3A_269 = arith.muli %select_n3A_267, %mul3A_268 : i32
        %add3A_270 = arith.addi %mul3A_2, %mul3A_269 : i32
        "tpu.region"() ({
          %run_scoped3A = tpu.sem_alloc : memref<!tpu.dma_semaphore, #tpu.memory_space<semaphore_mem>>
          %dma_start3A_271 = arith.constant 0 : i32
          %dma_start3A_272 = tpu.memref_slice %arg3[%add3A_270, %dma_start3A_271] : memref<8192x2048xf32, #tpu.memory_space<hbm>> -> memref<16x2048xf32, #tpu.memory_space<hbm>>
          %dma_start3A_273 = arith.constant 0 : i32
          %dma_start3A_274 = tpu.memref_slice %arg3[%add3A_270, %dma_start3A_273] : memref<8192x2048xf32, #tpu.memory_space<hbm>> -> memref<16x2048xf32, #tpu.memory_space<hbm>>
          tpu.enqueue_dma source(%dma_start3A_274 : memref<16x2048xf32, #tpu.memory_space<hbm>>) target(%arg5 : memref<16x2048xf32, #tpu.memory_space<vmem>>) target_semaphore(%run_scoped3A : memref<!tpu.dma_semaphore, #tpu.memory_space<semaphore_mem>>)
          %dma_wait3A_275 = arith.constant 0 : i32
          %dma_wait3A_276 = tpu.memref_slice %arg3[%add3A_270, %dma_wait3A_275] : memref<8192x2048xf32, #tpu.memory_space<hbm>> -> memref<16x2048xf32, #tpu.memory_space<hbm>>
          %dma_wait3A_277 = arith.constant 0 : i32
          %dma_wait3A_278 = tpu.memref_slice %arg3[%add3A_270, %dma_wait3A_277] : memref<8192x2048xf32, #tpu.memory_space<hbm>> -> memref<16x2048xf32, #tpu.memory_space<hbm>>
          tpu.wait_dma2 semaphore(%run_scoped3A : memref<!tpu.dma_semaphore, #tpu.memory_space<semaphore_mem>>) src(%dma_wait3A_278 : memref<16x2048xf32, #tpu.memory_space<hbm>>) dst(%arg5 : memref<16x2048xf32, #tpu.memory_space<vmem>>)
          tpu.yield
        }) : () -> ()
      } else {
      }
      %add3A_172 = arith.constant 1 : i32
      %add3A_173 = arith.addi %scan3A_69, %add3A_172 : i32
      %lt3A_174 = arith.constant 64 : i32
      %lt3A_175 = arith.cmpi slt, %add3A_173, %lt3A_174 : i32
      %convert_element_type3A_176 = arith.extui %lt3A_175 : i1 to i32
      %cond3A_177 = arith.constant 0 : i32
      %cond3A_178 = arith.cmpi ne, %convert_element_type3A_176, %cond3A_177 : i32
      scf.if %cond3A_178 {
        %ge3A = arith.constant 1 : i32
        %ge3A_244 = arith.cmpi sge, %scan3A_69, %ge3A : i32
        %convert_element_type3A_245 = arith.extui %ge3A_244 : i1 to i32
        %cond3A_246 = arith.constant 0 : i32
        %cond3A_247 = arith.cmpi ne, %convert_element_type3A_245, %cond3A_246 : i32
        scf.if %cond3A_247 {
          %sub3A_309 = arith.constant 1 : i32
          %sub3A_310 = arith.subi %scan3A_69, %sub3A_309 : i32
          %jit3A_311 = arith.constant 4 : i32
          %div3A_312 = arith.divsi %sub3A_310, %jit3A_311 : i32
          %sign3A_313 = arith.constant 0 : i32
          %sign3A_314 = arith.cmpi sgt, %sub3A_310, %sign3A_313 : i32
          %sign3A_315 = arith.extui %sign3A_314 : i1 to i32
          %sign3A_316 = arith.constant 0 : i32
          %sign3A_317 = arith.cmpi slt, %sub3A_310, %sign3A_316 : i32
          %sign3A_318 = arith.extui %sign3A_317 : i1 to i32
          %sign3A_319 = arith.subi %sign3A_315, %sign3A_318 : i32
          %sign3A_320 = arith.constant 0 : i32
          %sign3A_321 = arith.cmpi sgt, %jit3A_311, %sign3A_320 : i32
          %sign3A_322 = arith.extui %sign3A_321 : i1 to i32
          %sign3A_323 = arith.constant 0 : i32
          %sign3A_324 = arith.cmpi slt, %jit3A_311, %sign3A_323 : i32
          %sign3A_325 = arith.extui %sign3A_324 : i1 to i32
          %sign3A_326 = arith.subi %sign3A_322, %sign3A_325 : i32
          %ne3A_327 = arith.cmpi ne, %sign3A_319, %sign3A_326 : i32
          %rem3A_328 = arith.remsi %sub3A_310, %jit3A_311 : i32
          %ne3A_329 = arith.constant 0 : i32
          %ne3A_330 = arith.cmpi ne, %rem3A_328, %ne3A_329 : i32
          %and3A_331 = arith.andi %ne3A_327, %ne3A_330 : i1
          %sub3A_332 = arith.constant 1 : i32
          %sub3A_333 = arith.subi %div3A_312, %sub3A_332 : i32
          %select_n3A_334 = arith.select %and3A_331, %sub3A_333, %div3A_312 : i32
          %jit3A_335 = arith.constant 4 : i32
          %eq3A_336 = arith.constant 0 : i32
          %eq3A_337 = arith.cmpi eq, %jit3A_335, %eq3A_336 : i32
          %jit3A_338 = arith.constant 1 : i32
          %select_n3A_339 = arith.select %eq3A_337, %jit3A_338, %jit3A_335 : i32
          %rem3A_340 = arith.remsi %sub3A_310, %select_n3A_339 : i32
          %ne3A_341 = arith.constant 0 : i32
          %ne3A_342 = arith.cmpi ne, %rem3A_340, %ne3A_341 : i32
          %lt3A_343 = arith.constant 0 : i32
          %lt3A_344 = arith.cmpi slt, %rem3A_340, %lt3A_343 : i32
          %lt3A_345 = arith.constant 0 : i32
          %lt3A_346 = arith.cmpi slt, %select_n3A_339, %lt3A_345 : i32
          %ne3A_347 = arith.xori %lt3A_344, %lt3A_346 : i1
          %and3A_348 = arith.andi %ne3A_347, %ne3A_342 : i1
          %add3A_349 = arith.addi %rem3A_340, %select_n3A_339 : i32
          %select_n3A_350 = arith.select %and3A_348, %add3A_349, %rem3A_340 : i32
          %mul3A_351 = arith.constant 16 : i32
          %mul3A_352 = arith.muli %select_n3A_334, %mul3A_351 : i32
          %add3A_353 = arith.addi %mul3A_2, %mul3A_352 : i32
          %dma_wait3A_354 = arith.constant 0 : i32
          %dma_wait3A_355 = arith.constant 0 : i32
          %dma_wait3A_356 = tpu.memref_slice %arg6[%select_n3A_96, %dma_wait3A_354, %dma_wait3A_355] : memref<2x16x2048xf32, #tpu.memory_space<vmem>> -> memref<1x16x2048xf32, #tpu.memory_space<vmem>>
          %dma_wait3A_357 = tpu.memref_squeeze %dma_wait3A_356 : memref<1x16x2048xf32, #tpu.memory_space<vmem>> -> memref<16x2048xf32, #tpu.memory_space<vmem>>
          %dma_wait3A_358 = arith.constant 0 : i32
          %dma_wait3A_359 = tpu.memref_slice %arg4[%select_n3A_350, %add3A_353, %dma_wait3A_358] : memref<4x8192x2048xf32, #tpu.memory_space<hbm>> -> memref<1x16x2048xf32, #tpu.memory_space<hbm>>
          %dma_wait3A_360 = tpu.memref_squeeze %dma_wait3A_359 : memref<1x16x2048xf32, #tpu.memory_space<hbm>> -> memref<16x2048xf32, #tpu.memory_space<hbm>>
          %dma_wait3A_361 = tpu.memref_slice %arg8[%select_n3A_96] : memref<2x!tpu.dma_semaphore, #tpu.memory_space<semaphore_mem>> -> memref<1x!tpu.dma_semaphore, #tpu.memory_space<semaphore_mem>>
          %dma_wait3A_362 = tpu.memref_squeeze %dma_wait3A_361 : memref<1x!tpu.dma_semaphore, #tpu.memory_space<semaphore_mem>> -> memref<!tpu.dma_semaphore, #tpu.memory_space<semaphore_mem>>
          %dma_wait3A_363 = arith.constant 0 : i32
          %dma_wait3A_364 = tpu.memref_slice %arg4[%select_n3A_350, %add3A_353, %dma_wait3A_363] : memref<4x8192x2048xf32, #tpu.memory_space<hbm>> -> memref<1x16x2048xf32, #tpu.memory_space<hbm>>
          %dma_wait3A_365 = tpu.memref_squeeze %dma_wait3A_364 : memref<1x16x2048xf32, #tpu.memory_space<hbm>> -> memref<16x2048xf32, #tpu.memory_space<hbm>>
          %dma_wait3A_366 = arith.constant 0 : i32
          %dma_wait3A_367 = arith.constant 0 : i32
          %dma_wait3A_368 = tpu.memref_slice %arg6[%select_n3A_96, %dma_wait3A_366, %dma_wait3A_367] : memref<2x16x2048xf32, #tpu.memory_space<vmem>> -> memref<1x16x2048xf32, #tpu.memory_space<vmem>>
          %dma_wait3A_369 = tpu.memref_squeeze %dma_wait3A_368 : memref<1x16x2048xf32, #tpu.memory_space<vmem>> -> memref<16x2048xf32, #tpu.memory_space<vmem>>
          tpu.wait_dma2 semaphore(%dma_wait3A_362 : memref<!tpu.dma_semaphore, #tpu.memory_space<semaphore_mem>>) src(%dma_wait3A_369 : memref<16x2048xf32, #tpu.memory_space<vmem>>) dst(%dma_wait3A_365 : memref<16x2048xf32, #tpu.memory_space<hbm>>)
        } else {
        }
        %add3A_248 = arith.constant 1 : i32
        %add3A_249 = arith.addi %scan3A_69, %add3A_248 : i32
        %jit3A_250 = arith.constant 4 : i32
        %div3A_251 = arith.divsi %add3A_249, %jit3A_250 : i32
        %sign3A_252 = arith.constant 0 : i32
        %sign3A_253 = arith.cmpi sgt, %add3A_249, %sign3A_252 : i32
        %sign3A_254 = arith.extui %sign3A_253 : i1 to i32
        %sign3A_255 = arith.constant 0 : i32
        %sign3A_256 = arith.cmpi slt, %add3A_249, %sign3A_255 : i32
        %sign3A_257 = arith.extui %sign3A_256 : i1 to i32
        %sign3A_258 = arith.subi %sign3A_254, %sign3A_257 : i32
        %sign3A_259 = arith.constant 0 : i32
        %sign3A_260 = arith.cmpi sgt, %jit3A_250, %sign3A_259 : i32
        %sign3A_261 = arith.extui %sign3A_260 : i1 to i32
        %sign3A_262 = arith.constant 0 : i32
        %sign3A_263 = arith.cmpi slt, %jit3A_250, %sign3A_262 : i32
        %sign3A_264 = arith.extui %sign3A_263 : i1 to i32
        %sign3A_265 = arith.subi %sign3A_261, %sign3A_264 : i32
        %ne3A_266 = arith.cmpi ne, %sign3A_258, %sign3A_265 : i32
        %rem3A_267 = arith.remsi %add3A_249, %jit3A_250 : i32
        %ne3A_268 = arith.constant 0 : i32
        %ne3A_269 = arith.cmpi ne, %rem3A_267, %ne3A_268 : i32
        %and3A_270 = arith.andi %ne3A_266, %ne3A_269 : i1
        %sub3A_271 = arith.constant 1 : i32
        %sub3A_272 = arith.subi %div3A_251, %sub3A_271 : i32
        %select_n3A_273 = arith.select %and3A_270, %sub3A_272, %div3A_251 : i32
        %jit3A_274 = arith.constant 4 : i32
        %eq3A_275 = arith.constant 0 : i32
        %eq3A_276 = arith.cmpi eq, %jit3A_274, %eq3A_275 : i32
        %jit3A_277 = arith.constant 1 : i32
        %select_n3A_278 = arith.select %eq3A_276, %jit3A_277, %jit3A_274 : i32
        %rem3A_279 = arith.remsi %add3A_249, %select_n3A_278 : i32
        %ne3A_280 = arith.constant 0 : i32
        %ne3A_281 = arith.cmpi ne, %rem3A_279, %ne3A_280 : i32
        %lt3A_282 = arith.constant 0 : i32
        %lt3A_283 = arith.cmpi slt, %rem3A_279, %lt3A_282 : i32
        %lt3A_284 = arith.constant 0 : i32
        %lt3A_285 = arith.cmpi slt, %select_n3A_278, %lt3A_284 : i32
        %ne3A_286 = arith.xori %lt3A_283, %lt3A_285 : i1
        %and3A_287 = arith.andi %ne3A_286, %ne3A_281 : i1
        %add3A_288 = arith.addi %rem3A_279, %select_n3A_278 : i32
        %select_n3A_289 = arith.select %and3A_287, %add3A_288, %rem3A_279 : i32
        %mul3A_290 = arith.constant 16 : i32
        %mul3A_291 = arith.muli %select_n3A_273, %mul3A_290 : i32
        %add3A_292 = arith.addi %mul3A_2, %mul3A_291 : i32
        %dma_start3A_293 = arith.constant 0 : i32
        %dma_start3A_294 = arith.constant 0 : i32
        %dma_start3A_295 = tpu.memref_slice %arg6[%select_n3A_96, %dma_start3A_293, %dma_start3A_294] : memref<2x16x2048xf32, #tpu.memory_space<vmem>> -> memref<1x16x2048xf32, #tpu.memory_space<vmem>>
        %dma_start3A_296 = tpu.memref_squeeze %dma_start3A_295 : memref<1x16x2048xf32, #tpu.memory_space<vmem>> -> memref<16x2048xf32, #tpu.memory_space<vmem>>
        %dma_start3A_297 = arith.constant 0 : i32
        %dma_start3A_298 = tpu.memref_slice %arg2[%select_n3A_289, %add3A_292, %dma_start3A_297] : memref<4x8192x2048xf32, #tpu.memory_space<hbm>> -> memref<1x16x2048xf32, #tpu.memory_space<hbm>>
        %dma_start3A_299 = tpu.memref_squeeze %dma_start3A_298 : memref<1x16x2048xf32, #tpu.memory_space<hbm>> -> memref<16x2048xf32, #tpu.memory_space<hbm>>
        %dma_start3A_300 = tpu.memref_slice %arg7[%select_n3A_96] : memref<2x!tpu.dma_semaphore, #tpu.memory_space<semaphore_mem>> -> memref<1x!tpu.dma_semaphore, #tpu.memory_space<semaphore_mem>>
        %dma_start3A_301 = tpu.memref_squeeze %dma_start3A_300 : memref<1x!tpu.dma_semaphore, #tpu.memory_space<semaphore_mem>> -> memref<!tpu.dma_semaphore, #tpu.memory_space<semaphore_mem>>
        %dma_start3A_302 = arith.constant 0 : i32
        %dma_start3A_303 = arith.constant 0 : i32
        %dma_start3A_304 = tpu.memref_slice %arg6[%select_n3A_96, %dma_start3A_302, %dma_start3A_303] : memref<2x16x2048xf32, #tpu.memory_space<vmem>> -> memref<1x16x2048xf32, #tpu.memory_space<vmem>>
        %dma_start3A_305 = tpu.memref_squeeze %dma_start3A_304 : memref<1x16x2048xf32, #tpu.memory_space<vmem>> -> memref<16x2048xf32, #tpu.memory_space<vmem>>
        %dma_start3A_306 = arith.constant 0 : i32
        %dma_start3A_307 = tpu.memref_slice %arg2[%select_n3A_289, %add3A_292, %dma_start3A_306] : memref<4x8192x2048xf32, #tpu.memory_space<hbm>> -> memref<1x16x2048xf32, #tpu.memory_space<hbm>>
        %dma_start3A_308 = tpu.memref_squeeze %dma_start3A_307 : memref<1x16x2048xf32, #tpu.memory_space<hbm>> -> memref<16x2048xf32, #tpu.memory_space<hbm>>
        tpu.enqueue_dma source(%dma_start3A_308 : memref<16x2048xf32, #tpu.memory_space<hbm>>) target(%dma_start3A_305 : memref<16x2048xf32, #tpu.memory_space<vmem>>) target_semaphore(%dma_start3A_301 : memref<!tpu.dma_semaphore, #tpu.memory_space<semaphore_mem>>)
      } else {
      }
      %scan3A_179 = arith.constant 0 : i32
      %scan3A_180 = arith.constant 0 : i32
      %scan3A_181 = arith.constant 16 : i32
      %scan3A_182 = arith.addi %scan3A_180, %scan3A_181 : i32
      %scan3A_183 = arith.constant 1 : i32
      scf.for %scan3A_244 = %scan3A_180 to %scan3A_182 step %scan3A_183  : i32 {
        %get3A = arith.index_cast %scan3A_244 : i32 to index
        %get3A_245 = arith.constant 0 : index
        %get3A_246 = tpu.vector_load %arg5[%get3A, %get3A_245] {strides = array<i32>} : memref<16x2048xf32, #tpu.memory_space<vmem>>, vector<1x16xf32>,
        %get3A_247 = vector.shape_cast %get3A_246 : vector<1x16xf32> to vector<16xf32>
        %swap3A = arith.index_cast %select_n3A_78 : i32 to index
        %swap3A_248 = arith.index_cast %scan3A_244 : i32 to index
        %swap3A_249 = arith.constant 0 : index
        %swap3A_250 = tpu.vector_load %arg6[%swap3A, %swap3A_248, %swap3A_249] {strides = array<i32>} : memref<2x16x2048xf32, #tpu.memory_space<vmem>>, vector<1x1x16xf32>,
        %swap3A_251 = vector.shape_cast %swap3A_250 : vector<1x1x16xf32> to vector<16xf32>
        %swap3A_252 = vector.shape_cast %get3A_247 : vector<16xf32> to vector<1x1x16xf32>
        tpu.vector_store %arg6[%swap3A, %swap3A_248, %swap3A_249], %swap3A_252 {add = true, strides = array<i32>} : memref<2x16x2048xf32, #tpu.memory_space<vmem>>, vector<1x1x16xf32>,
        %get3A_253 = arith.index_cast %scan3A_244 : i32 to index
        %get3A_254 = arith.constant 16 : index
        %get3A_255 = tpu.vector_load %arg5[%get3A_253, %get3A_254] {strides = array<i32>} : memref<16x2048xf32, #tpu.memory_space<vmem>>, vector<1x16xf32>,
        %get3A_256 = vector.shape_cast %get3A_255 : vector<1x16xf32> to vector<16xf32>
        %swap3A_257 = arith.index_cast %select_n3A_78 : i32 to index
        %swap3A_258 = arith.index_cast %scan3A_244 : i32 to index
        %swap3A_259 = arith.constant 16 : index
        %swap3A_260 = tpu.vector_load %arg6[%swap3A_257, %swap3A_258, %swap3A_259] {strides = array<i32>} : memref<2x16x2048xf32, #tpu.memory_space<vmem>>, vector<1x1x16xf32>,
        %swap3A_261 = vector.shape_cast %swap3A_260 : vector<1x1x16xf32> to vector<16xf32>
        %swap3A_262 = vector.shape_cast %get3A_256 : vector<16xf32> to vector<1x1x16xf32>
        tpu.vector_store %arg6[%swap3A_257, %swap3A_258, %swap3A_259], %swap3A_262 {add = true, strides = array<i32>} : memref<2x16x2048xf32, #tpu.memory_space<vmem>>, vector<1x1x16xf32>,
        %get3A_263 = arith.index_cast %scan3A_244 : i32 to index
        %get3A_264 = arith.constant 32 : index
        %get3A_265 = tpu.vector_load %arg5[%get3A_263, %get3A_264] {strides = array<i32>} : memref<16x2048xf32, #tpu.memory_space<vmem>>, vector<1x16xf32>,
        %get3A_266 = vector.shape_cast %get3A_265 : vector<1x16xf32> to vector<16xf32>
        %swap3A_267 = arith.index_cast %select_n3A_78 : i32 to index
        %swap3A_268 = arith.index_cast %scan3A_244 : i32 to index
        %swap3A_269 = arith.constant 32 : index
        %swap3A_270 = tpu.vector_load %arg6[%swap3A_267, %swap3A_268, %swap3A_269] {strides = array<i32>} : memref<2x16x2048xf32, #tpu.memory_space<vmem>>, vector<1x1x16xf32>,
        %swap3A_271 = vector.shape_cast %swap3A_270 : vector<1x1x16xf32> to vector<16xf32>
        %swap3A_272 = vector.shape_cast %get3A_266 : vector<16xf32> to vector<1x1x16xf32>
        tpu.vector_store %arg6[%swap3A_267, %swap3A_268, %swap3A_269], %swap3A_272 {add = true, strides = array<i32>} : memref<2x16x2048xf32, #tpu.memory_space<vmem>>, vector<1x1x16xf32>,
        %get3A_273 = arith.index_cast %scan3A_244 : i32 to index
        %get3A_274 = arith.constant 48 : index
        %get3A_275 = tpu.vector_load %arg5[%get3A_273, %get3A_274] {strides = array<i32>} : memref<16x2048xf32, #tpu.memory_space<vmem>>, vector<1x16xf32>,
        %get3A_276 = vector.shape_cast %get3A_275 : vector<1x16xf32> to vector<16xf32>
        %swap3A_277 = arith.index_cast %select_n3A_78 : i32 to index
        %swap3A_278 = arith.index_cast %scan3A_244 : i32 to index
        %swap3A_279 = arith.constant 48 : index
        %swap3A_280 = tpu.vector_load %arg6[%swap3A_277, %swap3A_278, %swap3A_279] {strides = array<i32>} : memref<2x16x2048xf32, #tpu.memory_space<vmem>>, vector<1x1x16xf32>,
        %swap3A_281 = vector.shape_cast %swap3A_280 : vector<1x1x16xf32> to vector<16xf32>
        %swap3A_282 = vector.shape_cast %get3A_276 : vector<16xf32> to vector<1x1x16xf32>
        tpu.vector_store %arg6[%swap3A_277, %swap3A_278, %swap3A_279], %swap3A_282 {add = true, strides = array<i32>} : memref<2x16x2048xf32, #tpu.memory_space<vmem>>, vector<1x1x16xf32>,
        %get3A_283 = arith.index_cast %scan3A_244 : i32 to index
        %get3A_284 = arith.constant 64 : index
        %get3A_285 = tpu.vector_load %arg5[%get3A_283, %get3A_284] {strides = array<i32>} : memref<16x2048xf32, #tpu.memory_space<vmem>>, vector<1x16xf32>,
        %get3A_286 = vector.shape_cast %get3A_285 : vector<1x16xf32> to vector<16xf32>
        %swap3A_287 = arith.index_cast %select_n3A_78 : i32 to index
        %swap3A_288 = arith.index_cast %scan3A_244 : i32 to index
        %swap3A_289 = arith.constant 64 : index
        %swap3A_290 = tpu.vector_load %arg6[%swap3A_287, %swap3A_288, %swap3A_289] {strides = array<i32>} : memref<2x16x2048xf32, #tpu.memory_space<vmem>>, vector<1x1x16xf32>,
        %swap3A_291 = vector.shape_cast %swap3A_290 : vector<1x1x16xf32> to vector<16xf32>
        %swap3A_292 = vector.shape_cast %get3A_286 : vector<16xf32> to vector<1x1x16xf32>
        tpu.vector_store %arg6[%swap3A_287, %swap3A_288, %swap3A_289], %swap3A_292 {add = true, strides = array<i32>} : memref<2x16x2048xf32, #tpu.memory_space<vmem>>, vector<1x1x16xf32>,
        %get3A_293 = arith.index_cast %scan3A_244 : i32 to index
        %get3A_294 = arith.constant 80 : index
        %get3A_295 = tpu.vector_load %arg5[%get3A_293, %get3A_294] {strides = array<i32>} : memref<16x2048xf32, #tpu.memory_space<vmem>>, vector<1x16xf32>,
        %get3A_296 = vector.shape_cast %get3A_295 : vector<1x16xf32> to vector<16xf32>
        %swap3A_297 = arith.index_cast %select_n3A_78 : i32 to index
        %swap3A_298 = arith.index_cast %scan3A_244 : i32 to index
        %swap3A_299 = arith.constant 80 : index
        %swap3A_300 = tpu.vector_load %arg6[%swap3A_297, %swap3A_298, %swap3A_299] {strides = array<i32>} : memref<2x16x2048xf32, #tpu.memory_space<vmem>>, vector<1x1x16xf32>,
        %swap3A_301 = vector.shape_cast %swap3A_300 : vector<1x1x16xf32> to vector<16xf32>
        %swap3A_302 = vector.shape_cast %get3A_296 : vector<16xf32> to vector<1x1x16xf32>
        tpu.vector_store %arg6[%swap3A_297, %swap3A_298, %swap3A_299], %swap3A_302 {add = true, strides = array<i32>} : memref<2x16x2048xf32, #tpu.memory_space<vmem>>, vector<1x1x16xf32>,
        %get3A_303 = arith.index_cast %scan3A_244 : i32 to index
        %get3A_304 = arith.constant 96 : index
        %get3A_305 = tpu.vector_load %arg5[%get3A_303, %get3A_304] {strides = array<i32>} : memref<16x2048xf32, #tpu.memory_space<vmem>>, vector<1x16xf32>,
        %get3A_306 = vector.shape_cast %get3A_305 : vector<1x16xf32> to vector<16xf32>
        %swap3A_307 = arith.index_cast %select_n3A_78 : i32 to index
        %swap3A_308 = arith.index_cast %scan3A_244 : i32 to index
        %swap3A_309 = arith.constant 96 : index
        %swap3A_310 = tpu.vector_load %arg6[%swap3A_307, %swap3A_308, %swap3A_309] {strides = array<i32>} : memref<2x16x2048xf32, #tpu.memory_space<vmem>>, vector<1x1x16xf32>,
        %swap3A_311 = vector.shape_cast %swap3A_310 : vector<1x1x16xf32> to vector<16xf32>
        %swap3A_312 = vector.shape_cast %get3A_306 : vector<16xf32> to vector<1x1x16xf32>
        tpu.vector_store %arg6[%swap3A_307, %swap3A_308, %swap3A_309], %swap3A_312 {add = true, strides = array<i32>} : memref<2x16x2048xf32, #tpu.memory_space<vmem>>, vector<1x1x16xf32>,
        %get3A_313 = arith.index_cast %scan3A_244 : i32 to index
        %get3A_314 = arith.constant 112 : index
        %get3A_315 = tpu.vector_load %arg5[%get3A_313, %get3A_314] {strides = array<i32>} : memref<16x2048xf32, #tpu.memory_space<vmem>>, vector<1x16xf32>,
        %get3A_316 = vector.shape_cast %get3A_315 : vector<1x16xf32> to vector<16xf32>
        %swap3A_317 = arith.index_cast %select_n3A_78 : i32 to index
        %swap3A_318 = arith.index_cast %scan3A_244 : i32 to index
        %swap3A_319 = arith.constant 112 : index
        %swap3A_320 = tpu.vector_load %arg6[%swap3A_317, %swap3A_318, %swap3A_319] {strides = array<i32>} : memref<2x16x2048xf32, #tpu.memory_space<vmem>>, vector<1x1x16xf32>,
        %swap3A_321 = vector.shape_cast %swap3A_320 : vector<1x1x16xf32> to vector<16xf32>
        %swap3A_322 = vector.shape_cast %get3A_316 : vector<16xf32> to vector<1x1x16xf32>
        tpu.vector_store %arg6[%swap3A_317, %swap3A_318, %swap3A_319], %swap3A_322 {add = true, strides = array<i32>} : memref<2x16x2048xf32, #tpu.memory_space<vmem>>, vector<1x1x16xf32>,
        %get3A_323 = arith.index_cast %scan3A_244 : i32 to index
        %get3A_324 = arith.constant 128 : index
        %get3A_325 = tpu.vector_load %arg5[%get3A_323, %get3A_324] {strides = array<i32>} : memref<16x2048xf32, #tpu.memory_space<vmem>>, vector<1x16xf32>,
        %get3A_326 = vector.shape_cast %get3A_325 : vector<1x16xf32> to vector<16xf32>
        %swap3A_327 = arith.index_cast %select_n3A_78 : i32 to index
        %swap3A_328 = arith.index_cast %scan3A_244 : i32 to index
        %swap3A_329 = arith.constant 128 : index
        %swap3A_330 = tpu.vector_load %arg6[%swap3A_327, %swap3A_328, %swap3A_329] {strides = array<i32>} : memref<2x16x2048xf32, #tpu.memory_space<vmem>>, vector<1x1x16xf32>,
        %swap3A_331 = vector.shape_cast %swap3A_330 : vector<1x1x16xf32> to vector<16xf32>
        %swap3A_332 = vector.shape_cast %get3A_326 : vector<16xf32> to vector<1x1x16xf32>
        tpu.vector_store %arg6[%swap3A_327, %swap3A_328, %swap3A_329], %swap3A_332 {add = true, strides = array<i32>} : memref<2x16x2048xf32, #tpu.memory_space<vmem>>, vector<1x1x16xf32>,
        %get3A_333 = arith.index_cast %scan3A_244 : i32 to index
        %get3A_334 = arith.constant 144 : index
        %get3A_335 = tpu.vector_load %arg5[%get3A_333, %get3A_334] {strides = array<i32>} : memref<16x2048xf32, #tpu.memory_space<vmem>>, vector<1x16xf32>,
        %get3A_336 = vector.shape_cast %get3A_335 : vector<1x16xf32> to vector<16xf32>
        %swap3A_337 = arith.index_cast %select_n3A_78 : i32 to index
        %swap3A_338 = arith.index_cast %scan3A_244 : i32 to index
        %swap3A_339 = arith.constant 144 : index
        %swap3A_340 = tpu.vector_load %arg6[%swap3A_337, %swap3A_338, %swap3A_339] {strides = array<i32>} : memref<2x16x2048xf32, #tpu.memory_space<vmem>>, vector<1x1x16xf32>,
        %swap3A_341 = vector.shape_cast %swap3A_340 : vector<1x1x16xf32> to vector<16xf32>
        %swap3A_342 = vector.shape_cast %get3A_336 : vector<16xf32> to vector<1x1x16xf32>
        tpu.vector_store %arg6[%swap3A_337, %swap3A_338, %swap3A_339], %swap3A_342 {add = true, strides = array<i32>} : memref<2x16x2048xf32, #tpu.memory_space<vmem>>, vector<1x1x16xf32>,
        %get3A_343 = arith.index_cast %scan3A_244 : i32 to index
        %get3A_344 = arith.constant 160 : index
        %get3A_345 = tpu.vector_load %arg5[%get3A_343, %get3A_344] {strides = array<i32>} : memref<16x2048xf32, #tpu.memory_space<vmem>>, vector<1x16xf32>,
        %get3A_346 = vector.shape_cast %get3A_345 : vector<1x16xf32> to vector<16xf32>
        %swap3A_347 = arith.index_cast %select_n3A_78 : i32 to index
        %swap3A_348 = arith.index_cast %scan3A_244 : i32 to index
        %swap3A_349 = arith.constant 160 : index
        %swap3A_350 = tpu.vector_load %arg6[%swap3A_347, %swap3A_348, %swap3A_349] {strides = array<i32>} : memref<2x16x2048xf32, #tpu.memory_space<vmem>>, vector<1x1x16xf32>,
        %swap3A_351 = vector.shape_cast %swap3A_350 : vector<1x1x16xf32> to vector<16xf32>
        %swap3A_352 = vector.shape_cast %get3A_346 : vector<16xf32> to vector<1x1x16xf32>
        tpu.vector_store %arg6[%swap3A_347, %swap3A_348, %swap3A_349], %swap3A_352 {add = true, strides = array<i32>} : memref<2x16x2048xf32, #tpu.memory_space<vmem>>, vector<1x1x16xf32>,
        %get3A_353 = arith.index_cast %scan3A_244 : i32 to index
        %get3A_354 = arith.constant 176 : index
        %get3A_355 = tpu.vector_load %arg5[%get3A_353, %get3A_354] {strides = array<i32>} : memref<16x2048xf32, #tpu.memory_space<vmem>>, vector<1x16xf32>,
        %get3A_356 = vector.shape_cast %get3A_355 : vector<1x16xf32> to vector<16xf32>
        %swap3A_357 = arith.index_cast %select_n3A_78 : i32 to index
        %swap3A_358 = arith.index_cast %scan3A_244 : i32 to index
        %swap3A_359 = arith.constant 176 : index
        %swap3A_360 = tpu.vector_load %arg6[%swap3A_357, %swap3A_358, %swap3A_359] {strides = array<i32>} : memref<2x16x2048xf32, #tpu.memory_space<vmem>>, vector<1x1x16xf32>,
        %swap3A_361 = vector.shape_cast %swap3A_360 : vector<1x1x16xf32> to vector<16xf32>
        %swap3A_362 = vector.shape_cast %get3A_356 : vector<16xf32> to vector<1x1x16xf32>
        tpu.vector_store %arg6[%swap3A_357, %swap3A_358, %swap3A_359], %swap3A_362 {add = true, strides = array<i32>} : memref<2x16x2048xf32, #tpu.memory_space<vmem>>, vector<1x1x16xf32>,
        %get3A_363 = arith.index_cast %scan3A_244 : i32 to index
        %get3A_364 = arith.constant 192 : index
        %get3A_365 = tpu.vector_load %arg5[%get3A_363, %get3A_364] {strides = array<i32>} : memref<16x2048xf32, #tpu.memory_space<vmem>>, vector<1x16xf32>,
        %get3A_366 = vector.shape_cast %get3A_365 : vector<1x16xf32> to vector<16xf32>
        %swap3A_367 = arith.index_cast %select_n3A_78 : i32 to index
        %swap3A_368 = arith.index_cast %scan3A_244 : i32 to index
        %swap3A_369 = arith.constant 192 : index
        %swap3A_370 = tpu.vector_load %arg6[%swap3A_367, %swap3A_368, %swap3A_369] {strides = array<i32>} : memref<2x16x2048xf32, #tpu.memory_space<vmem>>, vector<1x1x16xf32>,
        %swap3A_371 = vector.shape_cast %swap3A_370 : vector<1x1x16xf32> to vector<16xf32>
        %swap3A_372 = vector.shape_cast %get3A_366 : vector<16xf32> to vector<1x1x16xf32>
        tpu.vector_store %arg6[%swap3A_367, %swap3A_368, %swap3A_369], %swap3A_372 {add = true, strides = array<i32>} : memref<2x16x2048xf32, #tpu.memory_space<vmem>>, vector<1x1x16xf32>,
        %get3A_373 = arith.index_cast %scan3A_244 : i32 to index
        %get3A_374 = arith.constant 208 : index
        %get3A_375 = tpu.vector_load %arg5[%get3A_373, %get3A_374] {strides = array<i32>} : memref<16x2048xf32, #tpu.memory_space<vmem>>, vector<1x16xf32>,
        %get3A_376 = vector.shape_cast %get3A_375 : vector<1x16xf32> to vector<16xf32>
        %swap3A_377 = arith.index_cast %select_n3A_78 : i32 to index
        %swap3A_378 = arith.index_cast %scan3A_244 : i32 to index
        %swap3A_379 = arith.constant 208 : index
        %swap3A_380 = tpu.vector_load %arg6[%swap3A_377, %swap3A_378, %swap3A_379] {strides = array<i32>} : memref<2x16x2048xf32, #tpu.memory_space<vmem>>, vector<1x1x16xf32>,
        %swap3A_381 = vector.shape_cast %swap3A_380 : vector<1x1x16xf32> to vector<16xf32>
        %swap3A_382 = vector.shape_cast %get3A_376 : vector<16xf32> to vector<1x1x16xf32>
        tpu.vector_store %arg6[%swap3A_377, %swap3A_378, %swap3A_379], %swap3A_382 {add = true, strides = array<i32>} : memref<2x16x2048xf32, #tpu.memory_space<vmem>>, vector<1x1x16xf32>,
        %get3A_383 = arith.index_cast %scan3A_244 : i32 to index
        %get3A_384 = arith.constant 224 : index
        %get3A_385 = tpu.vector_load %arg5[%get3A_383, %get3A_384] {strides = array<i32>} : memref<16x2048xf32, #tpu.memory_space<vmem>>, vector<1x16xf32>,
        %get3A_386 = vector.shape_cast %get3A_385 : vector<1x16xf32> to vector<16xf32>
        %swap3A_387 = arith.index_cast %select_n3A_78 : i32 to index
        %swap3A_388 = arith.index_cast %scan3A_244 : i32 to index
        %swap3A_389 = arith.constant 224 : index
        %swap3A_390 = tpu.vector_load %arg6[%swap3A_387, %swap3A_388, %swap3A_389] {strides = array<i32>} : memref<2x16x2048xf32, #tpu.memory_space<vmem>>, vector<1x1x16xf32>,
        %swap3A_391 = vector.shape_cast %swap3A_390 : vector<1x1x16xf32> to vector<16xf32>
        %swap3A_392 = vector.shape_cast %get3A_386 : vector<16xf32> to vector<1x1x16xf32>
        tpu.vector_store %arg6[%swap3A_387, %swap3A_388, %swap3A_389], %swap3A_392 {add = true, strides = array<i32>} : memref<2x16x2048xf32, #tpu.memory_space<vmem>>, vector<1x1x16xf32>,
        %get3A_393 = arith.index_cast %scan3A_244 : i32 to index
        %get3A_394 = arith.constant 240 : index
        %get3A_395 = tpu.vector_load %arg5[%get3A_393, %get3A_394] {strides = array<i32>} : memref<16x2048xf32, #tpu.memory_space<vmem>>, vector<1x16xf32>,
        %get3A_396 = vector.shape_cast %get3A_395 : vector<1x16xf32> to vector<16xf32>
        %swap3A_397 = arith.index_cast %select_n3A_78 : i32 to index
        %swap3A_398 = arith.index_cast %scan3A_244 : i32 to index
        %swap3A_399 = arith.constant 240 : index
        %swap3A_400 = tpu.vector_load %arg6[%swap3A_397, %swap3A_398, %swap3A_399] {strides = array<i32>} : memref<2x16x2048xf32, #tpu.memory_space<vmem>>, vector<1x1x16xf32>,
        %swap3A_401 = vector.shape_cast %swap3A_400 : vector<1x1x16xf32> to vector<16xf32>
        %swap3A_402 = vector.shape_cast %get3A_396 : vector<16xf32> to vector<1x1x16xf32>
        tpu.vector_store %arg6[%swap3A_397, %swap3A_398, %swap3A_399], %swap3A_402 {add = true, strides = array<i32>} : memref<2x16x2048xf32, #tpu.memory_space<vmem>>, vector<1x1x16xf32>,
        %get3A_403 = arith.index_cast %scan3A_244 : i32 to index
        %get3A_404 = arith.constant 256 : index
        %get3A_405 = tpu.vector_load %arg5[%get3A_403, %get3A_404] {strides = array<i32>} : memref<16x2048xf32, #tpu.memory_space<vmem>>, vector<1x16xf32>,
        %get3A_406 = vector.shape_cast %get3A_405 : vector<1x16xf32> to vector<16xf32>
        %swap3A_407 = arith.index_cast %select_n3A_78 : i32 to index
        %swap3A_408 = arith.index_cast %scan3A_244 : i32 to index
        %swap3A_409 = arith.constant 256 : index
        %swap3A_410 = tpu.vector_load %arg6[%swap3A_407, %swap3A_408, %swap3A_409] {strides = array<i32>} : memref<2x16x2048xf32, #tpu.memory_space<vmem>>, vector<1x1x16xf32>,
        %swap3A_411 = vector.shape_cast %swap3A_410 : vector<1x1x16xf32> to vector<16xf32>
        %swap3A_412 = vector.shape_cast %get3A_406 : vector<16xf32> to vector<1x1x16xf32>
        tpu.vector_store %arg6[%swap3A_407, %swap3A_408, %swap3A_409], %swap3A_412 {add = true, strides = array<i32>} : memref<2x16x2048xf32, #tpu.memory_space<vmem>>, vector<1x1x16xf32>,
        %get3A_413 = arith.index_cast %scan3A_244 : i32 to index
        %get3A_414 = arith.constant 272 : index
        %get3A_415 = tpu.vector_load %arg5[%get3A_413, %get3A_414] {strides = array<i32>} : memref<16x2048xf32, #tpu.memory_space<vmem>>, vector<1x16xf32>,
        %get3A_416 = vector.shape_cast %get3A_415 : vector<1x16xf32> to vector<16xf32>
        %swap3A_417 = arith.index_cast %select_n3A_78 : i32 to index
        %swap3A_418 = arith.index_cast %scan3A_244 : i32 to index
        %swap3A_419 = arith.constant 272 : index
        %swap3A_420 = tpu.vector_load %arg6[%swap3A_417, %swap3A_418, %swap3A_419] {strides = array<i32>} : memref<2x16x2048xf32, #tpu.memory_space<vmem>>, vector<1x1x16xf32>,
        %swap3A_421 = vector.shape_cast %swap3A_420 : vector<1x1x16xf32> to vector<16xf32>
        %swap3A_422 = vector.shape_cast %get3A_416 : vector<16xf32> to vector<1x1x16xf32>
        tpu.vector_store %arg6[%swap3A_417, %swap3A_418, %swap3A_419], %swap3A_422 {add = true, strides = array<i32>} : memref<2x16x2048xf32, #tpu.memory_space<vmem>>, vector<1x1x16xf32>,
        %get3A_423 = arith.index_cast %scan3A_244 : i32 to index
        %get3A_424 = arith.constant 288 : index
        %get3A_425 = tpu.vector_load %arg5[%get3A_423, %get3A_424] {strides = array<i32>} : memref<16x2048xf32, #tpu.memory_space<vmem>>, vector<1x16xf32>,
        %get3A_426 = vector.shape_cast %get3A_425 : vector<1x16xf32> to vector<16xf32>
        %swap3A_427 = arith.index_cast %select_n3A_78 : i32 to index
        %swap3A_428 = arith.index_cast %scan3A_244 : i32 to index
        %swap3A_429 = arith.constant 288 : index
        %swap3A_430 = tpu.vector_load %arg6[%swap3A_427, %swap3A_428, %swap3A_429] {strides = array<i32>} : memref<2x16x2048xf32, #tpu.memory_space<vmem>>, vector<1x1x16xf32>,
        %swap3A_431 = vector.shape_cast %swap3A_430 : vector<1x1x16xf32> to vector<16xf32>
        %swap3A_432 = vector.shape_cast %get3A_426 : vector<16xf32> to vector<1x1x16xf32>
        tpu.vector_store %arg6[%swap3A_427, %swap3A_428, %swap3A_429], %swap3A_432 {add = true, strides = array<i32>} : memref<2x16x2048xf32, #tpu.memory_space<vmem>>, vector<1x1x16xf32>,
        %get3A_433 = arith.index_cast %scan3A_244 : i32 to index
        %get3A_434 = arith.constant 304 : index
        %get3A_435 = tpu.vector_load %arg5[%get3A_433, %get3A_434] {strides = array<i32>} : memref<16x2048xf32, #tpu.memory_space<vmem>>, vector<1x16xf32>,
        %get3A_436 = vector.shape_cast %get3A_435 : vector<1x16xf32> to vector<16xf32>
        %swap3A_437 = arith.index_cast %select_n3A_78 : i32 to index
        %swap3A_438 = arith.index_cast %scan3A_244 : i32 to index
        %swap3A_439 = arith.constant 304 : index
        %swap3A_440 = tpu.vector_load %arg6[%swap3A_437, %swap3A_438, %swap3A_439] {strides = array<i32>} : memref<2x16x2048xf32, #tpu.memory_space<vmem>>, vector<1x1x16xf32>,
        %swap3A_441 = vector.shape_cast %swap3A_440 : vector<1x1x16xf32> to vector<16xf32>
        %swap3A_442 = vector.shape_cast %get3A_436 : vector<16xf32> to vector<1x1x16xf32>
        tpu.vector_store %arg6[%swap3A_437, %swap3A_438, %swap3A_439], %swap3A_442 {add = true, strides = array<i32>} : memref<2x16x2048xf32, #tpu.memory_space<vmem>>, vector<1x1x16xf32>,
        %get3A_443 = arith.index_cast %scan3A_244 : i32 to index
        %get3A_444 = arith.constant 320 : index
        %get3A_445 = tpu.vector_load %arg5[%get3A_443, %get3A_444] {strides = array<i32>} : memref<16x2048xf32, #tpu.memory_space<vmem>>, vector<1x16xf32>,
        %get3A_446 = vector.shape_cast %get3A_445 : vector<1x16xf32> to vector<16xf32>
        %swap3A_447 = arith.index_cast %select_n3A_78 : i32 to index
        %swap3A_448 = arith.index_cast %scan3A_244 : i32 to index
        %swap3A_449 = arith.constant 320 : index
        %swap3A_450 = tpu.vector_load %arg6[%swap3A_447, %swap3A_448, %swap3A_449] {strides = array<i32>} : memref<2x16x2048xf32, #tpu.memory_space<vmem>>, vector<1x1x16xf32>,
        %swap3A_451 = vector.shape_cast %swap3A_450 : vector<1x1x16xf32> to vector<16xf32>
        %swap3A_452 = vector.shape_cast %get3A_446 : vector<16xf32> to vector<1x1x16xf32>
        tpu.vector_store %arg6[%swap3A_447, %swap3A_448, %swap3A_449], %swap3A_452 {add = true, strides = array<i32>} : memref<2x16x2048xf32, #tpu.memory_space<vmem>>, vector<1x1x16xf32>,
        %get3A_453 = arith.index_cast %scan3A_244 : i32 to index
        %get3A_454 = arith.constant 336 : index
        %get3A_455 = tpu.vector_load %arg5[%get3A_453, %get3A_454] {strides = array<i32>} : memref<16x2048xf32, #tpu.memory_space<vmem>>, vector<1x16xf32>,
        %get3A_456 = vector.shape_cast %get3A_455 : vector<1x16xf32> to vector<16xf32>
        %swap3A_457 = arith.index_cast %select_n3A_78 : i32 to index
        %swap3A_458 = arith.index_cast %scan3A_244 : i32 to index
        %swap3A_459 = arith.constant 336 : index
        %swap3A_460 = tpu.vector_load %arg6[%swap3A_457, %swap3A_458, %swap3A_459] {strides = array<i32>} : memref<2x16x2048xf32, #tpu.memory_space<vmem>>, vector<1x1x16xf32>,
        %swap3A_461 = vector.shape_cast %swap3A_460 : vector<1x1x16xf32> to vector<16xf32>
        %swap3A_462 = vector.shape_cast %get3A_456 : vector<16xf32> to vector<1x1x16xf32>
        tpu.vector_store %arg6[%swap3A_457, %swap3A_458, %swap3A_459], %swap3A_462 {add = true, strides = array<i32>} : memref<2x16x2048xf32, #tpu.memory_space<vmem>>, vector<1x1x16xf32>,
        %get3A_463 = arith.index_cast %scan3A_244 : i32 to index
        %get3A_464 = arith.constant 352 : index
        %get3A_465 = tpu.vector_load %arg5[%get3A_463, %get3A_464] {strides = array<i32>} : memref<16x2048xf32, #tpu.memory_space<vmem>>, vector<1x16xf32>,
        %get3A_466 = vector.shape_cast %get3A_465 : vector<1x16xf32> to vector<16xf32>
        %swap3A_467 = arith.index_cast %select_n3A_78 : i32 to index
        %swap3A_468 = arith.index_cast %scan3A_244 : i32 to index
        %swap3A_469 = arith.constant 352 : index
        %swap3A_470 = tpu.vector_load %arg6[%swap3A_467, %swap3A_468, %swap3A_469] {strides = array<i32>} : memref<2x16x2048xf32, #tpu.memory_space<vmem>>, vector<1x1x16xf32>,
        %swap3A_471 = vector.shape_cast %swap3A_470 : vector<1x1x16xf32> to vector<16xf32>
        %swap3A_472 = vector.shape_cast %get3A_466 : vector<16xf32> to vector<1x1x16xf32>
        tpu.vector_store %arg6[%swap3A_467, %swap3A_468, %swap3A_469], %swap3A_472 {add = true, strides = array<i32>} : memref<2x16x2048xf32, #tpu.memory_space<vmem>>, vector<1x1x16xf32>,
        %get3A_473 = arith.index_cast %scan3A_244 : i32 to index
        %get3A_474 = arith.constant 368 : index
        %get3A_475 = tpu.vector_load %arg5[%get3A_473, %get3A_474] {strides = array<i32>} : memref<16x2048xf32, #tpu.memory_space<vmem>>, vector<1x16xf32>,
        %get3A_476 = vector.shape_cast %get3A_475 : vector<1x16xf32> to vector<16xf32>
        %swap3A_477 = arith.index_cast %select_n3A_78 : i32 to index
        %swap3A_478 = arith.index_cast %scan3A_244 : i32 to index
        %swap3A_479 = arith.constant 368 : index
        %swap3A_480 = tpu.vector_load %arg6[%swap3A_477, %swap3A_478, %swap3A_479] {strides = array<i32>} : memref<2x16x2048xf32, #tpu.memory_space<vmem>>, vector<1x1x16xf32>,
        %swap3A_481 = vector.shape_cast %swap3A_480 : vector<1x1x16xf32> to vector<16xf32>
        %swap3A_482 = vector.shape_cast %get3A_476 : vector<16xf32> to vector<1x1x16xf32>
        tpu.vector_store %arg6[%swap3A_477, %swap3A_478, %swap3A_479], %swap3A_482 {add = true, strides = array<i32>} : memref<2x16x2048xf32, #tpu.memory_space<vmem>>, vector<1x1x16xf32>,
        %get3A_483 = arith.index_cast %scan3A_244 : i32 to index
        %get3A_484 = arith.constant 384 : index
        %get3A_485 = tpu.vector_load %arg5[%get3A_483, %get3A_484] {strides = array<i32>} : memref<16x2048xf32, #tpu.memory_space<vmem>>, vector<1x16xf32>,
        %get3A_486 = vector.shape_cast %get3A_485 : vector<1x16xf32> to vector<16xf32>
        %swap3A_487 = arith.index_cast %select_n3A_78 : i32 to index
        %swap3A_488 = arith.index_cast %scan3A_244 : i32 to index
        %swap3A_489 = arith.constant 384 : index
        %swap3A_490 = tpu.vector_load %arg6[%swap3A_487, %swap3A_488, %swap3A_489] {strides = array<i32>} : memref<2x16x2048xf32, #tpu.memory_space<vmem>>, vector<1x1x16xf32>,
        %swap3A_491 = vector.shape_cast %swap3A_490 : vector<1x1x16xf32> to vector<16xf32>
        %swap3A_492 = vector.shape_cast %get3A_486 : vector<16xf32> to vector<1x1x16xf32>
        tpu.vector_store %arg6[%swap3A_487, %swap3A_488, %swap3A_489], %swap3A_492 {add = true, strides = array<i32>} : memref<2x16x2048xf32, #tpu.memory_space<vmem>>, vector<1x1x16xf32>,
        %get3A_493 = arith.index_cast %scan3A_244 : i32 to index
        %get3A_494 = arith.constant 400 : index
        %get3A_495 = tpu.vector_load %arg5[%get3A_493, %get3A_494] {strides = array<i32>} : memref<16x2048xf32, #tpu.memory_space<vmem>>, vector<1x16xf32>,
        %get3A_496 = vector.shape_cast %get3A_495 : vector<1x16xf32> to vector<16xf32>
        %swap3A_497 = arith.index_cast %select_n3A_78 : i32 to index
        %swap3A_498 = arith.index_cast %scan3A_244 : i32 to index
        %swap3A_499 = arith.constant 400 : index
        %swap3A_500 = tpu.vector_load %arg6[%swap3A_497, %swap3A_498, %swap3A_499] {strides = array<i32>} : memref<2x16x2048xf32, #tpu.memory_space<vmem>>, vector<1x1x16xf32>,
        %swap3A_501 = vector.shape_cast %swap3A_500 : vector<1x1x16xf32> to vector<16xf32>
        %swap3A_502 = vector.shape_cast %get3A_496 : vector<16xf32> to vector<1x1x16xf32>
        tpu.vector_store %arg6[%swap3A_497, %swap3A_498, %swap3A_499], %swap3A_502 {add = true, strides = array<i32>} : memref<2x16x2048xf32, #tpu.memory_space<vmem>>, vector<1x1x16xf32>,
        %get3A_503 = arith.index_cast %scan3A_244 : i32 to index
        %get3A_504 = arith.constant 416 : index
        %get3A_505 = tpu.vector_load %arg5[%get3A_503, %get3A_504] {strides = array<i32>} : memref<16x2048xf32, #tpu.memory_space<vmem>>, vector<1x16xf32>,
        %get3A_506 = vector.shape_cast %get3A_505 : vector<1x16xf32> to vector<16xf32>
        %swap3A_507 = arith.index_cast %select_n3A_78 : i32 to index
        %swap3A_508 = arith.index_cast %scan3A_244 : i32 to index
        %swap3A_509 = arith.constant 416 : index
        %swap3A_510 = tpu.vector_load %arg6[%swap3A_507, %swap3A_508, %swap3A_509] {strides = array<i32>} : memref<2x16x2048xf32, #tpu.memory_space<vmem>>, vector<1x1x16xf32>,
        %swap3A_511 = vector.shape_cast %swap3A_510 : vector<1x1x16xf32> to vector<16xf32>
        %swap3A_512 = vector.shape_cast %get3A_506 : vector<16xf32> to vector<1x1x16xf32>
        tpu.vector_store %arg6[%swap3A_507, %swap3A_508, %swap3A_509], %swap3A_512 {add = true, strides = array<i32>} : memref<2x16x2048xf32, #tpu.memory_space<vmem>>, vector<1x1x16xf32>,
        %get3A_513 = arith.index_cast %scan3A_244 : i32 to index
        %get3A_514 = arith.constant 432 : index
        %get3A_515 = tpu.vector_load %arg5[%get3A_513, %get3A_514] {strides = array<i32>} : memref<16x2048xf32, #tpu.memory_space<vmem>>, vector<1x16xf32>,
        %get3A_516 = vector.shape_cast %get3A_515 : vector<1x16xf32> to vector<16xf32>
        %swap3A_517 = arith.index_cast %select_n3A_78 : i32 to index
        %swap3A_518 = arith.index_cast %scan3A_244 : i32 to index
        %swap3A_519 = arith.constant 432 : index
        %swap3A_520 = tpu.vector_load %arg6[%swap3A_517, %swap3A_518, %swap3A_519] {strides = array<i32>} : memref<2x16x2048xf32, #tpu.memory_space<vmem>>, vector<1x1x16xf32>,
        %swap3A_521 = vector.shape_cast %swap3A_520 : vector<1x1x16xf32> to vector<16xf32>
        %swap3A_522 = vector.shape_cast %get3A_516 : vector<16xf32> to vector<1x1x16xf32>
        tpu.vector_store %arg6[%swap3A_517, %swap3A_518, %swap3A_519], %swap3A_522 {add = true, strides = array<i32>} : memref<2x16x2048xf32, #tpu.memory_space<vmem>>, vector<1x1x16xf32>,
        %get3A_523 = arith.index_cast %scan3A_244 : i32 to index
        %get3A_524 = arith.constant 448 : index
        %get3A_525 = tpu.vector_load %arg5[%get3A_523, %get3A_524] {strides = array<i32>} : memref<16x2048xf32, #tpu.memory_space<vmem>>, vector<1x16xf32>,
        %get3A_526 = vector.shape_cast %get3A_525 : vector<1x16xf32> to vector<16xf32>
        %swap3A_527 = arith.index_cast %select_n3A_78 : i32 to index
        %swap3A_528 = arith.index_cast %scan3A_244 : i32 to index
        %swap3A_529 = arith.constant 448 : index
        %swap3A_530 = tpu.vector_load %arg6[%swap3A_527, %swap3A_528, %swap3A_529] {strides = array<i32>} : memref<2x16x2048xf32, #tpu.memory_space<vmem>>, vector<1x1x16xf32>,
        %swap3A_531 = vector.shape_cast %swap3A_530 : vector<1x1x16xf32> to vector<16xf32>
        %swap3A_532 = vector.shape_cast %get3A_526 : vector<16xf32> to vector<1x1x16xf32>
        tpu.vector_store %arg6[%swap3A_527, %swap3A_528, %swap3A_529], %swap3A_532 {add = true, strides = array<i32>} : memref<2x16x2048xf32, #tpu.memory_space<vmem>>, vector<1x1x16xf32>,
        %get3A_533 = arith.index_cast %scan3A_244 : i32 to index
        %get3A_534 = arith.constant 464 : index
        %get3A_535 = tpu.vector_load %arg5[%get3A_533, %get3A_534] {strides = array<i32>} : memref<16x2048xf32, #tpu.memory_space<vmem>>, vector<1x16xf32>,
        %get3A_536 = vector.shape_cast %get3A_535 : vector<1x16xf32> to vector<16xf32>
        %swap3A_537 = arith.index_cast %select_n3A_78 : i32 to index
        %swap3A_538 = arith.index_cast %scan3A_244 : i32 to index
        %swap3A_539 = arith.constant 464 : index
        %swap3A_540 = tpu.vector_load %arg6[%swap3A_537, %swap3A_538, %swap3A_539] {strides = array<i32>} : memref<2x16x2048xf32, #tpu.memory_space<vmem>>, vector<1x1x16xf32>,
        %swap3A_541 = vector.shape_cast %swap3A_540 : vector<1x1x16xf32> to vector<16xf32>
        %swap3A_542 = vector.shape_cast %get3A_536 : vector<16xf32> to vector<1x1x16xf32>
        tpu.vector_store %arg6[%swap3A_537, %swap3A_538, %swap3A_539], %swap3A_542 {add = true, strides = array<i32>} : memref<2x16x2048xf32, #tpu.memory_space<vmem>>, vector<1x1x16xf32>,
        %get3A_543 = arith.index_cast %scan3A_244 : i32 to index
        %get3A_544 = arith.constant 480 : index
        %get3A_545 = tpu.vector_load %arg5[%get3A_543, %get3A_544] {strides = array<i32>} : memref<16x2048xf32, #tpu.memory_space<vmem>>, vector<1x16xf32>,
        %get3A_546 = vector.shape_cast %get3A_545 : vector<1x16xf32> to vector<16xf32>
        %swap3A_547 = arith.index_cast %select_n3A_78 : i32 to index
        %swap3A_548 = arith.index_cast %scan3A_244 : i32 to index
        %swap3A_549 = arith.constant 480 : index
        %swap3A_550 = tpu.vector_load %arg6[%swap3A_547, %swap3A_548, %swap3A_549] {strides = array<i32>} : memref<2x16x2048xf32, #tpu.memory_space<vmem>>, vector<1x1x16xf32>,
        %swap3A_551 = vector.shape_cast %swap3A_550 : vector<1x1x16xf32> to vector<16xf32>
        %swap3A_552 = vector.shape_cast %get3A_546 : vector<16xf32> to vector<1x1x16xf32>
        tpu.vector_store %arg6[%swap3A_547, %swap3A_548, %swap3A_549], %swap3A_552 {add = true, strides = array<i32>} : memref<2x16x2048xf32, #tpu.memory_space<vmem>>, vector<1x1x16xf32>,
        %get3A_553 = arith.index_cast %scan3A_244 : i32 to index
        %get3A_554 = arith.constant 496 : index
        %get3A_555 = tpu.vector_load %arg5[%get3A_553, %get3A_554] {strides = array<i32>} : memref<16x2048xf32, #tpu.memory_space<vmem>>, vector<1x16xf32>,
        %get3A_556 = vector.shape_cast %get3A_555 : vector<1x16xf32> to vector<16xf32>
        %swap3A_557 = arith.index_cast %select_n3A_78 : i32 to index
        %swap3A_558 = arith.index_cast %scan3A_244 : i32 to index
        %swap3A_559 = arith.constant 496 : index
        %swap3A_560 = tpu.vector_load %arg6[%swap3A_557, %swap3A_558, %swap3A_559] {strides = array<i32>} : memref<2x16x2048xf32, #tpu.memory_space<vmem>>, vector<1x1x16xf32>,
        %swap3A_561 = vector.shape_cast %swap3A_560 : vector<1x1x16xf32> to vector<16xf32>
        %swap3A_562 = vector.shape_cast %get3A_556 : vector<16xf32> to vector<1x1x16xf32>
        tpu.vector_store %arg6[%swap3A_557, %swap3A_558, %swap3A_559], %swap3A_562 {add = true, strides = array<i32>} : memref<2x16x2048xf32, #tpu.memory_space<vmem>>, vector<1x1x16xf32>,
        %get3A_563 = arith.index_cast %scan3A_244 : i32 to index
        %get3A_564 = arith.constant 512 : index
        %get3A_565 = tpu.vector_load %arg5[%get3A_563, %get3A_564] {strides = array<i32>} : memref<16x2048xf32, #tpu.memory_space<vmem>>, vector<1x16xf32>,
        %get3A_566 = vector.shape_cast %get3A_565 : vector<1x16xf32> to vector<16xf32>
        %swap3A_567 = arith.index_cast %select_n3A_78 : i32 to index
        %swap3A_568 = arith.index_cast %scan3A_244 : i32 to index
        %swap3A_569 = arith.constant 512 : index
        %swap3A_570 = tpu.vector_load %arg6[%swap3A_567, %swap3A_568, %swap3A_569] {strides = array<i32>} : memref<2x16x2048xf32, #tpu.memory_space<vmem>>, vector<1x1x16xf32>,
        %swap3A_571 = vector.shape_cast %swap3A_570 : vector<1x1x16xf32> to vector<16xf32>
        %swap3A_572 = vector.shape_cast %get3A_566 : vector<16xf32> to vector<1x1x16xf32>
        tpu.vector_store %arg6[%swap3A_567, %swap3A_568, %swap3A_569], %swap3A_572 {add = true, strides = array<i32>} : memref<2x16x2048xf32, #tpu.memory_space<vmem>>, vector<1x1x16xf32>,
        %get3A_573 = arith.index_cast %scan3A_244 : i32 to index
        %get3A_574 = arith.constant 528 : index
        %get3A_575 = tpu.vector_load %arg5[%get3A_573, %get3A_574] {strides = array<i32>} : memref<16x2048xf32, #tpu.memory_space<vmem>>, vector<1x16xf32>,
        %get3A_576 = vector.shape_cast %get3A_575 : vector<1x16xf32> to vector<16xf32>
        %swap3A_577 = arith.index_cast %select_n3A_78 : i32 to index
        %swap3A_578 = arith.index_cast %scan3A_244 : i32 to index
        %swap3A_579 = arith.constant 528 : index
        %swap3A_580 = tpu.vector_load %arg6[%swap3A_577, %swap3A_578, %swap3A_579] {strides = array<i32>} : memref<2x16x2048xf32, #tpu.memory_space<vmem>>, vector<1x1x16xf32>,
        %swap3A_581 = vector.shape_cast %swap3A_580 : vector<1x1x16xf32> to vector<16xf32>
        %swap3A_582 = vector.shape_cast %get3A_576 : vector<16xf32> to vector<1x1x16xf32>
        tpu.vector_store %arg6[%swap3A_577, %swap3A_578, %swap3A_579], %swap3A_582 {add = true, strides = array<i32>} : memref<2x16x2048xf32, #tpu.memory_space<vmem>>, vector<1x1x16xf32>,
        %get3A_583 = arith.index_cast %scan3A_244 : i32 to index
        %get3A_584 = arith.constant 544 : index
        %get3A_585 = tpu.vector_load %arg5[%get3A_583, %get3A_584] {strides = array<i32>} : memref<16x2048xf32, #tpu.memory_space<vmem>>, vector<1x16xf32>,
        %get3A_586 = vector.shape_cast %get3A_585 : vector<1x16xf32> to vector<16xf32>
        %swap3A_587 = arith.index_cast %select_n3A_78 : i32 to index
        %swap3A_588 = arith.index_cast %scan3A_244 : i32 to index
        %swap3A_589 = arith.constant 544 : index
        %swap3A_590 = tpu.vector_load %arg6[%swap3A_587, %swap3A_588, %swap3A_589] {strides = array<i32>} : memref<2x16x2048xf32, #tpu.memory_space<vmem>>, vector<1x1x16xf32>,
        %swap3A_591 = vector.shape_cast %swap3A_590 : vector<1x1x16xf32> to vector<16xf32>
        %swap3A_592 = vector.shape_cast %get3A_586 : vector<16xf32> to vector<1x1x16xf32>
        tpu.vector_store %arg6[%swap3A_587, %swap3A_588, %swap3A_589], %swap3A_592 {add = true, strides = array<i32>} : memref<2x16x2048xf32, #tpu.memory_space<vmem>>, vector<1x1x16xf32>,
        %get3A_593 = arith.index_cast %scan3A_244 : i32 to index
        %get3A_594 = arith.constant 560 : index
        %get3A_595 = tpu.vector_load %arg5[%get3A_593, %get3A_594] {strides = array<i32>} : memref<16x2048xf32, #tpu.memory_space<vmem>>, vector<1x16xf32>,
        %get3A_596 = vector.shape_cast %get3A_595 : vector<1x16xf32> to vector<16xf32>
        %swap3A_597 = arith.index_cast %select_n3A_78 : i32 to index
        %swap3A_598 = arith.index_cast %scan3A_244 : i32 to index
        %swap3A_599 = arith.constant 560 : index
        %swap3A_600 = tpu.vector_load %arg6[%swap3A_597, %swap3A_598, %swap3A_599] {strides = array<i32>} : memref<2x16x2048xf32, #tpu.memory_space<vmem>>, vector<1x1x16xf32>,
        %swap3A_601 = vector.shape_cast %swap3A_600 : vector<1x1x16xf32> to vector<16xf32>
        %swap3A_602 = vector.shape_cast %get3A_596 : vector<16xf32> to vector<1x1x16xf32>
        tpu.vector_store %arg6[%swap3A_597, %swap3A_598, %swap3A_599], %swap3A_602 {add = true, strides = array<i32>} : memref<2x16x2048xf32, #tpu.memory_space<vmem>>, vector<1x1x16xf32>,
        %get3A_603 = arith.index_cast %scan3A_244 : i32 to index
        %get3A_604 = arith.constant 576 : index
        %get3A_605 = tpu.vector_load %arg5[%get3A_603, %get3A_604] {strides = array<i32>} : memref<16x2048xf32, #tpu.memory_space<vmem>>, vector<1x16xf32>,
        %get3A_606 = vector.shape_cast %get3A_605 : vector<1x16xf32> to vector<16xf32>
        %swap3A_607 = arith.index_cast %select_n3A_78 : i32 to index
        %swap3A_608 = arith.index_cast %scan3A_244 : i32 to index
        %swap3A_609 = arith.constant 576 : index
        %swap3A_610 = tpu.vector_load %arg6[%swap3A_607, %swap3A_608, %swap3A_609] {strides = array<i32>} : memref<2x16x2048xf32, #tpu.memory_space<vmem>>, vector<1x1x16xf32>,
        %swap3A_611 = vector.shape_cast %swap3A_610 : vector<1x1x16xf32> to vector<16xf32>
        %swap3A_612 = vector.shape_cast %get3A_606 : vector<16xf32> to vector<1x1x16xf32>
        tpu.vector_store %arg6[%swap3A_607, %swap3A_608, %swap3A_609], %swap3A_612 {add = true, strides = array<i32>} : memref<2x16x2048xf32, #tpu.memory_space<vmem>>, vector<1x1x16xf32>,
        %get3A_613 = arith.index_cast %scan3A_244 : i32 to index
        %get3A_614 = arith.constant 592 : index
        %get3A_615 = tpu.vector_load %arg5[%get3A_613, %get3A_614] {strides = array<i32>} : memref<16x2048xf32, #tpu.memory_space<vmem>>, vector<1x16xf32>,
        %get3A_616 = vector.shape_cast %get3A_615 : vector<1x16xf32> to vector<16xf32>
        %swap3A_617 = arith.index_cast %select_n3A_78 : i32 to index
        %swap3A_618 = arith.index_cast %scan3A_244 : i32 to index
        %swap3A_619 = arith.constant 592 : index
        %swap3A_620 = tpu.vector_load %arg6[%swap3A_617, %swap3A_618, %swap3A_619] {strides = array<i32>} : memref<2x16x2048xf32, #tpu.memory_space<vmem>>, vector<1x1x16xf32>,
        %swap3A_621 = vector.shape_cast %swap3A_620 : vector<1x1x16xf32> to vector<16xf32>
        %swap3A_622 = vector.shape_cast %get3A_616 : vector<16xf32> to vector<1x1x16xf32>
        tpu.vector_store %arg6[%swap3A_617, %swap3A_618, %swap3A_619], %swap3A_622 {add = true, strides = array<i32>} : memref<2x16x2048xf32, #tpu.memory_space<vmem>>, vector<1x1x16xf32>,
        %get3A_623 = arith.index_cast %scan3A_244 : i32 to index
        %get3A_624 = arith.constant 608 : index
        %get3A_625 = tpu.vector_load %arg5[%get3A_623, %get3A_624] {strides = array<i32>} : memref<16x2048xf32, #tpu.memory_space<vmem>>, vector<1x16xf32>,
        %get3A_626 = vector.shape_cast %get3A_625 : vector<1x16xf32> to vector<16xf32>
        %swap3A_627 = arith.index_cast %select_n3A_78 : i32 to index
        %swap3A_628 = arith.index_cast %scan3A_244 : i32 to index
        %swap3A_629 = arith.constant 608 : index
        %swap3A_630 = tpu.vector_load %arg6[%swap3A_627, %swap3A_628, %swap3A_629] {strides = array<i32>} : memref<2x16x2048xf32, #tpu.memory_space<vmem>>, vector<1x1x16xf32>,
        %swap3A_631 = vector.shape_cast %swap3A_630 : vector<1x1x16xf32> to vector<16xf32>
        %swap3A_632 = vector.shape_cast %get3A_626 : vector<16xf32> to vector<1x1x16xf32>
        tpu.vector_store %arg6[%swap3A_627, %swap3A_628, %swap3A_629], %swap3A_632 {add = true, strides = array<i32>} : memref<2x16x2048xf32, #tpu.memory_space<vmem>>, vector<1x1x16xf32>,
        %get3A_633 = arith.index_cast %scan3A_244 : i32 to index
        %get3A_634 = arith.constant 624 : index
        %get3A_635 = tpu.vector_load %arg5[%get3A_633, %get3A_634] {strides = array<i32>} : memref<16x2048xf32, #tpu.memory_space<vmem>>, vector<1x16xf32>,
        %get3A_636 = vector.shape_cast %get3A_635 : vector<1x16xf32> to vector<16xf32>
        %swap3A_637 = arith.index_cast %select_n3A_78 : i32 to index
        %swap3A_638 = arith.index_cast %scan3A_244 : i32 to index
        %swap3A_639 = arith.constant 624 : index
        %swap3A_640 = tpu.vector_load %arg6[%swap3A_637, %swap3A_638, %swap3A_639] {strides = array<i32>} : memref<2x16x2048xf32, #tpu.memory_space<vmem>>, vector<1x1x16xf32>,
        %swap3A_641 = vector.shape_cast %swap3A_640 : vector<1x1x16xf32> to vector<16xf32>
        %swap3A_642 = vector.shape_cast %get3A_636 : vector<16xf32> to vector<1x1x16xf32>
        tpu.vector_store %arg6[%swap3A_637, %swap3A_638, %swap3A_639], %swap3A_642 {add = true, strides = array<i32>} : memref<2x16x2048xf32, #tpu.memory_space<vmem>>, vector<1x1x16xf32>,
        %get3A_643 = arith.index_cast %scan3A_244 : i32 to index
        %get3A_644 = arith.constant 640 : index
        %get3A_645 = tpu.vector_load %arg5[%get3A_643, %get3A_644] {strides = array<i32>} : memref<16x2048xf32, #tpu.memory_space<vmem>>, vector<1x16xf32>,
        %get3A_646 = vector.shape_cast %get3A_645 : vector<1x16xf32> to vector<16xf32>
        %swap3A_647 = arith.index_cast %select_n3A_78 : i32 to index
        %swap3A_648 = arith.index_cast %scan3A_244 : i32 to index
        %swap3A_649 = arith.constant 640 : index
        %swap3A_650 = tpu.vector_load %arg6[%swap3A_647, %swap3A_648, %swap3A_649] {strides = array<i32>} : memref<2x16x2048xf32, #tpu.memory_space<vmem>>, vector<1x1x16xf32>,
        %swap3A_651 = vector.shape_cast %swap3A_650 : vector<1x1x16xf32> to vector<16xf32>
        %swap3A_652 = vector.shape_cast %get3A_646 : vector<16xf32> to vector<1x1x16xf32>
        tpu.vector_store %arg6[%swap3A_647, %swap3A_648, %swap3A_649], %swap3A_652 {add = true, strides = array<i32>} : memref<2x16x2048xf32, #tpu.memory_space<vmem>>, vector<1x1x16xf32>,
        %get3A_653 = arith.index_cast %scan3A_244 : i32 to index
        %get3A_654 = arith.constant 656 : index
        %get3A_655 = tpu.vector_load %arg5[%get3A_653, %get3A_654] {strides = array<i32>} : memref<16x2048xf32, #tpu.memory_space<vmem>>, vector<1x16xf32>,
        %get3A_656 = vector.shape_cast %get3A_655 : vector<1x16xf32> to vector<16xf32>
        %swap3A_657 = arith.index_cast %select_n3A_78 : i32 to index
        %swap3A_658 = arith.index_cast %scan3A_244 : i32 to index
        %swap3A_659 = arith.constant 656 : index
        %swap3A_660 = tpu.vector_load %arg6[%swap3A_657, %swap3A_658, %swap3A_659] {strides = array<i32>} : memref<2x16x2048xf32, #tpu.memory_space<vmem>>, vector<1x1x16xf32>,
        %swap3A_661 = vector.shape_cast %swap3A_660 : vector<1x1x16xf32> to vector<16xf32>
        %swap3A_662 = vector.shape_cast %get3A_656 : vector<16xf32> to vector<1x1x16xf32>
        tpu.vector_store %arg6[%swap3A_657, %swap3A_658, %swap3A_659], %swap3A_662 {add = true, strides = array<i32>} : memref<2x16x2048xf32, #tpu.memory_space<vmem>>, vector<1x1x16xf32>,
        %get3A_663 = arith.index_cast %scan3A_244 : i32 to index
        %get3A_664 = arith.constant 672 : index
        %get3A_665 = tpu.vector_load %arg5[%get3A_663, %get3A_664] {strides = array<i32>} : memref<16x2048xf32, #tpu.memory_space<vmem>>, vector<1x16xf32>,
        %get3A_666 = vector.shape_cast %get3A_665 : vector<1x16xf32> to vector<16xf32>
        %swap3A_667 = arith.index_cast %select_n3A_78 : i32 to index
        %swap3A_668 = arith.index_cast %scan3A_244 : i32 to index
        %swap3A_669 = arith.constant 672 : index
        %swap3A_670 = tpu.vector_load %arg6[%swap3A_667, %swap3A_668, %swap3A_669] {strides = array<i32>} : memref<2x16x2048xf32, #tpu.memory_space<vmem>>, vector<1x1x16xf32>,
        %swap3A_671 = vector.shape_cast %swap3A_670 : vector<1x1x16xf32> to vector<16xf32>
        %swap3A_672 = vector.shape_cast %get3A_666 : vector<16xf32> to vector<1x1x16xf32>
        tpu.vector_store %arg6[%swap3A_667, %swap3A_668, %swap3A_669], %swap3A_672 {add = true, strides = array<i32>} : memref<2x16x2048xf32, #tpu.memory_space<vmem>>, vector<1x1x16xf32>,
        %get3A_673 = arith.index_cast %scan3A_244 : i32 to index
        %get3A_674 = arith.constant 688 : index
        %get3A_675 = tpu.vector_load %arg5[%get3A_673, %get3A_674] {strides = array<i32>} : memref<16x2048xf32, #tpu.memory_space<vmem>>, vector<1x16xf32>,
        %get3A_676 = vector.shape_cast %get3A_675 : vector<1x16xf32> to vector<16xf32>
        %swap3A_677 = arith.index_cast %select_n3A_78 : i32 to index
        %swap3A_678 = arith.index_cast %scan3A_244 : i32 to index
        %swap3A_679 = arith.constant 688 : index
        %swap3A_680 = tpu.vector_load %arg6[%swap3A_677, %swap3A_678, %swap3A_679] {strides = array<i32>} : memref<2x16x2048xf32, #tpu.memory_space<vmem>>, vector<1x1x16xf32>,
        %swap3A_681 = vector.shape_cast %swap3A_680 : vector<1x1x16xf32> to vector<16xf32>
        %swap3A_682 = vector.shape_cast %get3A_676 : vector<16xf32> to vector<1x1x16xf32>
        tpu.vector_store %arg6[%swap3A_677, %swap3A_678, %swap3A_679], %swap3A_682 {add = true, strides = array<i32>} : memref<2x16x2048xf32, #tpu.memory_space<vmem>>, vector<1x1x16xf32>,
        %get3A_683 = arith.index_cast %scan3A_244 : i32 to index
        %get3A_684 = arith.constant 704 : index
        %get3A_685 = tpu.vector_load %arg5[%get3A_683, %get3A_684] {strides = array<i32>} : memref<16x2048xf32, #tpu.memory_space<vmem>>, vector<1x16xf32>,
        %get3A_686 = vector.shape_cast %get3A_685 : vector<1x16xf32> to vector<16xf32>
        %swap3A_687 = arith.index_cast %select_n3A_78 : i32 to index
        %swap3A_688 = arith.index_cast %scan3A_244 : i32 to index
        %swap3A_689 = arith.constant 704 : index
        %swap3A_690 = tpu.vector_load %arg6[%swap3A_687, %swap3A_688, %swap3A_689] {strides = array<i32>} : memref<2x16x2048xf32, #tpu.memory_space<vmem>>, vector<1x1x16xf32>,
        %swap3A_691 = vector.shape_cast %swap3A_690 : vector<1x1x16xf32> to vector<16xf32>
        %swap3A_692 = vector.shape_cast %get3A_686 : vector<16xf32> to vector<1x1x16xf32>
        tpu.vector_store %arg6[%swap3A_687, %swap3A_688, %swap3A_689], %swap3A_692 {add = true, strides = array<i32>} : memref<2x16x2048xf32, #tpu.memory_space<vmem>>, vector<1x1x16xf32>,
        %get3A_693 = arith.index_cast %scan3A_244 : i32 to index
        %get3A_694 = arith.constant 720 : index
        %get3A_695 = tpu.vector_load %arg5[%get3A_693, %get3A_694] {strides = array<i32>} : memref<16x2048xf32, #tpu.memory_space<vmem>>, vector<1x16xf32>,
        %get3A_696 = vector.shape_cast %get3A_695 : vector<1x16xf32> to vector<16xf32>
        %swap3A_697 = arith.index_cast %select_n3A_78 : i32 to index
        %swap3A_698 = arith.index_cast %scan3A_244 : i32 to index
        %swap3A_699 = arith.constant 720 : index
        %swap3A_700 = tpu.vector_load %arg6[%swap3A_697, %swap3A_698, %swap3A_699] {strides = array<i32>} : memref<2x16x2048xf32, #tpu.memory_space<vmem>>, vector<1x1x16xf32>,
        %swap3A_701 = vector.shape_cast %swap3A_700 : vector<1x1x16xf32> to vector<16xf32>
        %swap3A_702 = vector.shape_cast %get3A_696 : vector<16xf32> to vector<1x1x16xf32>
        tpu.vector_store %arg6[%swap3A_697, %swap3A_698, %swap3A_699], %swap3A_702 {add = true, strides = array<i32>} : memref<2x16x2048xf32, #tpu.memory_space<vmem>>, vector<1x1x16xf32>,
        %get3A_703 = arith.index_cast %scan3A_244 : i32 to index
        %get3A_704 = arith.constant 736 : index
        %get3A_705 = tpu.vector_load %arg5[%get3A_703, %get3A_704] {strides = array<i32>} : memref<16x2048xf32, #tpu.memory_space<vmem>>, vector<1x16xf32>,
        %get3A_706 = vector.shape_cast %get3A_705 : vector<1x16xf32> to vector<16xf32>
        %swap3A_707 = arith.index_cast %select_n3A_78 : i32 to index
        %swap3A_708 = arith.index_cast %scan3A_244 : i32 to index
        %swap3A_709 = arith.constant 736 : index
        %swap3A_710 = tpu.vector_load %arg6[%swap3A_707, %swap3A_708, %swap3A_709] {strides = array<i32>} : memref<2x16x2048xf32, #tpu.memory_space<vmem>>, vector<1x1x16xf32>,
        %swap3A_711 = vector.shape_cast %swap3A_710 : vector<1x1x16xf32> to vector<16xf32>
        %swap3A_712 = vector.shape_cast %get3A_706 : vector<16xf32> to vector<1x1x16xf32>
        tpu.vector_store %arg6[%swap3A_707, %swap3A_708, %swap3A_709], %swap3A_712 {add = true, strides = array<i32>} : memref<2x16x2048xf32, #tpu.memory_space<vmem>>, vector<1x1x16xf32>,
        %get3A_713 = arith.index_cast %scan3A_244 : i32 to index
        %get3A_714 = arith.constant 752 : index
        %get3A_715 = tpu.vector_load %arg5[%get3A_713, %get3A_714] {strides = array<i32>} : memref<16x2048xf32, #tpu.memory_space<vmem>>, vector<1x16xf32>,
        %get3A_716 = vector.shape_cast %get3A_715 : vector<1x16xf32> to vector<16xf32>
        %swap3A_717 = arith.index_cast %select_n3A_78 : i32 to index
        %swap3A_718 = arith.index_cast %scan3A_244 : i32 to index
        %swap3A_719 = arith.constant 752 : index
        %swap3A_720 = tpu.vector_load %arg6[%swap3A_717, %swap3A_718, %swap3A_719] {strides = array<i32>} : memref<2x16x2048xf32, #tpu.memory_space<vmem>>, vector<1x1x16xf32>,
        %swap3A_721 = vector.shape_cast %swap3A_720 : vector<1x1x16xf32> to vector<16xf32>
        %swap3A_722 = vector.shape_cast %get3A_716 : vector<16xf32> to vector<1x1x16xf32>
        tpu.vector_store %arg6[%swap3A_717, %swap3A_718, %swap3A_719], %swap3A_722 {add = true, strides = array<i32>} : memref<2x16x2048xf32, #tpu.memory_space<vmem>>, vector<1x1x16xf32>,
        %get3A_723 = arith.index_cast %scan3A_244 : i32 to index
        %get3A_724 = arith.constant 768 : index
        %get3A_725 = tpu.vector_load %arg5[%get3A_723, %get3A_724] {strides = array<i32>} : memref<16x2048xf32, #tpu.memory_space<vmem>>, vector<1x16xf32>,
        %get3A_726 = vector.shape_cast %get3A_725 : vector<1x16xf32> to vector<16xf32>
        %swap3A_727 = arith.index_cast %select_n3A_78 : i32 to index
        %swap3A_728 = arith.index_cast %scan3A_244 : i32 to index
        %swap3A_729 = arith.constant 768 : index
        %swap3A_730 = tpu.vector_load %arg6[%swap3A_727, %swap3A_728, %swap3A_729] {strides = array<i32>} : memref<2x16x2048xf32, #tpu.memory_space<vmem>>, vector<1x1x16xf32>,
        %swap3A_731 = vector.shape_cast %swap3A_730 : vector<1x1x16xf32> to vector<16xf32>
        %swap3A_732 = vector.shape_cast %get3A_726 : vector<16xf32> to vector<1x1x16xf32>
        tpu.vector_store %arg6[%swap3A_727, %swap3A_728, %swap3A_729], %swap3A_732 {add = true, strides = array<i32>} : memref<2x16x2048xf32, #tpu.memory_space<vmem>>, vector<1x1x16xf32>,
        %get3A_733 = arith.index_cast %scan3A_244 : i32 to index
        %get3A_734 = arith.constant 784 : index
        %get3A_735 = tpu.vector_load %arg5[%get3A_733, %get3A_734] {strides = array<i32>} : memref<16x2048xf32, #tpu.memory_space<vmem>>, vector<1x16xf32>,
        %get3A_736 = vector.shape_cast %get3A_735 : vector<1x16xf32> to vector<16xf32>
        %swap3A_737 = arith.index_cast %select_n3A_78 : i32 to index
        %swap3A_738 = arith.index_cast %scan3A_244 : i32 to index
        %swap3A_739 = arith.constant 784 : index
        %swap3A_740 = tpu.vector_load %arg6[%swap3A_737, %swap3A_738, %swap3A_739] {strides = array<i32>} : memref<2x16x2048xf32, #tpu.memory_space<vmem>>, vector<1x1x16xf32>,
        %swap3A_741 = vector.shape_cast %swap3A_740 : vector<1x1x16xf32> to vector<16xf32>
        %swap3A_742 = vector.shape_cast %get3A_736 : vector<16xf32> to vector<1x1x16xf32>
        tpu.vector_store %arg6[%swap3A_737, %swap3A_738, %swap3A_739], %swap3A_742 {add = true, strides = array<i32>} : memref<2x16x2048xf32, #tpu.memory_space<vmem>>, vector<1x1x16xf32>,
        %get3A_743 = arith.index_cast %scan3A_244 : i32 to index
        %get3A_744 = arith.constant 800 : index
        %get3A_745 = tpu.vector_load %arg5[%get3A_743, %get3A_744] {strides = array<i32>} : memref<16x2048xf32, #tpu.memory_space<vmem>>, vector<1x16xf32>,
        %get3A_746 = vector.shape_cast %get3A_745 : vector<1x16xf32> to vector<16xf32>
        %swap3A_747 = arith.index_cast %select_n3A_78 : i32 to index
        %swap3A_748 = arith.index_cast %scan3A_244 : i32 to index
        %swap3A_749 = arith.constant 800 : index
        %swap3A_750 = tpu.vector_load %arg6[%swap3A_747, %swap3A_748, %swap3A_749] {strides = array<i32>} : memref<2x16x2048xf32, #tpu.memory_space<vmem>>, vector<1x1x16xf32>,
        %swap3A_751 = vector.shape_cast %swap3A_750 : vector<1x1x16xf32> to vector<16xf32>
        %swap3A_752 = vector.shape_cast %get3A_746 : vector<16xf32> to vector<1x1x16xf32>
        tpu.vector_store %arg6[%swap3A_747, %swap3A_748, %swap3A_749], %swap3A_752 {add = true, strides = array<i32>} : memref<2x16x2048xf32, #tpu.memory_space<vmem>>, vector<1x1x16xf32>,
        %get3A_753 = arith.index_cast %scan3A_244 : i32 to index
        %get3A_754 = arith.constant 816 : index
        %get3A_755 = tpu.vector_load %arg5[%get3A_753, %get3A_754] {strides = array<i32>} : memref<16x2048xf32, #tpu.memory_space<vmem>>, vector<1x16xf32>,
        %get3A_756 = vector.shape_cast %get3A_755 : vector<1x16xf32> to vector<16xf32>
        %swap3A_757 = arith.index_cast %select_n3A_78 : i32 to index
        %swap3A_758 = arith.index_cast %scan3A_244 : i32 to index
        %swap3A_759 = arith.constant 816 : index
        %swap3A_760 = tpu.vector_load %arg6[%swap3A_757, %swap3A_758, %swap3A_759] {strides = array<i32>} : memref<2x16x2048xf32, #tpu.memory_space<vmem>>, vector<1x1x16xf32>,
        %swap3A_761 = vector.shape_cast %swap3A_760 : vector<1x1x16xf32> to vector<16xf32>
        %swap3A_762 = vector.shape_cast %get3A_756 : vector<16xf32> to vector<1x1x16xf32>
        tpu.vector_store %arg6[%swap3A_757, %swap3A_758, %swap3A_759], %swap3A_762 {add = true, strides = array<i32>} : memref<2x16x2048xf32, #tpu.memory_space<vmem>>, vector<1x1x16xf32>,
        %get3A_763 = arith.index_cast %scan3A_244 : i32 to index
        %get3A_764 = arith.constant 832 : index
        %get3A_765 = tpu.vector_load %arg5[%get3A_763, %get3A_764] {strides = array<i32>} : memref<16x2048xf32, #tpu.memory_space<vmem>>, vector<1x16xf32>,
        %get3A_766 = vector.shape_cast %get3A_765 : vector<1x16xf32> to vector<16xf32>
        %swap3A_767 = arith.index_cast %select_n3A_78 : i32 to index
        %swap3A_768 = arith.index_cast %scan3A_244 : i32 to index
        %swap3A_769 = arith.constant 832 : index
        %swap3A_770 = tpu.vector_load %arg6[%swap3A_767, %swap3A_768, %swap3A_769] {strides = array<i32>} : memref<2x16x2048xf32, #tpu.memory_space<vmem>>, vector<1x1x16xf32>,
        %swap3A_771 = vector.shape_cast %swap3A_770 : vector<1x1x16xf32> to vector<16xf32>
        %swap3A_772 = vector.shape_cast %get3A_766 : vector<16xf32> to vector<1x1x16xf32>
        tpu.vector_store %arg6[%swap3A_767, %swap3A_768, %swap3A_769], %swap3A_772 {add = true, strides = array<i32>} : memref<2x16x2048xf32, #tpu.memory_space<vmem>>, vector<1x1x16xf32>,
        %get3A_773 = arith.index_cast %scan3A_244 : i32 to index
        %get3A_774 = arith.constant 848 : index
        %get3A_775 = tpu.vector_load %arg5[%get3A_773, %get3A_774] {strides = array<i32>} : memref<16x2048xf32, #tpu.memory_space<vmem>>, vector<1x16xf32>,
        %get3A_776 = vector.shape_cast %get3A_775 : vector<1x16xf32> to vector<16xf32>
        %swap3A_777 = arith.index_cast %select_n3A_78 : i32 to index
        %swap3A_778 = arith.index_cast %scan3A_244 : i32 to index
        %swap3A_779 = arith.constant 848 : index
        %swap3A_780 = tpu.vector_load %arg6[%swap3A_777, %swap3A_778, %swap3A_779] {strides = array<i32>} : memref<2x16x2048xf32, #tpu.memory_space<vmem>>, vector<1x1x16xf32>,
        %swap3A_781 = vector.shape_cast %swap3A_780 : vector<1x1x16xf32> to vector<16xf32>
        %swap3A_782 = vector.shape_cast %get3A_776 : vector<16xf32> to vector<1x1x16xf32>
        tpu.vector_store %arg6[%swap3A_777, %swap3A_778, %swap3A_779], %swap3A_782 {add = true, strides = array<i32>} : memref<2x16x2048xf32, #tpu.memory_space<vmem>>, vector<1x1x16xf32>,
        %get3A_783 = arith.index_cast %scan3A_244 : i32 to index
        %get3A_784 = arith.constant 864 : index
        %get3A_785 = tpu.vector_load %arg5[%get3A_783, %get3A_784] {strides = array<i32>} : memref<16x2048xf32, #tpu.memory_space<vmem>>, vector<1x16xf32>,
        %get3A_786 = vector.shape_cast %get3A_785 : vector<1x16xf32> to vector<16xf32>
        %swap3A_787 = arith.index_cast %select_n3A_78 : i32 to index
        %swap3A_788 = arith.index_cast %scan3A_244 : i32 to index
        %swap3A_789 = arith.constant 864 : index
        %swap3A_790 = tpu.vector_load %arg6[%swap3A_787, %swap3A_788, %swap3A_789] {strides = array<i32>} : memref<2x16x2048xf32, #tpu.memory_space<vmem>>, vector<1x1x16xf32>,
        %swap3A_791 = vector.shape_cast %swap3A_790 : vector<1x1x16xf32> to vector<16xf32>
        %swap3A_792 = vector.shape_cast %get3A_786 : vector<16xf32> to vector<1x1x16xf32>
        tpu.vector_store %arg6[%swap3A_787, %swap3A_788, %swap3A_789], %swap3A_792 {add = true, strides = array<i32>} : memref<2x16x2048xf32, #tpu.memory_space<vmem>>, vector<1x1x16xf32>,
        %get3A_793 = arith.index_cast %scan3A_244 : i32 to index
        %get3A_794 = arith.constant 880 : index
        %get3A_795 = tpu.vector_load %arg5[%get3A_793, %get3A_794] {strides = array<i32>} : memref<16x2048xf32, #tpu.memory_space<vmem>>, vector<1x16xf32>,
        %get3A_796 = vector.shape_cast %get3A_795 : vector<1x16xf32> to vector<16xf32>
        %swap3A_797 = arith.index_cast %select_n3A_78 : i32 to index
        %swap3A_798 = arith.index_cast %scan3A_244 : i32 to index
        %swap3A_799 = arith.constant 880 : index
        %swap3A_800 = tpu.vector_load %arg6[%swap3A_797, %swap3A_798, %swap3A_799] {strides = array<i32>} : memref<2x16x2048xf32, #tpu.memory_space<vmem>>, vector<1x1x16xf32>,
        %swap3A_801 = vector.shape_cast %swap3A_800 : vector<1x1x16xf32> to vector<16xf32>
        %swap3A_802 = vector.shape_cast %get3A_796 : vector<16xf32> to vector<1x1x16xf32>
        tpu.vector_store %arg6[%swap3A_797, %swap3A_798, %swap3A_799], %swap3A_802 {add = true, strides = array<i32>} : memref<2x16x2048xf32, #tpu.memory_space<vmem>>, vector<1x1x16xf32>,
        %get3A_803 = arith.index_cast %scan3A_244 : i32 to index
        %get3A_804 = arith.constant 896 : index
        %get3A_805 = tpu.vector_load %arg5[%get3A_803, %get3A_804] {strides = array<i32>} : memref<16x2048xf32, #tpu.memory_space<vmem>>, vector<1x16xf32>,
        %get3A_806 = vector.shape_cast %get3A_805 : vector<1x16xf32> to vector<16xf32>
        %swap3A_807 = arith.index_cast %select_n3A_78 : i32 to index
        %swap3A_808 = arith.index_cast %scan3A_244 : i32 to index
        %swap3A_809 = arith.constant 896 : index
        %swap3A_810 = tpu.vector_load %arg6[%swap3A_807, %swap3A_808, %swap3A_809] {strides = array<i32>} : memref<2x16x2048xf32, #tpu.memory_space<vmem>>, vector<1x1x16xf32>,
        %swap3A_811 = vector.shape_cast %swap3A_810 : vector<1x1x16xf32> to vector<16xf32>
        %swap3A_812 = vector.shape_cast %get3A_806 : vector<16xf32> to vector<1x1x16xf32>
        tpu.vector_store %arg6[%swap3A_807, %swap3A_808, %swap3A_809], %swap3A_812 {add = true, strides = array<i32>} : memref<2x16x2048xf32, #tpu.memory_space<vmem>>, vector<1x1x16xf32>,
        %get3A_813 = arith.index_cast %scan3A_244 : i32 to index
        %get3A_814 = arith.constant 912 : index
        %get3A_815 = tpu.vector_load %arg5[%get3A_813, %get3A_814] {strides = array<i32>} : memref<16x2048xf32, #tpu.memory_space<vmem>>, vector<1x16xf32>,
        %get3A_816 = vector.shape_cast %get3A_815 : vector<1x16xf32> to vector<16xf32>
        %swap3A_817 = arith.index_cast %select_n3A_78 : i32 to index
        %swap3A_818 = arith.index_cast %scan3A_244 : i32 to index
        %swap3A_819 = arith.constant 912 : index
        %swap3A_820 = tpu.vector_load %arg6[%swap3A_817, %swap3A_818, %swap3A_819] {strides = array<i32>} : memref<2x16x2048xf32, #tpu.memory_space<vmem>>, vector<1x1x16xf32>,
        %swap3A_821 = vector.shape_cast %swap3A_820 : vector<1x1x16xf32> to vector<16xf32>
        %swap3A_822 = vector.shape_cast %get3A_816 : vector<16xf32> to vector<1x1x16xf32>
        tpu.vector_store %arg6[%swap3A_817, %swap3A_818, %swap3A_819], %swap3A_822 {add = true, strides = array<i32>} : memref<2x16x2048xf32, #tpu.memory_space<vmem>>, vector<1x1x16xf32>,
        %get3A_823 = arith.index_cast %scan3A_244 : i32 to index
        %get3A_824 = arith.constant 928 : index
        %get3A_825 = tpu.vector_load %arg5[%get3A_823, %get3A_824] {strides = array<i32>} : memref<16x2048xf32, #tpu.memory_space<vmem>>, vector<1x16xf32>,
        %get3A_826 = vector.shape_cast %get3A_825 : vector<1x16xf32> to vector<16xf32>
        %swap3A_827 = arith.index_cast %select_n3A_78 : i32 to index
        %swap3A_828 = arith.index_cast %scan3A_244 : i32 to index
        %swap3A_829 = arith.constant 928 : index
        %swap3A_830 = tpu.vector_load %arg6[%swap3A_827, %swap3A_828, %swap3A_829] {strides = array<i32>} : memref<2x16x2048xf32, #tpu.memory_space<vmem>>, vector<1x1x16xf32>,
        %swap3A_831 = vector.shape_cast %swap3A_830 : vector<1x1x16xf32> to vector<16xf32>
        %swap3A_832 = vector.shape_cast %get3A_826 : vector<16xf32> to vector<1x1x16xf32>
        tpu.vector_store %arg6[%swap3A_827, %swap3A_828, %swap3A_829], %swap3A_832 {add = true, strides = array<i32>} : memref<2x16x2048xf32, #tpu.memory_space<vmem>>, vector<1x1x16xf32>,
        %get3A_833 = arith.index_cast %scan3A_244 : i32 to index
        %get3A_834 = arith.constant 944 : index
        %get3A_835 = tpu.vector_load %arg5[%get3A_833, %get3A_834] {strides = array<i32>} : memref<16x2048xf32, #tpu.memory_space<vmem>>, vector<1x16xf32>,
        %get3A_836 = vector.shape_cast %get3A_835 : vector<1x16xf32> to vector<16xf32>
        %swap3A_837 = arith.index_cast %select_n3A_78 : i32 to index
        %swap3A_838 = arith.index_cast %scan3A_244 : i32 to index
        %swap3A_839 = arith.constant 944 : index
        %swap3A_840 = tpu.vector_load %arg6[%swap3A_837, %swap3A_838, %swap3A_839] {strides = array<i32>} : memref<2x16x2048xf32, #tpu.memory_space<vmem>>, vector<1x1x16xf32>,
        %swap3A_841 = vector.shape_cast %swap3A_840 : vector<1x1x16xf32> to vector<16xf32>
        %swap3A_842 = vector.shape_cast %get3A_836 : vector<16xf32> to vector<1x1x16xf32>
        tpu.vector_store %arg6[%swap3A_837, %swap3A_838, %swap3A_839], %swap3A_842 {add = true, strides = array<i32>} : memref<2x16x2048xf32, #tpu.memory_space<vmem>>, vector<1x1x16xf32>,
        %get3A_843 = arith.index_cast %scan3A_244 : i32 to index
        %get3A_844 = arith.constant 960 : index
        %get3A_845 = tpu.vector_load %arg5[%get3A_843, %get3A_844] {strides = array<i32>} : memref<16x2048xf32, #tpu.memory_space<vmem>>, vector<1x16xf32>,
        %get3A_846 = vector.shape_cast %get3A_845 : vector<1x16xf32> to vector<16xf32>
        %swap3A_847 = arith.index_cast %select_n3A_78 : i32 to index
        %swap3A_848 = arith.index_cast %scan3A_244 : i32 to index
        %swap3A_849 = arith.constant 960 : index
        %swap3A_850 = tpu.vector_load %arg6[%swap3A_847, %swap3A_848, %swap3A_849] {strides = array<i32>} : memref<2x16x2048xf32, #tpu.memory_space<vmem>>, vector<1x1x16xf32>,
        %swap3A_851 = vector.shape_cast %swap3A_850 : vector<1x1x16xf32> to vector<16xf32>
        %swap3A_852 = vector.shape_cast %get3A_846 : vector<16xf32> to vector<1x1x16xf32>
        tpu.vector_store %arg6[%swap3A_847, %swap3A_848, %swap3A_849], %swap3A_852 {add = true, strides = array<i32>} : memref<2x16x2048xf32, #tpu.memory_space<vmem>>, vector<1x1x16xf32>,
        %get3A_853 = arith.index_cast %scan3A_244 : i32 to index
        %get3A_854 = arith.constant 976 : index
        %get3A_855 = tpu.vector_load %arg5[%get3A_853, %get3A_854] {strides = array<i32>} : memref<16x2048xf32, #tpu.memory_space<vmem>>, vector<1x16xf32>,
        %get3A_856 = vector.shape_cast %get3A_855 : vector<1x16xf32> to vector<16xf32>
        %swap3A_857 = arith.index_cast %select_n3A_78 : i32 to index
        %swap3A_858 = arith.index_cast %scan3A_244 : i32 to index
        %swap3A_859 = arith.constant 976 : index
        %swap3A_860 = tpu.vector_load %arg6[%swap3A_857, %swap3A_858, %swap3A_859] {strides = array<i32>} : memref<2x16x2048xf32, #tpu.memory_space<vmem>>, vector<1x1x16xf32>,
        %swap3A_861 = vector.shape_cast %swap3A_860 : vector<1x1x16xf32> to vector<16xf32>
        %swap3A_862 = vector.shape_cast %get3A_856 : vector<16xf32> to vector<1x1x16xf32>
        tpu.vector_store %arg6[%swap3A_857, %swap3A_858, %swap3A_859], %swap3A_862 {add = true, strides = array<i32>} : memref<2x16x2048xf32, #tpu.memory_space<vmem>>, vector<1x1x16xf32>,
        %get3A_863 = arith.index_cast %scan3A_244 : i32 to index
        %get3A_864 = arith.constant 992 : index
        %get3A_865 = tpu.vector_load %arg5[%get3A_863, %get3A_864] {strides = array<i32>} : memref<16x2048xf32, #tpu.memory_space<vmem>>, vector<1x16xf32>,
        %get3A_866 = vector.shape_cast %get3A_865 : vector<1x16xf32> to vector<16xf32>
        %swap3A_867 = arith.index_cast %select_n3A_78 : i32 to index
        %swap3A_868 = arith.index_cast %scan3A_244 : i32 to index
        %swap3A_869 = arith.constant 992 : index
        %swap3A_870 = tpu.vector_load %arg6[%swap3A_867, %swap3A_868, %swap3A_869] {strides = array<i32>} : memref<2x16x2048xf32, #tpu.memory_space<vmem>>, vector<1x1x16xf32>,
        %swap3A_871 = vector.shape_cast %swap3A_870 : vector<1x1x16xf32> to vector<16xf32>
        %swap3A_872 = vector.shape_cast %get3A_866 : vector<16xf32> to vector<1x1x16xf32>
        tpu.vector_store %arg6[%swap3A_867, %swap3A_868, %swap3A_869], %swap3A_872 {add = true, strides = array<i32>} : memref<2x16x2048xf32, #tpu.memory_space<vmem>>, vector<1x1x16xf32>,
        %get3A_873 = arith.index_cast %scan3A_244 : i32 to index
        %get3A_874 = arith.constant 1008 : index
        %get3A_875 = tpu.vector_load %arg5[%get3A_873, %get3A_874] {strides = array<i32>} : memref<16x2048xf32, #tpu.memory_space<vmem>>, vector<1x16xf32>,
        %get3A_876 = vector.shape_cast %get3A_875 : vector<1x16xf32> to vector<16xf32>
        %swap3A_877 = arith.index_cast %select_n3A_78 : i32 to index
        %swap3A_878 = arith.index_cast %scan3A_244 : i32 to index
        %swap3A_879 = arith.constant 1008 : index
        %swap3A_880 = tpu.vector_load %arg6[%swap3A_877, %swap3A_878, %swap3A_879] {strides = array<i32>} : memref<2x16x2048xf32, #tpu.memory_space<vmem>>, vector<1x1x16xf32>,
        %swap3A_881 = vector.shape_cast %swap3A_880 : vector<1x1x16xf32> to vector<16xf32>
        %swap3A_882 = vector.shape_cast %get3A_876 : vector<16xf32> to vector<1x1x16xf32>
        tpu.vector_store %arg6[%swap3A_877, %swap3A_878, %swap3A_879], %swap3A_882 {add = true, strides = array<i32>} : memref<2x16x2048xf32, #tpu.memory_space<vmem>>, vector<1x1x16xf32>,
        %get3A_883 = arith.index_cast %scan3A_244 : i32 to index
        %get3A_884 = arith.constant 1024 : index
        %get3A_885 = tpu.vector_load %arg5[%get3A_883, %get3A_884] {strides = array<i32>} : memref<16x2048xf32, #tpu.memory_space<vmem>>, vector<1x16xf32>,
        %get3A_886 = vector.shape_cast %get3A_885 : vector<1x16xf32> to vector<16xf32>
        %swap3A_887 = arith.index_cast %select_n3A_78 : i32 to index
        %swap3A_888 = arith.index_cast %scan3A_244 : i32 to index
        %swap3A_889 = arith.constant 1024 : index
        %swap3A_890 = tpu.vector_load %arg6[%swap3A_887, %swap3A_888, %swap3A_889] {strides = array<i32>} : memref<2x16x2048xf32, #tpu.memory_space<vmem>>, vector<1x1x16xf32>,
        %swap3A_891 = vector.shape_cast %swap3A_890 : vector<1x1x16xf32> to vector<16xf32>
        %swap3A_892 = vector.shape_cast %get3A_886 : vector<16xf32> to vector<1x1x16xf32>
        tpu.vector_store %arg6[%swap3A_887, %swap3A_888, %swap3A_889], %swap3A_892 {add = true, strides = array<i32>} : memref<2x16x2048xf32, #tpu.memory_space<vmem>>, vector<1x1x16xf32>,
        %get3A_893 = arith.index_cast %scan3A_244 : i32 to index
        %get3A_894 = arith.constant 1040 : index
        %get3A_895 = tpu.vector_load %arg5[%get3A_893, %get3A_894] {strides = array<i32>} : memref<16x2048xf32, #tpu.memory_space<vmem>>, vector<1x16xf32>,
        %get3A_896 = vector.shape_cast %get3A_895 : vector<1x16xf32> to vector<16xf32>
        %swap3A_897 = arith.index_cast %select_n3A_78 : i32 to index
        %swap3A_898 = arith.index_cast %scan3A_244 : i32 to index
        %swap3A_899 = arith.constant 1040 : index
        %swap3A_900 = tpu.vector_load %arg6[%swap3A_897, %swap3A_898, %swap3A_899] {strides = array<i32>} : memref<2x16x2048xf32, #tpu.memory_space<vmem>>, vector<1x1x16xf32>,
        %swap3A_901 = vector.shape_cast %swap3A_900 : vector<1x1x16xf32> to vector<16xf32>
        %swap3A_902 = vector.shape_cast %get3A_896 : vector<16xf32> to vector<1x1x16xf32>
        tpu.vector_store %arg6[%swap3A_897, %swap3A_898, %swap3A_899], %swap3A_902 {add = true, strides = array<i32>} : memref<2x16x2048xf32, #tpu.memory_space<vmem>>, vector<1x1x16xf32>,
        %get3A_903 = arith.index_cast %scan3A_244 : i32 to index
        %get3A_904 = arith.constant 1056 : index
        %get3A_905 = tpu.vector_load %arg5[%get3A_903, %get3A_904] {strides = array<i32>} : memref<16x2048xf32, #tpu.memory_space<vmem>>, vector<1x16xf32>,
        %get3A_906 = vector.shape_cast %get3A_905 : vector<1x16xf32> to vector<16xf32>
        %swap3A_907 = arith.index_cast %select_n3A_78 : i32 to index
        %swap3A_908 = arith.index_cast %scan3A_244 : i32 to index
        %swap3A_909 = arith.constant 1056 : index
        %swap3A_910 = tpu.vector_load %arg6[%swap3A_907, %swap3A_908, %swap3A_909] {strides = array<i32>} : memref<2x16x2048xf32, #tpu.memory_space<vmem>>, vector<1x1x16xf32>,
        %swap3A_911 = vector.shape_cast %swap3A_910 : vector<1x1x16xf32> to vector<16xf32>
        %swap3A_912 = vector.shape_cast %get3A_906 : vector<16xf32> to vector<1x1x16xf32>
        tpu.vector_store %arg6[%swap3A_907, %swap3A_908, %swap3A_909], %swap3A_912 {add = true, strides = array<i32>} : memref<2x16x2048xf32, #tpu.memory_space<vmem>>, vector<1x1x16xf32>,
        %get3A_913 = arith.index_cast %scan3A_244 : i32 to index
        %get3A_914 = arith.constant 1072 : index
        %get3A_915 = tpu.vector_load %arg5[%get3A_913, %get3A_914] {strides = array<i32>} : memref<16x2048xf32, #tpu.memory_space<vmem>>, vector<1x16xf32>,
        %get3A_916 = vector.shape_cast %get3A_915 : vector<1x16xf32> to vector<16xf32>
        %swap3A_917 = arith.index_cast %select_n3A_78 : i32 to index
        %swap3A_918 = arith.index_cast %scan3A_244 : i32 to index
        %swap3A_919 = arith.constant 1072 : index
        %swap3A_920 = tpu.vector_load %arg6[%swap3A_917, %swap3A_918, %swap3A_919] {strides = array<i32>} : memref<2x16x2048xf32, #tpu.memory_space<vmem>>, vector<1x1x16xf32>,
        %swap3A_921 = vector.shape_cast %swap3A_920 : vector<1x1x16xf32> to vector<16xf32>
        %swap3A_922 = vector.shape_cast %get3A_916 : vector<16xf32> to vector<1x1x16xf32>
        tpu.vector_store %arg6[%swap3A_917, %swap3A_918, %swap3A_919], %swap3A_922 {add = true, strides = array<i32>} : memref<2x16x2048xf32, #tpu.memory_space<vmem>>, vector<1x1x16xf32>,
        %get3A_923 = arith.index_cast %scan3A_244 : i32 to index
        %get3A_924 = arith.constant 1088 : index
        %get3A_925 = tpu.vector_load %arg5[%get3A_923, %get3A_924] {strides = array<i32>} : memref<16x2048xf32, #tpu.memory_space<vmem>>, vector<1x16xf32>,
        %get3A_926 = vector.shape_cast %get3A_925 : vector<1x16xf32> to vector<16xf32>
        %swap3A_927 = arith.index_cast %select_n3A_78 : i32 to index
        %swap3A_928 = arith.index_cast %scan3A_244 : i32 to index
        %swap3A_929 = arith.constant 1088 : index
        %swap3A_930 = tpu.vector_load %arg6[%swap3A_927, %swap3A_928, %swap3A_929] {strides = array<i32>} : memref<2x16x2048xf32, #tpu.memory_space<vmem>>, vector<1x1x16xf32>,
        %swap3A_931 = vector.shape_cast %swap3A_930 : vector<1x1x16xf32> to vector<16xf32>
        %swap3A_932 = vector.shape_cast %get3A_926 : vector<16xf32> to vector<1x1x16xf32>
        tpu.vector_store %arg6[%swap3A_927, %swap3A_928, %swap3A_929], %swap3A_932 {add = true, strides = array<i32>} : memref<2x16x2048xf32, #tpu.memory_space<vmem>>, vector<1x1x16xf32>,
        %get3A_933 = arith.index_cast %scan3A_244 : i32 to index
        %get3A_934 = arith.constant 1104 : index
        %get3A_935 = tpu.vector_load %arg5[%get3A_933, %get3A_934] {strides = array<i32>} : memref<16x2048xf32, #tpu.memory_space<vmem>>, vector<1x16xf32>,
        %get3A_936 = vector.shape_cast %get3A_935 : vector<1x16xf32> to vector<16xf32>
        %swap3A_937 = arith.index_cast %select_n3A_78 : i32 to index
        %swap3A_938 = arith.index_cast %scan3A_244 : i32 to index
        %swap3A_939 = arith.constant 1104 : index
        %swap3A_940 = tpu.vector_load %arg6[%swap3A_937, %swap3A_938, %swap3A_939] {strides = array<i32>} : memref<2x16x2048xf32, #tpu.memory_space<vmem>>, vector<1x1x16xf32>,
        %swap3A_941 = vector.shape_cast %swap3A_940 : vector<1x1x16xf32> to vector<16xf32>
        %swap3A_942 = vector.shape_cast %get3A_936 : vector<16xf32> to vector<1x1x16xf32>
        tpu.vector_store %arg6[%swap3A_937, %swap3A_938, %swap3A_939], %swap3A_942 {add = true, strides = array<i32>} : memref<2x16x2048xf32, #tpu.memory_space<vmem>>, vector<1x1x16xf32>,
        %get3A_943 = arith.index_cast %scan3A_244 : i32 to index
        %get3A_944 = arith.constant 1120 : index
        %get3A_945 = tpu.vector_load %arg5[%get3A_943, %get3A_944] {strides = array<i32>} : memref<16x2048xf32, #tpu.memory_space<vmem>>, vector<1x16xf32>,
        %get3A_946 = vector.shape_cast %get3A_945 : vector<1x16xf32> to vector<16xf32>
        %swap3A_947 = arith.index_cast %select_n3A_78 : i32 to index
        %swap3A_948 = arith.index_cast %scan3A_244 : i32 to index
        %swap3A_949 = arith.constant 1120 : index
        %swap3A_950 = tpu.vector_load %arg6[%swap3A_947, %swap3A_948, %swap3A_949] {strides = array<i32>} : memref<2x16x2048xf32, #tpu.memory_space<vmem>>, vector<1x1x16xf32>,
        %swap3A_951 = vector.shape_cast %swap3A_950 : vector<1x1x16xf32> to vector<16xf32>
        %swap3A_952 = vector.shape_cast %get3A_946 : vector<16xf32> to vector<1x1x16xf32>
        tpu.vector_store %arg6[%swap3A_947, %swap3A_948, %swap3A_949], %swap3A_952 {add = true, strides = array<i32>} : memref<2x16x2048xf32, #tpu.memory_space<vmem>>, vector<1x1x16xf32>,
        %get3A_953 = arith.index_cast %scan3A_244 : i32 to index
        %get3A_954 = arith.constant 1136 : index
        %get3A_955 = tpu.vector_load %arg5[%get3A_953, %get3A_954] {strides = array<i32>} : memref<16x2048xf32, #tpu.memory_space<vmem>>, vector<1x16xf32>,
        %get3A_956 = vector.shape_cast %get3A_955 : vector<1x16xf32> to vector<16xf32>
        %swap3A_957 = arith.index_cast %select_n3A_78 : i32 to index
        %swap3A_958 = arith.index_cast %scan3A_244 : i32 to index
        %swap3A_959 = arith.constant 1136 : index
        %swap3A_960 = tpu.vector_load %arg6[%swap3A_957, %swap3A_958, %swap3A_959] {strides = array<i32>} : memref<2x16x2048xf32, #tpu.memory_space<vmem>>, vector<1x1x16xf32>,
        %swap3A_961 = vector.shape_cast %swap3A_960 : vector<1x1x16xf32> to vector<16xf32>
        %swap3A_962 = vector.shape_cast %get3A_956 : vector<16xf32> to vector<1x1x16xf32>
        tpu.vector_store %arg6[%swap3A_957, %swap3A_958, %swap3A_959], %swap3A_962 {add = true, strides = array<i32>} : memref<2x16x2048xf32, #tpu.memory_space<vmem>>, vector<1x1x16xf32>,
        %get3A_963 = arith.index_cast %scan3A_244 : i32 to index
        %get3A_964 = arith.constant 1152 : index
        %get3A_965 = tpu.vector_load %arg5[%get3A_963, %get3A_964] {strides = array<i32>} : memref<16x2048xf32, #tpu.memory_space<vmem>>, vector<1x16xf32>,
        %get3A_966 = vector.shape_cast %get3A_965 : vector<1x16xf32> to vector<16xf32>
        %swap3A_967 = arith.index_cast %select_n3A_78 : i32 to index
        %swap3A_968 = arith.index_cast %scan3A_244 : i32 to index
        %swap3A_969 = arith.constant 1152 : index
        %swap3A_970 = tpu.vector_load %arg6[%swap3A_967, %swap3A_968, %swap3A_969] {strides = array<i32>} : memref<2x16x2048xf32, #tpu.memory_space<vmem>>, vector<1x1x16xf32>,
        %swap3A_971 = vector.shape_cast %swap3A_970 : vector<1x1x16xf32> to vector<16xf32>
        %swap3A_972 = vector.shape_cast %get3A_966 : vector<16xf32> to vector<1x1x16xf32>
        tpu.vector_store %arg6[%swap3A_967, %swap3A_968, %swap3A_969], %swap3A_972 {add = true, strides = array<i32>} : memref<2x16x2048xf32, #tpu.memory_space<vmem>>, vector<1x1x16xf32>,
        %get3A_973 = arith.index_cast %scan3A_244 : i32 to index
        %get3A_974 = arith.constant 1168 : index
        %get3A_975 = tpu.vector_load %arg5[%get3A_973, %get3A_974] {strides = array<i32>} : memref<16x2048xf32, #tpu.memory_space<vmem>>, vector<1x16xf32>,
        %get3A_976 = vector.shape_cast %get3A_975 : vector<1x16xf32> to vector<16xf32>
        %swap3A_977 = arith.index_cast %select_n3A_78 : i32 to index
        %swap3A_978 = arith.index_cast %scan3A_244 : i32 to index
        %swap3A_979 = arith.constant 1168 : index
        %swap3A_980 = tpu.vector_load %arg6[%swap3A_977, %swap3A_978, %swap3A_979] {strides = array<i32>} : memref<2x16x2048xf32, #tpu.memory_space<vmem>>, vector<1x1x16xf32>,
        %swap3A_981 = vector.shape_cast %swap3A_980 : vector<1x1x16xf32> to vector<16xf32>
        %swap3A_982 = vector.shape_cast %get3A_976 : vector<16xf32> to vector<1x1x16xf32>
        tpu.vector_store %arg6[%swap3A_977, %swap3A_978, %swap3A_979], %swap3A_982 {add = true, strides = array<i32>} : memref<2x16x2048xf32, #tpu.memory_space<vmem>>, vector<1x1x16xf32>,
        %get3A_983 = arith.index_cast %scan3A_244 : i32 to index
        %get3A_984 = arith.constant 1184 : index
        %get3A_985 = tpu.vector_load %arg5[%get3A_983, %get3A_984] {strides = array<i32>} : memref<16x2048xf32, #tpu.memory_space<vmem>>, vector<1x16xf32>,
        %get3A_986 = vector.shape_cast %get3A_985 : vector<1x16xf32> to vector<16xf32>
        %swap3A_987 = arith.index_cast %select_n3A_78 : i32 to index
        %swap3A_988 = arith.index_cast %scan3A_244 : i32 to index
        %swap3A_989 = arith.constant 1184 : index
        %swap3A_990 = tpu.vector_load %arg6[%swap3A_987, %swap3A_988, %swap3A_989] {strides = array<i32>} : memref<2x16x2048xf32, #tpu.memory_space<vmem>>, vector<1x1x16xf32>,
        %swap3A_991 = vector.shape_cast %swap3A_990 : vector<1x1x16xf32> to vector<16xf32>
        %swap3A_992 = vector.shape_cast %get3A_986 : vector<16xf32> to vector<1x1x16xf32>
        tpu.vector_store %arg6[%swap3A_987, %swap3A_988, %swap3A_989], %swap3A_992 {add = true, strides = array<i32>} : memref<2x16x2048xf32, #tpu.memory_space<vmem>>, vector<1x1x16xf32>,
        %get3A_993 = arith.index_cast %scan3A_244 : i32 to index
        %get3A_994 = arith.constant 1200 : index
        %get3A_995 = tpu.vector_load %arg5[%get3A_993, %get3A_994] {strides = array<i32>} : memref<16x2048xf32, #tpu.memory_space<vmem>>, vector<1x16xf32>,
        %get3A_996 = vector.shape_cast %get3A_995 : vector<1x16xf32> to vector<16xf32>
        %swap3A_997 = arith.index_cast %select_n3A_78 : i32 to index
        %swap3A_998 = arith.index_cast %scan3A_244 : i32 to index
        %swap3A_999 = arith.constant 1200 : index
        %swap3A_1000 = tpu.vector_load %arg6[%swap3A_997, %swap3A_998, %swap3A_999] {strides = array<i32>} : memref<2x16x2048xf32, #tpu.memory_space<vmem>>, vector<1x1x16xf32>,
        %swap3A_1001 = vector.shape_cast %swap3A_1000 : vector<1x1x16xf32> to vector<16xf32>
        %swap3A_1002 = vector.shape_cast %get3A_996 : vector<16xf32> to vector<1x1x16xf32>
        tpu.vector_store %arg6[%swap3A_997, %swap3A_998, %swap3A_999], %swap3A_1002 {add = true, strides = array<i32>} : memref<2x16x2048xf32, #tpu.memory_space<vmem>>, vector<1x1x16xf32>,
        %get3A_1003 = arith.index_cast %scan3A_244 : i32 to index
        %get3A_1004 = arith.constant 1216 : index
        %get3A_1005 = tpu.vector_load %arg5[%get3A_1003, %get3A_1004] {strides = array<i32>} : memref<16x2048xf32, #tpu.memory_space<vmem>>, vector<1x16xf32>,
        %get3A_1006 = vector.shape_cast %get3A_1005 : vector<1x16xf32> to vector<16xf32>
        %swap3A_1007 = arith.index_cast %select_n3A_78 : i32 to index
        %swap3A_1008 = arith.index_cast %scan3A_244 : i32 to index
        %swap3A_1009 = arith.constant 1216 : index
        %swap3A_1010 = tpu.vector_load %arg6[%swap3A_1007, %swap3A_1008, %swap3A_1009] {strides = array<i32>} : memref<2x16x2048xf32, #tpu.memory_space<vmem>>, vector<1x1x16xf32>,
        %swap3A_1011 = vector.shape_cast %swap3A_1010 : vector<1x1x16xf32> to vector<16xf32>
        %swap3A_1012 = vector.shape_cast %get3A_1006 : vector<16xf32> to vector<1x1x16xf32>
        tpu.vector_store %arg6[%swap3A_1007, %swap3A_1008, %swap3A_1009], %swap3A_1012 {add = true, strides = array<i32>} : memref<2x16x2048xf32, #tpu.memory_space<vmem>>, vector<1x1x16xf32>,
        %get3A_1013 = arith.index_cast %scan3A_244 : i32 to index
        %get3A_1014 = arith.constant 1232 : index
        %get3A_1015 = tpu.vector_load %arg5[%get3A_1013, %get3A_1014] {strides = array<i32>} : memref<16x2048xf32, #tpu.memory_space<vmem>>, vector<1x16xf32>,
        %get3A_1016 = vector.shape_cast %get3A_1015 : vector<1x16xf32> to vector<16xf32>
        %swap3A_1017 = arith.index_cast %select_n3A_78 : i32 to index
        %swap3A_1018 = arith.index_cast %scan3A_244 : i32 to index
        %swap3A_1019 = arith.constant 1232 : index
        %swap3A_1020 = tpu.vector_load %arg6[%swap3A_1017, %swap3A_1018, %swap3A_1019] {strides = array<i32>} : memref<2x16x2048xf32, #tpu.memory_space<vmem>>, vector<1x1x16xf32>,
        %swap3A_1021 = vector.shape_cast %swap3A_1020 : vector<1x1x16xf32> to vector<16xf32>
        %swap3A_1022 = vector.shape_cast %get3A_1016 : vector<16xf32> to vector<1x1x16xf32>
        tpu.vector_store %arg6[%swap3A_1017, %swap3A_1018, %swap3A_1019], %swap3A_1022 {add = true, strides = array<i32>} : memref<2x16x2048xf32, #tpu.memory_space<vmem>>, vector<1x1x16xf32>,
        %get3A_1023 = arith.index_cast %scan3A_244 : i32 to index
        %get3A_1024 = arith.constant 1248 : index
        %get3A_1025 = tpu.vector_load %arg5[%get3A_1023, %get3A_1024] {strides = array<i32>} : memref<16x2048xf32, #tpu.memory_space<vmem>>, vector<1x16xf32>,
        %get3A_1026 = vector.shape_cast %get3A_1025 : vector<1x16xf32> to vector<16xf32>
        %swap3A_1027 = arith.index_cast %select_n3A_78 : i32 to index
        %swap3A_1028 = arith.index_cast %scan3A_244 : i32 to index
        %swap3A_1029 = arith.constant 1248 : index
        %swap3A_1030 = tpu.vector_load %arg6[%swap3A_1027, %swap3A_1028, %swap3A_1029] {strides = array<i32>} : memref<2x16x2048xf32, #tpu.memory_space<vmem>>, vector<1x1x16xf32>,
        %swap3A_1031 = vector.shape_cast %swap3A_1030 : vector<1x1x16xf32> to vector<16xf32>
        %swap3A_1032 = vector.shape_cast %get3A_1026 : vector<16xf32> to vector<1x1x16xf32>
        tpu.vector_store %arg6[%swap3A_1027, %swap3A_1028, %swap3A_1029], %swap3A_1032 {add = true, strides = array<i32>} : memref<2x16x2048xf32, #tpu.memory_space<vmem>>, vector<1x1x16xf32>,
        %get3A_1033 = arith.index_cast %scan3A_244 : i32 to index
        %get3A_1034 = arith.constant 1264 : index
        %get3A_1035 = tpu.vector_load %arg5[%get3A_1033, %get3A_1034] {strides = array<i32>} : memref<16x2048xf32, #tpu.memory_space<vmem>>, vector<1x16xf32>,
        %get3A_1036 = vector.shape_cast %get3A_1035 : vector<1x16xf32> to vector<16xf32>
        %swap3A_1037 = arith.index_cast %select_n3A_78 : i32 to index
        %swap3A_1038 = arith.index_cast %scan3A_244 : i32 to index
        %swap3A_1039 = arith.constant 1264 : index
        %swap3A_1040 = tpu.vector_load %arg6[%swap3A_1037, %swap3A_1038, %swap3A_1039] {strides = array<i32>} : memref<2x16x2048xf32, #tpu.memory_space<vmem>>, vector<1x1x16xf32>,
        %swap3A_1041 = vector.shape_cast %swap3A_1040 : vector<1x1x16xf32> to vector<16xf32>
        %swap3A_1042 = vector.shape_cast %get3A_1036 : vector<16xf32> to vector<1x1x16xf32>
        tpu.vector_store %arg6[%swap3A_1037, %swap3A_1038, %swap3A_1039], %swap3A_1042 {add = true, strides = array<i32>} : memref<2x16x2048xf32, #tpu.memory_space<vmem>>, vector<1x1x16xf32>,
        %get3A_1043 = arith.index_cast %scan3A_244 : i32 to index
        %get3A_1044 = arith.constant 1280 : index
        %get3A_1045 = tpu.vector_load %arg5[%get3A_1043, %get3A_1044] {strides = array<i32>} : memref<16x2048xf32, #tpu.memory_space<vmem>>, vector<1x16xf32>,
        %get3A_1046 = vector.shape_cast %get3A_1045 : vector<1x16xf32> to vector<16xf32>
        %swap3A_1047 = arith.index_cast %select_n3A_78 : i32 to index
        %swap3A_1048 = arith.index_cast %scan3A_244 : i32 to index
        %swap3A_1049 = arith.constant 1280 : index
        %swap3A_1050 = tpu.vector_load %arg6[%swap3A_1047, %swap3A_1048, %swap3A_1049] {strides = array<i32>} : memref<2x16x2048xf32, #tpu.memory_space<vmem>>, vector<1x1x16xf32>,
        %swap3A_1051 = vector.shape_cast %swap3A_1050 : vector<1x1x16xf32> to vector<16xf32>
        %swap3A_1052 = vector.shape_cast %get3A_1046 : vector<16xf32> to vector<1x1x16xf32>
        tpu.vector_store %arg6[%swap3A_1047, %swap3A_1048, %swap3A_1049], %swap3A_1052 {add = true, strides = array<i32>} : memref<2x16x2048xf32, #tpu.memory_space<vmem>>, vector<1x1x16xf32>,
        %get3A_1053 = arith.index_cast %scan3A_244 : i32 to index
        %get3A_1054 = arith.constant 1296 : index
        %get3A_1055 = tpu.vector_load %arg5[%get3A_1053, %get3A_1054] {strides = array<i32>} : memref<16x2048xf32, #tpu.memory_space<vmem>>, vector<1x16xf32>,
        %get3A_1056 = vector.shape_cast %get3A_1055 : vector<1x16xf32> to vector<16xf32>
        %swap3A_1057 = arith.index_cast %select_n3A_78 : i32 to index
        %swap3A_1058 = arith.index_cast %scan3A_244 : i32 to index
        %swap3A_1059 = arith.constant 1296 : index
        %swap3A_1060 = tpu.vector_load %arg6[%swap3A_1057, %swap3A_1058, %swap3A_1059] {strides = array<i32>} : memref<2x16x2048xf32, #tpu.memory_space<vmem>>, vector<1x1x16xf32>,
        %swap3A_1061 = vector.shape_cast %swap3A_1060 : vector<1x1x16xf32> to vector<16xf32>
        %swap3A_1062 = vector.shape_cast %get3A_1056 : vector<16xf32> to vector<1x1x16xf32>
        tpu.vector_store %arg6[%swap3A_1057, %swap3A_1058, %swap3A_1059], %swap3A_1062 {add = true, strides = array<i32>} : memref<2x16x2048xf32, #tpu.memory_space<vmem>>, vector<1x1x16xf32>,
        %get3A_1063 = arith.index_cast %scan3A_244 : i32 to index
        %get3A_1064 = arith.constant 1312 : index
        %get3A_1065 = tpu.vector_load %arg5[%get3A_1063, %get3A_1064] {strides = array<i32>} : memref<16x2048xf32, #tpu.memory_space<vmem>>, vector<1x16xf32>,
        %get3A_1066 = vector.shape_cast %get3A_1065 : vector<1x16xf32> to vector<16xf32>
        %swap3A_1067 = arith.index_cast %select_n3A_78 : i32 to index
        %swap3A_1068 = arith.index_cast %scan3A_244 : i32 to index
        %swap3A_1069 = arith.constant 1312 : index
        %swap3A_1070 = tpu.vector_load %arg6[%swap3A_1067, %swap3A_1068, %swap3A_1069] {strides = array<i32>} : memref<2x16x2048xf32, #tpu.memory_space<vmem>>, vector<1x1x16xf32>,
        %swap3A_1071 = vector.shape_cast %swap3A_1070 : vector<1x1x16xf32> to vector<16xf32>
        %swap3A_1072 = vector.shape_cast %get3A_1066 : vector<16xf32> to vector<1x1x16xf32>
        tpu.vector_store %arg6[%swap3A_1067, %swap3A_1068, %swap3A_1069], %swap3A_1072 {add = true, strides = array<i32>} : memref<2x16x2048xf32, #tpu.memory_space<vmem>>, vector<1x1x16xf32>,
        %get3A_1073 = arith.index_cast %scan3A_244 : i32 to index
        %get3A_1074 = arith.constant 1328 : index
        %get3A_1075 = tpu.vector_load %arg5[%get3A_1073, %get3A_1074] {strides = array<i32>} : memref<16x2048xf32, #tpu.memory_space<vmem>>, vector<1x16xf32>,
        %get3A_1076 = vector.shape_cast %get3A_1075 : vector<1x16xf32> to vector<16xf32>
        %swap3A_1077 = arith.index_cast %select_n3A_78 : i32 to index
        %swap3A_1078 = arith.index_cast %scan3A_244 : i32 to index
        %swap3A_1079 = arith.constant 1328 : index
        %swap3A_1080 = tpu.vector_load %arg6[%swap3A_1077, %swap3A_1078, %swap3A_1079] {strides = array<i32>} : memref<2x16x2048xf32, #tpu.memory_space<vmem>>, vector<1x1x16xf32>,
        %swap3A_1081 = vector.shape_cast %swap3A_1080 : vector<1x1x16xf32> to vector<16xf32>
        %swap3A_1082 = vector.shape_cast %get3A_1076 : vector<16xf32> to vector<1x1x16xf32>
        tpu.vector_store %arg6[%swap3A_1077, %swap3A_1078, %swap3A_1079], %swap3A_1082 {add = true, strides = array<i32>} : memref<2x16x2048xf32, #tpu.memory_space<vmem>>, vector<1x1x16xf32>,
        %get3A_1083 = arith.index_cast %scan3A_244 : i32 to index
        %get3A_1084 = arith.constant 1344 : index
        %get3A_1085 = tpu.vector_load %arg5[%get3A_1083, %get3A_1084] {strides = array<i32>} : memref<16x2048xf32, #tpu.memory_space<vmem>>, vector<1x16xf32>,
        %get3A_1086 = vector.shape_cast %get3A_1085 : vector<1x16xf32> to vector<16xf32>
        %swap3A_1087 = arith.index_cast %select_n3A_78 : i32 to index
        %swap3A_1088 = arith.index_cast %scan3A_244 : i32 to index
        %swap3A_1089 = arith.constant 1344 : index
        %swap3A_1090 = tpu.vector_load %arg6[%swap3A_1087, %swap3A_1088, %swap3A_1089] {strides = array<i32>} : memref<2x16x2048xf32, #tpu.memory_space<vmem>>, vector<1x1x16xf32>,
        %swap3A_1091 = vector.shape_cast %swap3A_1090 : vector<1x1x16xf32> to vector<16xf32>
        %swap3A_1092 = vector.shape_cast %get3A_1086 : vector<16xf32> to vector<1x1x16xf32>
        tpu.vector_store %arg6[%swap3A_1087, %swap3A_1088, %swap3A_1089], %swap3A_1092 {add = true, strides = array<i32>} : memref<2x16x2048xf32, #tpu.memory_space<vmem>>, vector<1x1x16xf32>,
        %get3A_1093 = arith.index_cast %scan3A_244 : i32 to index
        %get3A_1094 = arith.constant 1360 : index
        %get3A_1095 = tpu.vector_load %arg5[%get3A_1093, %get3A_1094] {strides = array<i32>} : memref<16x2048xf32, #tpu.memory_space<vmem>>, vector<1x16xf32>,
        %get3A_1096 = vector.shape_cast %get3A_1095 : vector<1x16xf32> to vector<16xf32>
        %swap3A_1097 = arith.index_cast %select_n3A_78 : i32 to index
        %swap3A_1098 = arith.index_cast %scan3A_244 : i32 to index
        %swap3A_1099 = arith.constant 1360 : index
        %swap3A_1100 = tpu.vector_load %arg6[%swap3A_1097, %swap3A_1098, %swap3A_1099] {strides = array<i32>} : memref<2x16x2048xf32, #tpu.memory_space<vmem>>, vector<1x1x16xf32>,
        %swap3A_1101 = vector.shape_cast %swap3A_1100 : vector<1x1x16xf32> to vector<16xf32>
        %swap3A_1102 = vector.shape_cast %get3A_1096 : vector<16xf32> to vector<1x1x16xf32>
        tpu.vector_store %arg6[%swap3A_1097, %swap3A_1098, %swap3A_1099], %swap3A_1102 {add = true, strides = array<i32>} : memref<2x16x2048xf32, #tpu.memory_space<vmem>>, vector<1x1x16xf32>,
        %get3A_1103 = arith.index_cast %scan3A_244 : i32 to index
        %get3A_1104 = arith.constant 1376 : index
        %get3A_1105 = tpu.vector_load %arg5[%get3A_1103, %get3A_1104] {strides = array<i32>} : memref<16x2048xf32, #tpu.memory_space<vmem>>, vector<1x16xf32>,
        %get3A_1106 = vector.shape_cast %get3A_1105 : vector<1x16xf32> to vector<16xf32>
        %swap3A_1107 = arith.index_cast %select_n3A_78 : i32 to index
        %swap3A_1108 = arith.index_cast %scan3A_244 : i32 to index
        %swap3A_1109 = arith.constant 1376 : index
        %swap3A_1110 = tpu.vector_load %arg6[%swap3A_1107, %swap3A_1108, %swap3A_1109] {strides = array<i32>} : memref<2x16x2048xf32, #tpu.memory_space<vmem>>, vector<1x1x16xf32>,
        %swap3A_1111 = vector.shape_cast %swap3A_1110 : vector<1x1x16xf32> to vector<16xf32>
        %swap3A_1112 = vector.shape_cast %get3A_1106 : vector<16xf32> to vector<1x1x16xf32>
        tpu.vector_store %arg6[%swap3A_1107, %swap3A_1108, %swap3A_1109], %swap3A_1112 {add = true, strides = array<i32>} : memref<2x16x2048xf32, #tpu.memory_space<vmem>>, vector<1x1x16xf32>,
        %get3A_1113 = arith.index_cast %scan3A_244 : i32 to index
        %get3A_1114 = arith.constant 1392 : index
        %get3A_1115 = tpu.vector_load %arg5[%get3A_1113, %get3A_1114] {strides = array<i32>} : memref<16x2048xf32, #tpu.memory_space<vmem>>, vector<1x16xf32>,
        %get3A_1116 = vector.shape_cast %get3A_1115 : vector<1x16xf32> to vector<16xf32>
        %swap3A_1117 = arith.index_cast %select_n3A_78 : i32 to index
        %swap3A_1118 = arith.index_cast %scan3A_244 : i32 to index
        %swap3A_1119 = arith.constant 1392 : index
        %swap3A_1120 = tpu.vector_load %arg6[%swap3A_1117, %swap3A_1118, %swap3A_1119] {strides = array<i32>} : memref<2x16x2048xf32, #tpu.memory_space<vmem>>, vector<1x1x16xf32>,
        %swap3A_1121 = vector.shape_cast %swap3A_1120 : vector<1x1x16xf32> to vector<16xf32>
        %swap3A_1122 = vector.shape_cast %get3A_1116 : vector<16xf32> to vector<1x1x16xf32>
        tpu.vector_store %arg6[%swap3A_1117, %swap3A_1118, %swap3A_1119], %swap3A_1122 {add = true, strides = array<i32>} : memref<2x16x2048xf32, #tpu.memory_space<vmem>>, vector<1x1x16xf32>,
        %get3A_1123 = arith.index_cast %scan3A_244 : i32 to index
        %get3A_1124 = arith.constant 1408 : index
        %get3A_1125 = tpu.vector_load %arg5[%get3A_1123, %get3A_1124] {strides = array<i32>} : memref<16x2048xf32, #tpu.memory_space<vmem>>, vector<1x16xf32>,
        %get3A_1126 = vector.shape_cast %get3A_1125 : vector<1x16xf32> to vector<16xf32>
        %swap3A_1127 = arith.index_cast %select_n3A_78 : i32 to index
        %swap3A_1128 = arith.index_cast %scan3A_244 : i32 to index
        %swap3A_1129 = arith.constant 1408 : index
        %swap3A_1130 = tpu.vector_load %arg6[%swap3A_1127, %swap3A_1128, %swap3A_1129] {strides = array<i32>} : memref<2x16x2048xf32, #tpu.memory_space<vmem>>, vector<1x1x16xf32>,
        %swap3A_1131 = vector.shape_cast %swap3A_1130 : vector<1x1x16xf32> to vector<16xf32>
        %swap3A_1132 = vector.shape_cast %get3A_1126 : vector<16xf32> to vector<1x1x16xf32>
        tpu.vector_store %arg6[%swap3A_1127, %swap3A_1128, %swap3A_1129], %swap3A_1132 {add = true, strides = array<i32>} : memref<2x16x2048xf32, #tpu.memory_space<vmem>>, vector<1x1x16xf32>,
        %get3A_1133 = arith.index_cast %scan3A_244 : i32 to index
        %get3A_1134 = arith.constant 1424 : index
        %get3A_1135 = tpu.vector_load %arg5[%get3A_1133, %get3A_1134] {strides = array<i32>} : memref<16x2048xf32, #tpu.memory_space<vmem>>, vector<1x16xf32>,
        %get3A_1136 = vector.shape_cast %get3A_1135 : vector<1x16xf32> to vector<16xf32>
        %swap3A_1137 = arith.index_cast %select_n3A_78 : i32 to index
        %swap3A_1138 = arith.index_cast %scan3A_244 : i32 to index
        %swap3A_1139 = arith.constant 1424 : index
        %swap3A_1140 = tpu.vector_load %arg6[%swap3A_1137, %swap3A_1138, %swap3A_1139] {strides = array<i32>} : memref<2x16x2048xf32, #tpu.memory_space<vmem>>, vector<1x1x16xf32>,
        %swap3A_1141 = vector.shape_cast %swap3A_1140 : vector<1x1x16xf32> to vector<16xf32>
        %swap3A_1142 = vector.shape_cast %get3A_1136 : vector<16xf32> to vector<1x1x16xf32>
        tpu.vector_store %arg6[%swap3A_1137, %swap3A_1138, %swap3A_1139], %swap3A_1142 {add = true, strides = array<i32>} : memref<2x16x2048xf32, #tpu.memory_space<vmem>>, vector<1x1x16xf32>,
        %get3A_1143 = arith.index_cast %scan3A_244 : i32 to index
        %get3A_1144 = arith.constant 1440 : index
        %get3A_1145 = tpu.vector_load %arg5[%get3A_1143, %get3A_1144] {strides = array<i32>} : memref<16x2048xf32, #tpu.memory_space<vmem>>, vector<1x16xf32>,
        %get3A_1146 = vector.shape_cast %get3A_1145 : vector<1x16xf32> to vector<16xf32>
        %swap3A_1147 = arith.index_cast %select_n3A_78 : i32 to index
        %swap3A_1148 = arith.index_cast %scan3A_244 : i32 to index
        %swap3A_1149 = arith.constant 1440 : index
        %swap3A_1150 = tpu.vector_load %arg6[%swap3A_1147, %swap3A_1148, %swap3A_1149] {strides = array<i32>} : memref<2x16x2048xf32, #tpu.memory_space<vmem>>, vector<1x1x16xf32>,
        %swap3A_1151 = vector.shape_cast %swap3A_1150 : vector<1x1x16xf32> to vector<16xf32>
        %swap3A_1152 = vector.shape_cast %get3A_1146 : vector<16xf32> to vector<1x1x16xf32>
        tpu.vector_store %arg6[%swap3A_1147, %swap3A_1148, %swap3A_1149], %swap3A_1152 {add = true, strides = array<i32>} : memref<2x16x2048xf32, #tpu.memory_space<vmem>>, vector<1x1x16xf32>,
        %get3A_1153 = arith.index_cast %scan3A_244 : i32 to index
        %get3A_1154 = arith.constant 1456 : index
        %get3A_1155 = tpu.vector_load %arg5[%get3A_1153, %get3A_1154] {strides = array<i32>} : memref<16x2048xf32, #tpu.memory_space<vmem>>, vector<1x16xf32>,
        %get3A_1156 = vector.shape_cast %get3A_1155 : vector<1x16xf32> to vector<16xf32>
        %swap3A_1157 = arith.index_cast %select_n3A_78 : i32 to index
        %swap3A_1158 = arith.index_cast %scan3A_244 : i32 to index
        %swap3A_1159 = arith.constant 1456 : index
        %swap3A_1160 = tpu.vector_load %arg6[%swap3A_1157, %swap3A_1158, %swap3A_1159] {strides = array<i32>} : memref<2x16x2048xf32, #tpu.memory_space<vmem>>, vector<1x1x16xf32>,
        %swap3A_1161 = vector.shape_cast %swap3A_1160 : vector<1x1x16xf32> to vector<16xf32>
        %swap3A_1162 = vector.shape_cast %get3A_1156 : vector<16xf32> to vector<1x1x16xf32>
        tpu.vector_store %arg6[%swap3A_1157, %swap3A_1158, %swap3A_1159], %swap3A_1162 {add = true, strides = array<i32>} : memref<2x16x2048xf32, #tpu.memory_space<vmem>>, vector<1x1x16xf32>,
        %get3A_1163 = arith.index_cast %scan3A_244 : i32 to index
        %get3A_1164 = arith.constant 1472 : index
        %get3A_1165 = tpu.vector_load %arg5[%get3A_1163, %get3A_1164] {strides = array<i32>} : memref<16x2048xf32, #tpu.memory_space<vmem>>, vector<1x16xf32>,
        %get3A_1166 = vector.shape_cast %get3A_1165 : vector<1x16xf32> to vector<16xf32>
        %swap3A_1167 = arith.index_cast %select_n3A_78 : i32 to index
        %swap3A_1168 = arith.index_cast %scan3A_244 : i32 to index
        %swap3A_1169 = arith.constant 1472 : index
        %swap3A_1170 = tpu.vector_load %arg6[%swap3A_1167, %swap3A_1168, %swap3A_1169] {strides = array<i32>} : memref<2x16x2048xf32, #tpu.memory_space<vmem>>, vector<1x1x16xf32>,
        %swap3A_1171 = vector.shape_cast %swap3A_1170 : vector<1x1x16xf32> to vector<16xf32>
        %swap3A_1172 = vector.shape_cast %get3A_1166 : vector<16xf32> to vector<1x1x16xf32>
        tpu.vector_store %arg6[%swap3A_1167, %swap3A_1168, %swap3A_1169], %swap3A_1172 {add = true, strides = array<i32>} : memref<2x16x2048xf32, #tpu.memory_space<vmem>>, vector<1x1x16xf32>,
        %get3A_1173 = arith.index_cast %scan3A_244 : i32 to index
        %get3A_1174 = arith.constant 1488 : index
        %get3A_1175 = tpu.vector_load %arg5[%get3A_1173, %get3A_1174] {strides = array<i32>} : memref<16x2048xf32, #tpu.memory_space<vmem>>, vector<1x16xf32>,
        %get3A_1176 = vector.shape_cast %get3A_1175 : vector<1x16xf32> to vector<16xf32>
        %swap3A_1177 = arith.index_cast %select_n3A_78 : i32 to index
        %swap3A_1178 = arith.index_cast %scan3A_244 : i32 to index
        %swap3A_1179 = arith.constant 1488 : index
        %swap3A_1180 = tpu.vector_load %arg6[%swap3A_1177, %swap3A_1178, %swap3A_1179] {strides = array<i32>} : memref<2x16x2048xf32, #tpu.memory_space<vmem>>, vector<1x1x16xf32>,
        %swap3A_1181 = vector.shape_cast %swap3A_1180 : vector<1x1x16xf32> to vector<16xf32>
        %swap3A_1182 = vector.shape_cast %get3A_1176 : vector<16xf32> to vector<1x1x16xf32>
        tpu.vector_store %arg6[%swap3A_1177, %swap3A_1178, %swap3A_1179], %swap3A_1182 {add = true, strides = array<i32>} : memref<2x16x2048xf32, #tpu.memory_space<vmem>>, vector<1x1x16xf32>,
        %get3A_1183 = arith.index_cast %scan3A_244 : i32 to index
        %get3A_1184 = arith.constant 1504 : index
        %get3A_1185 = tpu.vector_load %arg5[%get3A_1183, %get3A_1184] {strides = array<i32>} : memref<16x2048xf32, #tpu.memory_space<vmem>>, vector<1x16xf32>,
        %get3A_1186 = vector.shape_cast %get3A_1185 : vector<1x16xf32> to vector<16xf32>
        %swap3A_1187 = arith.index_cast %select_n3A_78 : i32 to index
        %swap3A_1188 = arith.index_cast %scan3A_244 : i32 to index
        %swap3A_1189 = arith.constant 1504 : index
        %swap3A_1190 = tpu.vector_load %arg6[%swap3A_1187, %swap3A_1188, %swap3A_1189] {strides = array<i32>} : memref<2x16x2048xf32, #tpu.memory_space<vmem>>, vector<1x1x16xf32>,
        %swap3A_1191 = vector.shape_cast %swap3A_1190 : vector<1x1x16xf32> to vector<16xf32>
        %swap3A_1192 = vector.shape_cast %get3A_1186 : vector<16xf32> to vector<1x1x16xf32>
        tpu.vector_store %arg6[%swap3A_1187, %swap3A_1188, %swap3A_1189], %swap3A_1192 {add = true, strides = array<i32>} : memref<2x16x2048xf32, #tpu.memory_space<vmem>>, vector<1x1x16xf32>,
        %get3A_1193 = arith.index_cast %scan3A_244 : i32 to index
        %get3A_1194 = arith.constant 1520 : index
        %get3A_1195 = tpu.vector_load %arg5[%get3A_1193, %get3A_1194] {strides = array<i32>} : memref<16x2048xf32, #tpu.memory_space<vmem>>, vector<1x16xf32>,
        %get3A_1196 = vector.shape_cast %get3A_1195 : vector<1x16xf32> to vector<16xf32>
        %swap3A_1197 = arith.index_cast %select_n3A_78 : i32 to index
        %swap3A_1198 = arith.index_cast %scan3A_244 : i32 to index
        %swap3A_1199 = arith.constant 1520 : index
        %swap3A_1200 = tpu.vector_load %arg6[%swap3A_1197, %swap3A_1198, %swap3A_1199] {strides = array<i32>} : memref<2x16x2048xf32, #tpu.memory_space<vmem>>, vector<1x1x16xf32>,
        %swap3A_1201 = vector.shape_cast %swap3A_1200 : vector<1x1x16xf32> to vector<16xf32>
        %swap3A_1202 = vector.shape_cast %get3A_1196 : vector<16xf32> to vector<1x1x16xf32>
        tpu.vector_store %arg6[%swap3A_1197, %swap3A_1198, %swap3A_1199], %swap3A_1202 {add = true, strides = array<i32>} : memref<2x16x2048xf32, #tpu.memory_space<vmem>>, vector<1x1x16xf32>,
        %get3A_1203 = arith.index_cast %scan3A_244 : i32 to index
        %get3A_1204 = arith.constant 1536 : index
        %get3A_1205 = tpu.vector_load %arg5[%get3A_1203, %get3A_1204] {strides = array<i32>} : memref<16x2048xf32, #tpu.memory_space<vmem>>, vector<1x16xf32>,
        %get3A_1206 = vector.shape_cast %get3A_1205 : vector<1x16xf32> to vector<16xf32>
        %swap3A_1207 = arith.index_cast %select_n3A_78 : i32 to index
        %swap3A_1208 = arith.index_cast %scan3A_244 : i32 to index
        %swap3A_1209 = arith.constant 1536 : index
        %swap3A_1210 = tpu.vector_load %arg6[%swap3A_1207, %swap3A_1208, %swap3A_1209] {strides = array<i32>} : memref<2x16x2048xf32, #tpu.memory_space<vmem>>, vector<1x1x16xf32>,
        %swap3A_1211 = vector.shape_cast %swap3A_1210 : vector<1x1x16xf32> to vector<16xf32>
        %swap3A_1212 = vector.shape_cast %get3A_1206 : vector<16xf32> to vector<1x1x16xf32>
        tpu.vector_store %arg6[%swap3A_1207, %swap3A_1208, %swap3A_1209], %swap3A_1212 {add = true, strides = array<i32>} : memref<2x16x2048xf32, #tpu.memory_space<vmem>>, vector<1x1x16xf32>,
        %get3A_1213 = arith.index_cast %scan3A_244 : i32 to index
        %get3A_1214 = arith.constant 1552 : index
        %get3A_1215 = tpu.vector_load %arg5[%get3A_1213, %get3A_1214] {strides = array<i32>} : memref<16x2048xf32, #tpu.memory_space<vmem>>, vector<1x16xf32>,
        %get3A_1216 = vector.shape_cast %get3A_1215 : vector<1x16xf32> to vector<16xf32>
        %swap3A_1217 = arith.index_cast %select_n3A_78 : i32 to index
        %swap3A_1218 = arith.index_cast %scan3A_244 : i32 to index
        %swap3A_1219 = arith.constant 1552 : index
        %swap3A_1220 = tpu.vector_load %arg6[%swap3A_1217, %swap3A_1218, %swap3A_1219] {strides = array<i32>} : memref<2x16x2048xf32, #tpu.memory_space<vmem>>, vector<1x1x16xf32>,
        %swap3A_1221 = vector.shape_cast %swap3A_1220 : vector<1x1x16xf32> to vector<16xf32>
        %swap3A_1222 = vector.shape_cast %get3A_1216 : vector<16xf32> to vector<1x1x16xf32>
        tpu.vector_store %arg6[%swap3A_1217, %swap3A_1218, %swap3A_1219], %swap3A_1222 {add = true, strides = array<i32>} : memref<2x16x2048xf32, #tpu.memory_space<vmem>>, vector<1x1x16xf32>,
        %get3A_1223 = arith.index_cast %scan3A_244 : i32 to index
        %get3A_1224 = arith.constant 1568 : index
        %get3A_1225 = tpu.vector_load %arg5[%get3A_1223, %get3A_1224] {strides = array<i32>} : memref<16x2048xf32, #tpu.memory_space<vmem>>, vector<1x16xf32>,
        %get3A_1226 = vector.shape_cast %get3A_1225 : vector<1x16xf32> to vector<16xf32>
        %swap3A_1227 = arith.index_cast %select_n3A_78 : i32 to index
        %swap3A_1228 = arith.index_cast %scan3A_244 : i32 to index
        %swap3A_1229 = arith.constant 1568 : index
        %swap3A_1230 = tpu.vector_load %arg6[%swap3A_1227, %swap3A_1228, %swap3A_1229] {strides = array<i32>} : memref<2x16x2048xf32, #tpu.memory_space<vmem>>, vector<1x1x16xf32>,
        %swap3A_1231 = vector.shape_cast %swap3A_1230 : vector<1x1x16xf32> to vector<16xf32>
        %swap3A_1232 = vector.shape_cast %get3A_1226 : vector<16xf32> to vector<1x1x16xf32>
        tpu.vector_store %arg6[%swap3A_1227, %swap3A_1228, %swap3A_1229], %swap3A_1232 {add = true, strides = array<i32>} : memref<2x16x2048xf32, #tpu.memory_space<vmem>>, vector<1x1x16xf32>,
        %get3A_1233 = arith.index_cast %scan3A_244 : i32 to index
        %get3A_1234 = arith.constant 1584 : index
        %get3A_1235 = tpu.vector_load %arg5[%get3A_1233, %get3A_1234] {strides = array<i32>} : memref<16x2048xf32, #tpu.memory_space<vmem>>, vector<1x16xf32>,
        %get3A_1236 = vector.shape_cast %get3A_1235 : vector<1x16xf32> to vector<16xf32>
        %swap3A_1237 = arith.index_cast %select_n3A_78 : i32 to index
        %swap3A_1238 = arith.index_cast %scan3A_244 : i32 to index
        %swap3A_1239 = arith.constant 1584 : index
        %swap3A_1240 = tpu.vector_load %arg6[%swap3A_1237, %swap3A_1238, %swap3A_1239] {strides = array<i32>} : memref<2x16x2048xf32, #tpu.memory_space<vmem>>, vector<1x1x16xf32>,
        %swap3A_1241 = vector.shape_cast %swap3A_1240 : vector<1x1x16xf32> to vector<16xf32>
        %swap3A_1242 = vector.shape_cast %get3A_1236 : vector<16xf32> to vector<1x1x16xf32>
        tpu.vector_store %arg6[%swap3A_1237, %swap3A_1238, %swap3A_1239], %swap3A_1242 {add = true, strides = array<i32>} : memref<2x16x2048xf32, #tpu.memory_space<vmem>>, vector<1x1x16xf32>,
        %get3A_1243 = arith.index_cast %scan3A_244 : i32 to index
        %get3A_1244 = arith.constant 1600 : index
        %get3A_1245 = tpu.vector_load %arg5[%get3A_1243, %get3A_1244] {strides = array<i32>} : memref<16x2048xf32, #tpu.memory_space<vmem>>, vector<1x16xf32>,
        %get3A_1246 = vector.shape_cast %get3A_1245 : vector<1x16xf32> to vector<16xf32>
        %swap3A_1247 = arith.index_cast %select_n3A_78 : i32 to index
        %swap3A_1248 = arith.index_cast %scan3A_244 : i32 to index
        %swap3A_1249 = arith.constant 1600 : index
        %swap3A_1250 = tpu.vector_load %arg6[%swap3A_1247, %swap3A_1248, %swap3A_1249] {strides = array<i32>} : memref<2x16x2048xf32, #tpu.memory_space<vmem>>, vector<1x1x16xf32>,
        %swap3A_1251 = vector.shape_cast %swap3A_1250 : vector<1x1x16xf32> to vector<16xf32>
        %swap3A_1252 = vector.shape_cast %get3A_1246 : vector<16xf32> to vector<1x1x16xf32>
        tpu.vector_store %arg6[%swap3A_1247, %swap3A_1248, %swap3A_1249], %swap3A_1252 {add = true, strides = array<i32>} : memref<2x16x2048xf32, #tpu.memory_space<vmem>>, vector<1x1x16xf32>,
        %get3A_1253 = arith.index_cast %scan3A_244 : i32 to index
        %get3A_1254 = arith.constant 1616 : index
        %get3A_1255 = tpu.vector_load %arg5[%get3A_1253, %get3A_1254] {strides = array<i32>} : memref<16x2048xf32, #tpu.memory_space<vmem>>, vector<1x16xf32>,
        %get3A_1256 = vector.shape_cast %get3A_1255 : vector<1x16xf32> to vector<16xf32>
        %swap3A_1257 = arith.index_cast %select_n3A_78 : i32 to index
        %swap3A_1258 = arith.index_cast %scan3A_244 : i32 to index
        %swap3A_1259 = arith.constant 1616 : index
        %swap3A_1260 = tpu.vector_load %arg6[%swap3A_1257, %swap3A_1258, %swap3A_1259] {strides = array<i32>} : memref<2x16x2048xf32, #tpu.memory_space<vmem>>, vector<1x1x16xf32>,
        %swap3A_1261 = vector.shape_cast %swap3A_1260 : vector<1x1x16xf32> to vector<16xf32>
        %swap3A_1262 = vector.shape_cast %get3A_1256 : vector<16xf32> to vector<1x1x16xf32>
        tpu.vector_store %arg6[%swap3A_1257, %swap3A_1258, %swap3A_1259], %swap3A_1262 {add = true, strides = array<i32>} : memref<2x16x2048xf32, #tpu.memory_space<vmem>>, vector<1x1x16xf32>,
        %get3A_1263 = arith.index_cast %scan3A_244 : i32 to index
        %get3A_1264 = arith.constant 1632 : index
        %get3A_1265 = tpu.vector_load %arg5[%get3A_1263, %get3A_1264] {strides = array<i32>} : memref<16x2048xf32, #tpu.memory_space<vmem>>, vector<1x16xf32>,
        %get3A_1266 = vector.shape_cast %get3A_1265 : vector<1x16xf32> to vector<16xf32>
        %swap3A_1267 = arith.index_cast %select_n3A_78 : i32 to index
        %swap3A_1268 = arith.index_cast %scan3A_244 : i32 to index
        %swap3A_1269 = arith.constant 1632 : index
        %swap3A_1270 = tpu.vector_load %arg6[%swap3A_1267, %swap3A_1268, %swap3A_1269] {strides = array<i32>} : memref<2x16x2048xf32, #tpu.memory_space<vmem>>, vector<1x1x16xf32>,
        %swap3A_1271 = vector.shape_cast %swap3A_1270 : vector<1x1x16xf32> to vector<16xf32>
        %swap3A_1272 = vector.shape_cast %get3A_1266 : vector<16xf32> to vector<1x1x16xf32>
        tpu.vector_store %arg6[%swap3A_1267, %swap3A_1268, %swap3A_1269], %swap3A_1272 {add = true, strides = array<i32>} : memref<2x16x2048xf32, #tpu.memory_space<vmem>>, vector<1x1x16xf32>,
        %get3A_1273 = arith.index_cast %scan3A_244 : i32 to index
        %get3A_1274 = arith.constant 1648 : index
        %get3A_1275 = tpu.vector_load %arg5[%get3A_1273, %get3A_1274] {strides = array<i32>} : memref<16x2048xf32, #tpu.memory_space<vmem>>, vector<1x16xf32>,
        %get3A_1276 = vector.shape_cast %get3A_1275 : vector<1x16xf32> to vector<16xf32>
        %swap3A_1277 = arith.index_cast %select_n3A_78 : i32 to index
        %swap3A_1278 = arith.index_cast %scan3A_244 : i32 to index
        %swap3A_1279 = arith.constant 1648 : index
        %swap3A_1280 = tpu.vector_load %arg6[%swap3A_1277, %swap3A_1278, %swap3A_1279] {strides = array<i32>} : memref<2x16x2048xf32, #tpu.memory_space<vmem>>, vector<1x1x16xf32>,
        %swap3A_1281 = vector.shape_cast %swap3A_1280 : vector<1x1x16xf32> to vector<16xf32>
        %swap3A_1282 = vector.shape_cast %get3A_1276 : vector<16xf32> to vector<1x1x16xf32>
        tpu.vector_store %arg6[%swap3A_1277, %swap3A_1278, %swap3A_1279], %swap3A_1282 {add = true, strides = array<i32>} : memref<2x16x2048xf32, #tpu.memory_space<vmem>>, vector<1x1x16xf32>,
        %get3A_1283 = arith.index_cast %scan3A_244 : i32 to index
        %get3A_1284 = arith.constant 1664 : index
        %get3A_1285 = tpu.vector_load %arg5[%get3A_1283, %get3A_1284] {strides = array<i32>} : memref<16x2048xf32, #tpu.memory_space<vmem>>, vector<1x16xf32>,
        %get3A_1286 = vector.shape_cast %get3A_1285 : vector<1x16xf32> to vector<16xf32>
        %swap3A_1287 = arith.index_cast %select_n3A_78 : i32 to index
        %swap3A_1288 = arith.index_cast %scan3A_244 : i32 to index
        %swap3A_1289 = arith.constant 1664 : index
        %swap3A_1290 = tpu.vector_load %arg6[%swap3A_1287, %swap3A_1288, %swap3A_1289] {strides = array<i32>} : memref<2x16x2048xf32, #tpu.memory_space<vmem>>, vector<1x1x16xf32>,
        %swap3A_1291 = vector.shape_cast %swap3A_1290 : vector<1x1x16xf32> to vector<16xf32>
        %swap3A_1292 = vector.shape_cast %get3A_1286 : vector<16xf32> to vector<1x1x16xf32>
        tpu.vector_store %arg6[%swap3A_1287, %swap3A_1288, %swap3A_1289], %swap3A_1292 {add = true, strides = array<i32>} : memref<2x16x2048xf32, #tpu.memory_space<vmem>>, vector<1x1x16xf32>,
        %get3A_1293 = arith.index_cast %scan3A_244 : i32 to index
        %get3A_1294 = arith.constant 1680 : index
        %get3A_1295 = tpu.vector_load %arg5[%get3A_1293, %get3A_1294] {strides = array<i32>} : memref<16x2048xf32, #tpu.memory_space<vmem>>, vector<1x16xf32>,
        %get3A_1296 = vector.shape_cast %get3A_1295 : vector<1x16xf32> to vector<16xf32>
        %swap3A_1297 = arith.index_cast %select_n3A_78 : i32 to index
        %swap3A_1298 = arith.index_cast %scan3A_244 : i32 to index
        %swap3A_1299 = arith.constant 1680 : index
        %swap3A_1300 = tpu.vector_load %arg6[%swap3A_1297, %swap3A_1298, %swap3A_1299] {strides = array<i32>} : memref<2x16x2048xf32, #tpu.memory_space<vmem>>, vector<1x1x16xf32>,
        %swap3A_1301 = vector.shape_cast %swap3A_1300 : vector<1x1x16xf32> to vector<16xf32>
        %swap3A_1302 = vector.shape_cast %get3A_1296 : vector<16xf32> to vector<1x1x16xf32>
        tpu.vector_store %arg6[%swap3A_1297, %swap3A_1298, %swap3A_1299], %swap3A_1302 {add = true, strides = array<i32>} : memref<2x16x2048xf32, #tpu.memory_space<vmem>>, vector<1x1x16xf32>,
        %get3A_1303 = arith.index_cast %scan3A_244 : i32 to index
        %get3A_1304 = arith.constant 1696 : index
        %get3A_1305 = tpu.vector_load %arg5[%get3A_1303, %get3A_1304] {strides = array<i32>} : memref<16x2048xf32, #tpu.memory_space<vmem>>, vector<1x16xf32>,
        %get3A_1306 = vector.shape_cast %get3A_1305 : vector<1x16xf32> to vector<16xf32>
        %swap3A_1307 = arith.index_cast %select_n3A_78 : i32 to index
        %swap3A_1308 = arith.index_cast %scan3A_244 : i32 to index
        %swap3A_1309 = arith.constant 1696 : index
        %swap3A_1310 = tpu.vector_load %arg6[%swap3A_1307, %swap3A_1308, %swap3A_1309] {strides = array<i32>} : memref<2x16x2048xf32, #tpu.memory_space<vmem>>, vector<1x1x16xf32>,
        %swap3A_1311 = vector.shape_cast %swap3A_1310 : vector<1x1x16xf32> to vector<16xf32>
        %swap3A_1312 = vector.shape_cast %get3A_1306 : vector<16xf32> to vector<1x1x16xf32>
        tpu.vector_store %arg6[%swap3A_1307, %swap3A_1308, %swap3A_1309], %swap3A_1312 {add = true, strides = array<i32>} : memref<2x16x2048xf32, #tpu.memory_space<vmem>>, vector<1x1x16xf32>,
        %get3A_1313 = arith.index_cast %scan3A_244 : i32 to index
        %get3A_1314 = arith.constant 1712 : index
        %get3A_1315 = tpu.vector_load %arg5[%get3A_1313, %get3A_1314] {strides = array<i32>} : memref<16x2048xf32, #tpu.memory_space<vmem>>, vector<1x16xf32>,
        %get3A_1316 = vector.shape_cast %get3A_1315 : vector<1x16xf32> to vector<16xf32>
        %swap3A_1317 = arith.index_cast %select_n3A_78 : i32 to index
        %swap3A_1318 = arith.index_cast %scan3A_244 : i32 to index
        %swap3A_1319 = arith.constant 1712 : index
        %swap3A_1320 = tpu.vector_load %arg6[%swap3A_1317, %swap3A_1318, %swap3A_1319] {strides = array<i32>} : memref<2x16x2048xf32, #tpu.memory_space<vmem>>, vector<1x1x16xf32>,
        %swap3A_1321 = vector.shape_cast %swap3A_1320 : vector<1x1x16xf32> to vector<16xf32>
        %swap3A_1322 = vector.shape_cast %get3A_1316 : vector<16xf32> to vector<1x1x16xf32>
        tpu.vector_store %arg6[%swap3A_1317, %swap3A_1318, %swap3A_1319], %swap3A_1322 {add = true, strides = array<i32>} : memref<2x16x2048xf32, #tpu.memory_space<vmem>>, vector<1x1x16xf32>,
        %get3A_1323 = arith.index_cast %scan3A_244 : i32 to index
        %get3A_1324 = arith.constant 1728 : index
        %get3A_1325 = tpu.vector_load %arg5[%get3A_1323, %get3A_1324] {strides = array<i32>} : memref<16x2048xf32, #tpu.memory_space<vmem>>, vector<1x16xf32>,
        %get3A_1326 = vector.shape_cast %get3A_1325 : vector<1x16xf32> to vector<16xf32>
        %swap3A_1327 = arith.index_cast %select_n3A_78 : i32 to index
        %swap3A_1328 = arith.index_cast %scan3A_244 : i32 to index
        %swap3A_1329 = arith.constant 1728 : index
        %swap3A_1330 = tpu.vector_load %arg6[%swap3A_1327, %swap3A_1328, %swap3A_1329] {strides = array<i32>} : memref<2x16x2048xf32, #tpu.memory_space<vmem>>, vector<1x1x16xf32>,
        %swap3A_1331 = vector.shape_cast %swap3A_1330 : vector<1x1x16xf32> to vector<16xf32>
        %swap3A_1332 = vector.shape_cast %get3A_1326 : vector<16xf32> to vector<1x1x16xf32>
        tpu.vector_store %arg6[%swap3A_1327, %swap3A_1328, %swap3A_1329], %swap3A_1332 {add = true, strides = array<i32>} : memref<2x16x2048xf32, #tpu.memory_space<vmem>>, vector<1x1x16xf32>,
        %get3A_1333 = arith.index_cast %scan3A_244 : i32 to index
        %get3A_1334 = arith.constant 1744 : index
        %get3A_1335 = tpu.vector_load %arg5[%get3A_1333, %get3A_1334] {strides = array<i32>} : memref<16x2048xf32, #tpu.memory_space<vmem>>, vector<1x16xf32>,
        %get3A_1336 = vector.shape_cast %get3A_1335 : vector<1x16xf32> to vector<16xf32>
        %swap3A_1337 = arith.index_cast %select_n3A_78 : i32 to index
        %swap3A_1338 = arith.index_cast %scan3A_244 : i32 to index
        %swap3A_1339 = arith.constant 1744 : index
        %swap3A_1340 = tpu.vector_load %arg6[%swap3A_1337, %swap3A_1338, %swap3A_1339] {strides = array<i32>} : memref<2x16x2048xf32, #tpu.memory_space<vmem>>, vector<1x1x16xf32>,
        %swap3A_1341 = vector.shape_cast %swap3A_1340 : vector<1x1x16xf32> to vector<16xf32>
        %swap3A_1342 = vector.shape_cast %get3A_1336 : vector<16xf32> to vector<1x1x16xf32>
        tpu.vector_store %arg6[%swap3A_1337, %swap3A_1338, %swap3A_1339], %swap3A_1342 {add = true, strides = array<i32>} : memref<2x16x2048xf32, #tpu.memory_space<vmem>>, vector<1x1x16xf32>,
        %get3A_1343 = arith.index_cast %scan3A_244 : i32 to index
        %get3A_1344 = arith.constant 1760 : index
        %get3A_1345 = tpu.vector_load %arg5[%get3A_1343, %get3A_1344] {strides = array<i32>} : memref<16x2048xf32, #tpu.memory_space<vmem>>, vector<1x16xf32>,
        %get3A_1346 = vector.shape_cast %get3A_1345 : vector<1x16xf32> to vector<16xf32>
        %swap3A_1347 = arith.index_cast %select_n3A_78 : i32 to index
        %swap3A_1348 = arith.index_cast %scan3A_244 : i32 to index
        %swap3A_1349 = arith.constant 1760 : index
        %swap3A_1350 = tpu.vector_load %arg6[%swap3A_1347, %swap3A_1348, %swap3A_1349] {strides = array<i32>} : memref<2x16x2048xf32, #tpu.memory_space<vmem>>, vector<1x1x16xf32>,
        %swap3A_1351 = vector.shape_cast %swap3A_1350 : vector<1x1x16xf32> to vector<16xf32>
        %swap3A_1352 = vector.shape_cast %get3A_1346 : vector<16xf32> to vector<1x1x16xf32>
        tpu.vector_store %arg6[%swap3A_1347, %swap3A_1348, %swap3A_1349], %swap3A_1352 {add = true, strides = array<i32>} : memref<2x16x2048xf32, #tpu.memory_space<vmem>>, vector<1x1x16xf32>,
        %get3A_1353 = arith.index_cast %scan3A_244 : i32 to index
        %get3A_1354 = arith.constant 1776 : index
        %get3A_1355 = tpu.vector_load %arg5[%get3A_1353, %get3A_1354] {strides = array<i32>} : memref<16x2048xf32, #tpu.memory_space<vmem>>, vector<1x16xf32>,
        %get3A_1356 = vector.shape_cast %get3A_1355 : vector<1x16xf32> to vector<16xf32>
        %swap3A_1357 = arith.index_cast %select_n3A_78 : i32 to index
        %swap3A_1358 = arith.index_cast %scan3A_244 : i32 to index
        %swap3A_1359 = arith.constant 1776 : index
        %swap3A_1360 = tpu.vector_load %arg6[%swap3A_1357, %swap3A_1358, %swap3A_1359] {strides = array<i32>} : memref<2x16x2048xf32, #tpu.memory_space<vmem>>, vector<1x1x16xf32>,
        %swap3A_1361 = vector.shape_cast %swap3A_1360 : vector<1x1x16xf32> to vector<16xf32>
        %swap3A_1362 = vector.shape_cast %get3A_1356 : vector<16xf32> to vector<1x1x16xf32>
        tpu.vector_store %arg6[%swap3A_1357, %swap3A_1358, %swap3A_1359], %swap3A_1362 {add = true, strides = array<i32>} : memref<2x16x2048xf32, #tpu.memory_space<vmem>>, vector<1x1x16xf32>,
        %get3A_1363 = arith.index_cast %scan3A_244 : i32 to index
        %get3A_1364 = arith.constant 1792 : index
        %get3A_1365 = tpu.vector_load %arg5[%get3A_1363, %get3A_1364] {strides = array<i32>} : memref<16x2048xf32, #tpu.memory_space<vmem>>, vector<1x16xf32>,
        %get3A_1366 = vector.shape_cast %get3A_1365 : vector<1x16xf32> to vector<16xf32>
        %swap3A_1367 = arith.index_cast %select_n3A_78 : i32 to index
        %swap3A_1368 = arith.index_cast %scan3A_244 : i32 to index
        %swap3A_1369 = arith.constant 1792 : index
        %swap3A_1370 = tpu.vector_load %arg6[%swap3A_1367, %swap3A_1368, %swap3A_1369] {strides = array<i32>} : memref<2x16x2048xf32, #tpu.memory_space<vmem>>, vector<1x1x16xf32>,
        %swap3A_1371 = vector.shape_cast %swap3A_1370 : vector<1x1x16xf32> to vector<16xf32>
        %swap3A_1372 = vector.shape_cast %get3A_1366 : vector<16xf32> to vector<1x1x16xf32>
        tpu.vector_store %arg6[%swap3A_1367, %swap3A_1368, %swap3A_1369], %swap3A_1372 {add = true, strides = array<i32>} : memref<2x16x2048xf32, #tpu.memory_space<vmem>>, vector<1x1x16xf32>,
        %get3A_1373 = arith.index_cast %scan3A_244 : i32 to index
        %get3A_1374 = arith.constant 1808 : index
        %get3A_1375 = tpu.vector_load %arg5[%get3A_1373, %get3A_1374] {strides = array<i32>} : memref<16x2048xf32, #tpu.memory_space<vmem>>, vector<1x16xf32>,
        %get3A_1376 = vector.shape_cast %get3A_1375 : vector<1x16xf32> to vector<16xf32>
        %swap3A_1377 = arith.index_cast %select_n3A_78 : i32 to index
        %swap3A_1378 = arith.index_cast %scan3A_244 : i32 to index
        %swap3A_1379 = arith.constant 1808 : index
        %swap3A_1380 = tpu.vector_load %arg6[%swap3A_1377, %swap3A_1378, %swap3A_1379] {strides = array<i32>} : memref<2x16x2048xf32, #tpu.memory_space<vmem>>, vector<1x1x16xf32>,
        %swap3A_1381 = vector.shape_cast %swap3A_1380 : vector<1x1x16xf32> to vector<16xf32>
        %swap3A_1382 = vector.shape_cast %get3A_1376 : vector<16xf32> to vector<1x1x16xf32>
        tpu.vector_store %arg6[%swap3A_1377, %swap3A_1378, %swap3A_1379], %swap3A_1382 {add = true, strides = array<i32>} : memref<2x16x2048xf32, #tpu.memory_space<vmem>>, vector<1x1x16xf32>,
        %get3A_1383 = arith.index_cast %scan3A_244 : i32 to index
        %get3A_1384 = arith.constant 1824 : index
        %get3A_1385 = tpu.vector_load %arg5[%get3A_1383, %get3A_1384] {strides = array<i32>} : memref<16x2048xf32, #tpu.memory_space<vmem>>, vector<1x16xf32>,
        %get3A_1386 = vector.shape_cast %get3A_1385 : vector<1x16xf32> to vector<16xf32>
        %swap3A_1387 = arith.index_cast %select_n3A_78 : i32 to index
        %swap3A_1388 = arith.index_cast %scan3A_244 : i32 to index
        %swap3A_1389 = arith.constant 1824 : index
        %swap3A_1390 = tpu.vector_load %arg6[%swap3A_1387, %swap3A_1388, %swap3A_1389] {strides = array<i32>} : memref<2x16x2048xf32, #tpu.memory_space<vmem>>, vector<1x1x16xf32>,
        %swap3A_1391 = vector.shape_cast %swap3A_1390 : vector<1x1x16xf32> to vector<16xf32>
        %swap3A_1392 = vector.shape_cast %get3A_1386 : vector<16xf32> to vector<1x1x16xf32>
        tpu.vector_store %arg6[%swap3A_1387, %swap3A_1388, %swap3A_1389], %swap3A_1392 {add = true, strides = array<i32>} : memref<2x16x2048xf32, #tpu.memory_space<vmem>>, vector<1x1x16xf32>,
        %get3A_1393 = arith.index_cast %scan3A_244 : i32 to index
        %get3A_1394 = arith.constant 1840 : index
        %get3A_1395 = tpu.vector_load %arg5[%get3A_1393, %get3A_1394] {strides = array<i32>} : memref<16x2048xf32, #tpu.memory_space<vmem>>, vector<1x16xf32>,
        %get3A_1396 = vector.shape_cast %get3A_1395 : vector<1x16xf32> to vector<16xf32>
        %swap3A_1397 = arith.index_cast %select_n3A_78 : i32 to index
        %swap3A_1398 = arith.index_cast %scan3A_244 : i32 to index
        %swap3A_1399 = arith.constant 1840 : index
        %swap3A_1400 = tpu.vector_load %arg6[%swap3A_1397, %swap3A_1398, %swap3A_1399] {strides = array<i32>} : memref<2x16x2048xf32, #tpu.memory_space<vmem>>, vector<1x1x16xf32>,
        %swap3A_1401 = vector.shape_cast %swap3A_1400 : vector<1x1x16xf32> to vector<16xf32>
        %swap3A_1402 = vector.shape_cast %get3A_1396 : vector<16xf32> to vector<1x1x16xf32>
        tpu.vector_store %arg6[%swap3A_1397, %swap3A_1398, %swap3A_1399], %swap3A_1402 {add = true, strides = array<i32>} : memref<2x16x2048xf32, #tpu.memory_space<vmem>>, vector<1x1x16xf32>,
        %get3A_1403 = arith.index_cast %scan3A_244 : i32 to index
        %get3A_1404 = arith.constant 1856 : index
        %get3A_1405 = tpu.vector_load %arg5[%get3A_1403, %get3A_1404] {strides = array<i32>} : memref<16x2048xf32, #tpu.memory_space<vmem>>, vector<1x16xf32>,
        %get3A_1406 = vector.shape_cast %get3A_1405 : vector<1x16xf32> to vector<16xf32>
        %swap3A_1407 = arith.index_cast %select_n3A_78 : i32 to index
        %swap3A_1408 = arith.index_cast %scan3A_244 : i32 to index
        %swap3A_1409 = arith.constant 1856 : index
        %swap3A_1410 = tpu.vector_load %arg6[%swap3A_1407, %swap3A_1408, %swap3A_1409] {strides = array<i32>} : memref<2x16x2048xf32, #tpu.memory_space<vmem>>, vector<1x1x16xf32>,
        %swap3A_1411 = vector.shape_cast %swap3A_1410 : vector<1x1x16xf32> to vector<16xf32>
        %swap3A_1412 = vector.shape_cast %get3A_1406 : vector<16xf32> to vector<1x1x16xf32>
        tpu.vector_store %arg6[%swap3A_1407, %swap3A_1408, %swap3A_1409], %swap3A_1412 {add = true, strides = array<i32>} : memref<2x16x2048xf32, #tpu.memory_space<vmem>>, vector<1x1x16xf32>,
        %get3A_1413 = arith.index_cast %scan3A_244 : i32 to index
        %get3A_1414 = arith.constant 1872 : index
        %get3A_1415 = tpu.vector_load %arg5[%get3A_1413, %get3A_1414] {strides = array<i32>} : memref<16x2048xf32, #tpu.memory_space<vmem>>, vector<1x16xf32>,
        %get3A_1416 = vector.shape_cast %get3A_1415 : vector<1x16xf32> to vector<16xf32>
        %swap3A_1417 = arith.index_cast %select_n3A_78 : i32 to index
        %swap3A_1418 = arith.index_cast %scan3A_244 : i32 to index
        %swap3A_1419 = arith.constant 1872 : index
        %swap3A_1420 = tpu.vector_load %arg6[%swap3A_1417, %swap3A_1418, %swap3A_1419] {strides = array<i32>} : memref<2x16x2048xf32, #tpu.memory_space<vmem>>, vector<1x1x16xf32>,
        %swap3A_1421 = vector.shape_cast %swap3A_1420 : vector<1x1x16xf32> to vector<16xf32>
        %swap3A_1422 = vector.shape_cast %get3A_1416 : vector<16xf32> to vector<1x1x16xf32>
        tpu.vector_store %arg6[%swap3A_1417, %swap3A_1418, %swap3A_1419], %swap3A_1422 {add = true, strides = array<i32>} : memref<2x16x2048xf32, #tpu.memory_space<vmem>>, vector<1x1x16xf32>,
        %get3A_1423 = arith.index_cast %scan3A_244 : i32 to index
        %get3A_1424 = arith.constant 1888 : index
        %get3A_1425 = tpu.vector_load %arg5[%get3A_1423, %get3A_1424] {strides = array<i32>} : memref<16x2048xf32, #tpu.memory_space<vmem>>, vector<1x16xf32>,
        %get3A_1426 = vector.shape_cast %get3A_1425 : vector<1x16xf32> to vector<16xf32>
        %swap3A_1427 = arith.index_cast %select_n3A_78 : i32 to index
        %swap3A_1428 = arith.index_cast %scan3A_244 : i32 to index
        %swap3A_1429 = arith.constant 1888 : index
        %swap3A_1430 = tpu.vector_load %arg6[%swap3A_1427, %swap3A_1428, %swap3A_1429] {strides = array<i32>} : memref<2x16x2048xf32, #tpu.memory_space<vmem>>, vector<1x1x16xf32>,
        %swap3A_1431 = vector.shape_cast %swap3A_1430 : vector<1x1x16xf32> to vector<16xf32>
        %swap3A_1432 = vector.shape_cast %get3A_1426 : vector<16xf32> to vector<1x1x16xf32>
        tpu.vector_store %arg6[%swap3A_1427, %swap3A_1428, %swap3A_1429], %swap3A_1432 {add = true, strides = array<i32>} : memref<2x16x2048xf32, #tpu.memory_space<vmem>>, vector<1x1x16xf32>,
        %get3A_1433 = arith.index_cast %scan3A_244 : i32 to index
        %get3A_1434 = arith.constant 1904 : index
        %get3A_1435 = tpu.vector_load %arg5[%get3A_1433, %get3A_1434] {strides = array<i32>} : memref<16x2048xf32, #tpu.memory_space<vmem>>, vector<1x16xf32>,
        %get3A_1436 = vector.shape_cast %get3A_1435 : vector<1x16xf32> to vector<16xf32>
        %swap3A_1437 = arith.index_cast %select_n3A_78 : i32 to index
        %swap3A_1438 = arith.index_cast %scan3A_244 : i32 to index
        %swap3A_1439 = arith.constant 1904 : index
        %swap3A_1440 = tpu.vector_load %arg6[%swap3A_1437, %swap3A_1438, %swap3A_1439] {strides = array<i32>} : memref<2x16x2048xf32, #tpu.memory_space<vmem>>, vector<1x1x16xf32>,
        %swap3A_1441 = vector.shape_cast %swap3A_1440 : vector<1x1x16xf32> to vector<16xf32>
        %swap3A_1442 = vector.shape_cast %get3A_1436 : vector<16xf32> to vector<1x1x16xf32>
        tpu.vector_store %arg6[%swap3A_1437, %swap3A_1438, %swap3A_1439], %swap3A_1442 {add = true, strides = array<i32>} : memref<2x16x2048xf32, #tpu.memory_space<vmem>>, vector<1x1x16xf32>,
        %get3A_1443 = arith.index_cast %scan3A_244 : i32 to index
        %get3A_1444 = arith.constant 1920 : index
        %get3A_1445 = tpu.vector_load %arg5[%get3A_1443, %get3A_1444] {strides = array<i32>} : memref<16x2048xf32, #tpu.memory_space<vmem>>, vector<1x16xf32>,
        %get3A_1446 = vector.shape_cast %get3A_1445 : vector<1x16xf32> to vector<16xf32>
        %swap3A_1447 = arith.index_cast %select_n3A_78 : i32 to index
        %swap3A_1448 = arith.index_cast %scan3A_244 : i32 to index
        %swap3A_1449 = arith.constant 1920 : index
        %swap3A_1450 = tpu.vector_load %arg6[%swap3A_1447, %swap3A_1448, %swap3A_1449] {strides = array<i32>} : memref<2x16x2048xf32, #tpu.memory_space<vmem>>, vector<1x1x16xf32>,
        %swap3A_1451 = vector.shape_cast %swap3A_1450 : vector<1x1x16xf32> to vector<16xf32>
        %swap3A_1452 = vector.shape_cast %get3A_1446 : vector<16xf32> to vector<1x1x16xf32>
        tpu.vector_store %arg6[%swap3A_1447, %swap3A_1448, %swap3A_1449], %swap3A_1452 {add = true, strides = array<i32>} : memref<2x16x2048xf32, #tpu.memory_space<vmem>>, vector<1x1x16xf32>,
        %get3A_1453 = arith.index_cast %scan3A_244 : i32 to index
        %get3A_1454 = arith.constant 1936 : index
        %get3A_1455 = tpu.vector_load %arg5[%get3A_1453, %get3A_1454] {strides = array<i32>} : memref<16x2048xf32, #tpu.memory_space<vmem>>, vector<1x16xf32>,
        %get3A_1456 = vector.shape_cast %get3A_1455 : vector<1x16xf32> to vector<16xf32>
        %swap3A_1457 = arith.index_cast %select_n3A_78 : i32 to index
        %swap3A_1458 = arith.index_cast %scan3A_244 : i32 to index
        %swap3A_1459 = arith.constant 1936 : index
        %swap3A_1460 = tpu.vector_load %arg6[%swap3A_1457, %swap3A_1458, %swap3A_1459] {strides = array<i32>} : memref<2x16x2048xf32, #tpu.memory_space<vmem>>, vector<1x1x16xf32>,
        %swap3A_1461 = vector.shape_cast %swap3A_1460 : vector<1x1x16xf32> to vector<16xf32>
        %swap3A_1462 = vector.shape_cast %get3A_1456 : vector<16xf32> to vector<1x1x16xf32>
        tpu.vector_store %arg6[%swap3A_1457, %swap3A_1458, %swap3A_1459], %swap3A_1462 {add = true, strides = array<i32>} : memref<2x16x2048xf32, #tpu.memory_space<vmem>>, vector<1x1x16xf32>,
        %get3A_1463 = arith.index_cast %scan3A_244 : i32 to index
        %get3A_1464 = arith.constant 1952 : index
        %get3A_1465 = tpu.vector_load %arg5[%get3A_1463, %get3A_1464] {strides = array<i32>} : memref<16x2048xf32, #tpu.memory_space<vmem>>, vector<1x16xf32>,
        %get3A_1466 = vector.shape_cast %get3A_1465 : vector<1x16xf32> to vector<16xf32>
        %swap3A_1467 = arith.index_cast %select_n3A_78 : i32 to index
        %swap3A_1468 = arith.index_cast %scan3A_244 : i32 to index
        %swap3A_1469 = arith.constant 1952 : index
        %swap3A_1470 = tpu.vector_load %arg6[%swap3A_1467, %swap3A_1468, %swap3A_1469] {strides = array<i32>} : memref<2x16x2048xf32, #tpu.memory_space<vmem>>, vector<1x1x16xf32>,
        %swap3A_1471 = vector.shape_cast %swap3A_1470 : vector<1x1x16xf32> to vector<16xf32>
        %swap3A_1472 = vector.shape_cast %get3A_1466 : vector<16xf32> to vector<1x1x16xf32>
        tpu.vector_store %arg6[%swap3A_1467, %swap3A_1468, %swap3A_1469], %swap3A_1472 {add = true, strides = array<i32>} : memref<2x16x2048xf32, #tpu.memory_space<vmem>>, vector<1x1x16xf32>,
        %get3A_1473 = arith.index_cast %scan3A_244 : i32 to index
        %get3A_1474 = arith.constant 1968 : index
        %get3A_1475 = tpu.vector_load %arg5[%get3A_1473, %get3A_1474] {strides = array<i32>} : memref<16x2048xf32, #tpu.memory_space<vmem>>, vector<1x16xf32>,
        %get3A_1476 = vector.shape_cast %get3A_1475 : vector<1x16xf32> to vector<16xf32>
        %swap3A_1477 = arith.index_cast %select_n3A_78 : i32 to index
        %swap3A_1478 = arith.index_cast %scan3A_244 : i32 to index
        %swap3A_1479 = arith.constant 1968 : index
        %swap3A_1480 = tpu.vector_load %arg6[%swap3A_1477, %swap3A_1478, %swap3A_1479] {strides = array<i32>} : memref<2x16x2048xf32, #tpu.memory_space<vmem>>, vector<1x1x16xf32>,
        %swap3A_1481 = vector.shape_cast %swap3A_1480 : vector<1x1x16xf32> to vector<16xf32>
        %swap3A_1482 = vector.shape_cast %get3A_1476 : vector<16xf32> to vector<1x1x16xf32>
        tpu.vector_store %arg6[%swap3A_1477, %swap3A_1478, %swap3A_1479], %swap3A_1482 {add = true, strides = array<i32>} : memref<2x16x2048xf32, #tpu.memory_space<vmem>>, vector<1x1x16xf32>,
        %get3A_1483 = arith.index_cast %scan3A_244 : i32 to index
        %get3A_1484 = arith.constant 1984 : index
        %get3A_1485 = tpu.vector_load %arg5[%get3A_1483, %get3A_1484] {strides = array<i32>} : memref<16x2048xf32, #tpu.memory_space<vmem>>, vector<1x16xf32>,
        %get3A_1486 = vector.shape_cast %get3A_1485 : vector<1x16xf32> to vector<16xf32>
        %swap3A_1487 = arith.index_cast %select_n3A_78 : i32 to index
        %swap3A_1488 = arith.index_cast %scan3A_244 : i32 to index
        %swap3A_1489 = arith.constant 1984 : index
        %swap3A_1490 = tpu.vector_load %arg6[%swap3A_1487, %swap3A_1488, %swap3A_1489] {strides = array<i32>} : memref<2x16x2048xf32, #tpu.memory_space<vmem>>, vector<1x1x16xf32>,
        %swap3A_1491 = vector.shape_cast %swap3A_1490 : vector<1x1x16xf32> to vector<16xf32>
        %swap3A_1492 = vector.shape_cast %get3A_1486 : vector<16xf32> to vector<1x1x16xf32>
        tpu.vector_store %arg6[%swap3A_1487, %swap3A_1488, %swap3A_1489], %swap3A_1492 {add = true, strides = array<i32>} : memref<2x16x2048xf32, #tpu.memory_space<vmem>>, vector<1x1x16xf32>,
        %get3A_1493 = arith.index_cast %scan3A_244 : i32 to index
        %get3A_1494 = arith.constant 2000 : index
        %get3A_1495 = tpu.vector_load %arg5[%get3A_1493, %get3A_1494] {strides = array<i32>} : memref<16x2048xf32, #tpu.memory_space<vmem>>, vector<1x16xf32>,
        %get3A_1496 = vector.shape_cast %get3A_1495 : vector<1x16xf32> to vector<16xf32>
        %swap3A_1497 = arith.index_cast %select_n3A_78 : i32 to index
        %swap3A_1498 = arith.index_cast %scan3A_244 : i32 to index
        %swap3A_1499 = arith.constant 2000 : index
        %swap3A_1500 = tpu.vector_load %arg6[%swap3A_1497, %swap3A_1498, %swap3A_1499] {strides = array<i32>} : memref<2x16x2048xf32, #tpu.memory_space<vmem>>, vector<1x1x16xf32>,
        %swap3A_1501 = vector.shape_cast %swap3A_1500 : vector<1x1x16xf32> to vector<16xf32>
        %swap3A_1502 = vector.shape_cast %get3A_1496 : vector<16xf32> to vector<1x1x16xf32>
        tpu.vector_store %arg6[%swap3A_1497, %swap3A_1498, %swap3A_1499], %swap3A_1502 {add = true, strides = array<i32>} : memref<2x16x2048xf32, #tpu.memory_space<vmem>>, vector<1x1x16xf32>,
        %get3A_1503 = arith.index_cast %scan3A_244 : i32 to index
        %get3A_1504 = arith.constant 2016 : index
        %get3A_1505 = tpu.vector_load %arg5[%get3A_1503, %get3A_1504] {strides = array<i32>} : memref<16x2048xf32, #tpu.memory_space<vmem>>, vector<1x16xf32>,
        %get3A_1506 = vector.shape_cast %get3A_1505 : vector<1x16xf32> to vector<16xf32>
        %swap3A_1507 = arith.index_cast %select_n3A_78 : i32 to index
        %swap3A_1508 = arith.index_cast %scan3A_244 : i32 to index
        %swap3A_1509 = arith.constant 2016 : index
        %swap3A_1510 = tpu.vector_load %arg6[%swap3A_1507, %swap3A_1508, %swap3A_1509] {strides = array<i32>} : memref<2x16x2048xf32, #tpu.memory_space<vmem>>, vector<1x1x16xf32>,
        %swap3A_1511 = vector.shape_cast %swap3A_1510 : vector<1x1x16xf32> to vector<16xf32>
        %swap3A_1512 = vector.shape_cast %get3A_1506 : vector<16xf32> to vector<1x1x16xf32>
        tpu.vector_store %arg6[%swap3A_1507, %swap3A_1508, %swap3A_1509], %swap3A_1512 {add = true, strides = array<i32>} : memref<2x16x2048xf32, #tpu.memory_space<vmem>>, vector<1x1x16xf32>,
        %get3A_1513 = arith.index_cast %scan3A_244 : i32 to index
        %get3A_1514 = arith.constant 2032 : index
        %get3A_1515 = tpu.vector_load %arg5[%get3A_1513, %get3A_1514] {strides = array<i32>} : memref<16x2048xf32, #tpu.memory_space<vmem>>, vector<1x16xf32>,
        %get3A_1516 = vector.shape_cast %get3A_1515 : vector<1x16xf32> to vector<16xf32>
        %swap3A_1517 = arith.index_cast %select_n3A_78 : i32 to index
        %swap3A_1518 = arith.index_cast %scan3A_244 : i32 to index
        %swap3A_1519 = arith.constant 2032 : index
        %swap3A_1520 = tpu.vector_load %arg6[%swap3A_1517, %swap3A_1518, %swap3A_1519] {strides = array<i32>} : memref<2x16x2048xf32, #tpu.memory_space<vmem>>, vector<1x1x16xf32>,
        %swap3A_1521 = vector.shape_cast %swap3A_1520 : vector<1x1x16xf32> to vector<16xf32>
        %swap3A_1522 = vector.shape_cast %get3A_1516 : vector<16xf32> to vector<1x1x16xf32>
        tpu.vector_store %arg6[%swap3A_1517, %swap3A_1518, %swap3A_1519], %swap3A_1522 {add = true, strides = array<i32>} : memref<2x16x2048xf32, #tpu.memory_space<vmem>>, vector<1x1x16xf32>,
      }
      %scan3A_184 = arith.constant 16 : i32
      %jit3A_185 = arith.constant 4 : i32
      %div3A_186 = arith.divsi %scan3A_69, %jit3A_185 : i32
      %sign3A_187 = arith.constant 0 : i32
      %sign3A_188 = arith.cmpi sgt, %scan3A_69, %sign3A_187 : i32
      %sign3A_189 = arith.extui %sign3A_188 : i1 to i32
      %sign3A_190 = arith.constant 0 : i32
      %sign3A_191 = arith.cmpi slt, %scan3A_69, %sign3A_190 : i32
      %sign3A_192 = arith.extui %sign3A_191 : i1 to i32
      %sign3A_193 = arith.subi %sign3A_189, %sign3A_192 : i32
      %sign3A_194 = arith.constant 0 : i32
      %sign3A_195 = arith.cmpi sgt, %jit3A_185, %sign3A_194 : i32
      %sign3A_196 = arith.extui %sign3A_195 : i1 to i32
      %sign3A_197 = arith.constant 0 : i32
      %sign3A_198 = arith.cmpi slt, %jit3A_185, %sign3A_197 : i32
      %sign3A_199 = arith.extui %sign3A_198 : i1 to i32
      %sign3A_200 = arith.subi %sign3A_196, %sign3A_199 : i32
      %ne3A_201 = arith.cmpi ne, %sign3A_193, %sign3A_200 : i32
      %rem3A_202 = arith.remsi %scan3A_69, %jit3A_185 : i32
      %ne3A_203 = arith.constant 0 : i32
      %ne3A_204 = arith.cmpi ne, %rem3A_202, %ne3A_203 : i32
      %and3A_205 = arith.andi %ne3A_201, %ne3A_204 : i1
      %sub3A_206 = arith.constant 1 : i32
      %sub3A_207 = arith.subi %div3A_186, %sub3A_206 : i32
      %select_n3A_208 = arith.select %and3A_205, %sub3A_207, %div3A_186 : i32
      %jit3A_209 = arith.constant 4 : i32
      %eq3A_210 = arith.constant 0 : i32
      %eq3A_211 = arith.cmpi eq, %jit3A_209, %eq3A_210 : i32
      %jit3A_212 = arith.constant 1 : i32
      %select_n3A_213 = arith.select %eq3A_211, %jit3A_212, %jit3A_209 : i32
      %rem3A_214 = arith.remsi %scan3A_69, %select_n3A_213 : i32
      %ne3A_215 = arith.constant 0 : i32
      %ne3A_216 = arith.cmpi ne, %rem3A_214, %ne3A_215 : i32
      %lt3A_217 = arith.constant 0 : i32
      %lt3A_218 = arith.cmpi slt, %rem3A_214, %lt3A_217 : i32
      %lt3A_219 = arith.constant 0 : i32
      %lt3A_220 = arith.cmpi slt, %select_n3A_213, %lt3A_219 : i32
      %ne3A_221 = arith.xori %lt3A_218, %lt3A_220 : i1
      %and3A_222 = arith.andi %ne3A_221, %ne3A_216 : i1
      %add3A_223 = arith.addi %rem3A_214, %select_n3A_213 : i32
      %select_n3A_224 = arith.select %and3A_222, %add3A_223, %rem3A_214 : i32
      %mul3A_225 = arith.constant 16 : i32
      %mul3A_226 = arith.muli %select_n3A_208, %mul3A_225 : i32
      %add3A_227 = arith.addi %mul3A_2, %mul3A_226 : i32
      %dma_start3A_228 = arith.constant 0 : i32
      %dma_start3A_229 = arith.constant 0 : i32
      %dma_start3A_230 = tpu.memref_slice %arg6[%select_n3A_78, %dma_start3A_228, %dma_start3A_229] : memref<2x16x2048xf32, #tpu.memory_space<vmem>> -> memref<1x16x2048xf32, #tpu.memory_space<vmem>>
      %dma_start3A_231 = tpu.memref_squeeze %dma_start3A_230 : memref<1x16x2048xf32, #tpu.memory_space<vmem>> -> memref<16x2048xf32, #tpu.memory_space<vmem>>
      %dma_start3A_232 = arith.constant 0 : i32
      %dma_start3A_233 = tpu.memref_slice %arg4[%select_n3A_224, %add3A_227, %dma_start3A_232] : memref<4x8192x2048xf32, #tpu.memory_space<hbm>> -> memref<1x16x2048xf32, #tpu.memory_space<hbm>>
      %dma_start3A_234 = tpu.memref_squeeze %dma_start3A_233 : memref<1x16x2048xf32, #tpu.memory_space<hbm>> -> memref<16x2048xf32, #tpu.memory_space<hbm>>
      %dma_start3A_235 = tpu.memref_slice %arg8[%select_n3A_78] : memref<2x!tpu.dma_semaphore, #tpu.memory_space<semaphore_mem>> -> memref<1x!tpu.dma_semaphore, #tpu.memory_space<semaphore_mem>>
      %dma_start3A_236 = tpu.memref_squeeze %dma_start3A_235 : memref<1x!tpu.dma_semaphore, #tpu.memory_space<semaphore_mem>> -> memref<!tpu.dma_semaphore, #tpu.memory_space<semaphore_mem>>
      %dma_start3A_237 = arith.constant 0 : i32
      %dma_start3A_238 = tpu.memref_slice %arg4[%select_n3A_224, %add3A_227, %dma_start3A_237] : memref<4x8192x2048xf32, #tpu.memory_space<hbm>> -> memref<1x16x2048xf32, #tpu.memory_space<hbm>>
      %dma_start3A_239 = tpu.memref_squeeze %dma_start3A_238 : memref<1x16x2048xf32, #tpu.memory_space<hbm>> -> memref<16x2048xf32, #tpu.memory_space<hbm>>
      %dma_start3A_240 = arith.constant 0 : i32
      %dma_start3A_241 = arith.constant 0 : i32
      %dma_start3A_242 = tpu.memref_slice %arg6[%select_n3A_78, %dma_start3A_240, %dma_start3A_241] : memref<2x16x2048xf32, #tpu.memory_space<vmem>> -> memref<1x16x2048xf32, #tpu.memory_space<vmem>>
      %dma_start3A_243 = tpu.memref_squeeze %dma_start3A_242 : memref<1x16x2048xf32, #tpu.memory_space<vmem>> -> memref<16x2048xf32, #tpu.memory_space<vmem>>
      tpu.enqueue_dma source(%dma_start3A_243 : memref<16x2048xf32, #tpu.memory_space<vmem>>) target(%dma_start3A_239 : memref<16x2048xf32, #tpu.memory_space<hbm>>) target_semaphore(%dma_start3A_236 : memref<!tpu.dma_semaphore, #tpu.memory_space<semaphore_mem>>)
    }
    %scan3A_27 = arith.constant 64 : i32
    %add3A_28 = arith.constant 240 : i32
    %add3A_29 = arith.addi %mul3A_2, %add3A_28 : i32
    %dma_wait3A = arith.constant 0 : i32
    %dma_wait3A_30 = arith.constant 2 : i32
    %dma_wait3A_31 = arith.constant 0 : i32
    %dma_wait3A_32 = arith.constant 0 : i32
    %dma_wait3A_33 = arith.constant 0 : i32
    %dma_wait3A_34 = tpu.memref_slice %arg6[%dma_wait3A, %dma_wait3A_32, %dma_wait3A_33] : memref<2x16x2048xf32, #tpu.memory_space<vmem>> -> memref<1x16x2048xf32, #tpu.memory_space<vmem>>
    %dma_wait3A_35 = tpu.memref_squeeze %dma_wait3A_34 : memref<1x16x2048xf32, #tpu.memory_space<vmem>> -> memref<16x2048xf32, #tpu.memory_space<vmem>>
    %dma_wait3A_36 = arith.constant 0 : i32
    %dma_wait3A_37 = tpu.memref_slice %arg4[%dma_wait3A_30, %add3A_29, %dma_wait3A_36] : memref<4x8192x2048xf32, #tpu.memory_space<hbm>> -> memref<1x16x2048xf32, #tpu.memory_space<hbm>>
    %dma_wait3A_38 = tpu.memref_squeeze %dma_wait3A_37 : memref<1x16x2048xf32, #tpu.memory_space<hbm>> -> memref<16x2048xf32, #tpu.memory_space<hbm>>
    %dma_wait3A_39 = tpu.memref_slice %arg8[%dma_wait3A_31] : memref<2x!tpu.dma_semaphore, #tpu.memory_space<semaphore_mem>> -> memref<1x!tpu.dma_semaphore, #tpu.memory_space<semaphore_mem>>
    %dma_wait3A_40 = tpu.memref_squeeze %dma_wait3A_39 : memref<1x!tpu.dma_semaphore, #tpu.memory_space<semaphore_mem>> -> memref<!tpu.dma_semaphore, #tpu.memory_space<semaphore_mem>>
    %dma_wait3A_41 = arith.constant 0 : i32
    %dma_wait3A_42 = tpu.memref_slice %arg4[%dma_wait3A_30, %add3A_29, %dma_wait3A_41] : memref<4x8192x2048xf32, #tpu.memory_space<hbm>> -> memref<1x16x2048xf32, #tpu.memory_space<hbm>>
    %dma_wait3A_43 = tpu.memref_squeeze %dma_wait3A_42 : memref<1x16x2048xf32, #tpu.memory_space<hbm>> -> memref<16x2048xf32, #tpu.memory_space<hbm>>
    %dma_wait3A_44 = arith.constant 0 : i32
    %dma_wait3A_45 = arith.constant 0 : i32
    %dma_wait3A_46 = tpu.memref_slice %arg6[%dma_wait3A, %dma_wait3A_44, %dma_wait3A_45] : memref<2x16x2048xf32, #tpu.memory_space<vmem>> -> memref<1x16x2048xf32, #tpu.memory_space<vmem>>
    %dma_wait3A_47 = tpu.memref_squeeze %dma_wait3A_46 : memref<1x16x2048xf32, #tpu.memory_space<vmem>> -> memref<16x2048xf32, #tpu.memory_space<vmem>>
    tpu.wait_dma2 semaphore(%dma_wait3A_40 : memref<!tpu.dma_semaphore, #tpu.memory_space<semaphore_mem>>) src(%dma_wait3A_47 : memref<16x2048xf32, #tpu.memory_space<vmem>>) dst(%dma_wait3A_43 : memref<16x2048xf32, #tpu.memory_space<hbm>>)
    %add3A_48 = arith.constant 240 : i32
    %add3A_49 = arith.addi %mul3A_2, %add3A_48 : i32
    %dma_wait3A_50 = arith.constant 1 : i32
    %dma_wait3A_51 = arith.constant 3 : i32
    %dma_wait3A_52 = arith.constant 1 : i32
    %dma_wait3A_53 = arith.constant 0 : i32
    %dma_wait3A_54 = arith.constant 0 : i32
    %dma_wait3A_55 = tpu.memref_slice %arg6[%dma_wait3A_50, %dma_wait3A_53, %dma_wait3A_54] : memref<2x16x2048xf32, #tpu.memory_space<vmem>> -> memref<1x16x2048xf32, #tpu.memory_space<vmem>>
    %dma_wait3A_56 = tpu.memref_squeeze %dma_wait3A_55 : memref<1x16x2048xf32, #tpu.memory_space<vmem>> -> memref<16x2048xf32, #tpu.memory_space<vmem>>
    %dma_wait3A_57 = arith.constant 0 : i32
    %dma_wait3A_58 = tpu.memref_slice %arg4[%dma_wait3A_51, %add3A_49, %dma_wait3A_57] : memref<4x8192x2048xf32, #tpu.memory_space<hbm>> -> memref<1x16x2048xf32, #tpu.memory_space<hbm>>
    %dma_wait3A_59 = tpu.memref_squeeze %dma_wait3A_58 : memref<1x16x2048xf32, #tpu.memory_space<hbm>> -> memref<16x2048xf32, #tpu.memory_space<hbm>>
    %dma_wait3A_60 = tpu.memref_slice %arg8[%dma_wait3A_52] : memref<2x!tpu.dma_semaphore, #tpu.memory_space<semaphore_mem>> -> memref<1x!tpu.dma_semaphore, #tpu.memory_space<semaphore_mem>>
    %dma_wait3A_61 = tpu.memref_squeeze %dma_wait3A_60 : memref<1x!tpu.dma_semaphore, #tpu.memory_space<semaphore_mem>> -> memref<!tpu.dma_semaphore, #tpu.memory_space<semaphore_mem>>
    %dma_wait3A_62 = arith.constant 0 : i32
    %dma_wait3A_63 = tpu.memref_slice %arg4[%dma_wait3A_51, %add3A_49, %dma_wait3A_62] : memref<4x8192x2048xf32, #tpu.memory_space<hbm>> -> memref<1x16x2048xf32, #tpu.memory_space<hbm>>
    %dma_wait3A_64 = tpu.memref_squeeze %dma_wait3A_63 : memref<1x16x2048xf32, #tpu.memory_space<hbm>> -> memref<16x2048xf32, #tpu.memory_space<hbm>>
    %dma_wait3A_65 = arith.constant 0 : i32
    %dma_wait3A_66 = arith.constant 0 : i32
    %dma_wait3A_67 = tpu.memref_slice %arg6[%dma_wait3A_50, %dma_wait3A_65, %dma_wait3A_66] : memref<2x16x2048xf32, #tpu.memory_space<vmem>> -> memref<1x16x2048xf32, #tpu.memory_space<vmem>>
    %dma_wait3A_68 = tpu.memref_squeeze %dma_wait3A_67 : memref<1x16x2048xf32, #tpu.memory_space<vmem>> -> memref<16x2048xf32, #tpu.memory_space<vmem>>
    tpu.wait_dma2 semaphore(%dma_wait3A_61 : memref<!tpu.dma_semaphore, #tpu.memory_space<semaphore_mem>>) src(%dma_wait3A_68 : memref<16x2048xf32, #tpu.memory_space<vmem>>) dst(%dma_wait3A_64 : memref<16x2048xf32, #tpu.memory_space<hbm>>)
    return
  }
}

</mosaic_0001>

<sc_bundles>
// kernel: kernel.3.cloned.1.call-start
scs
__scs_entry_jumppad:
0x0: {  	(pc) =	sbr.rel $0x88, $3  }
0x1: {  	(tag) =	ssettag $0x0;
	lr =	simm.s32 $0x1  }
0x2: {  	[smem:$0x3F9F] =	sst lr;
	_ =	strace $0xD0000000  }
0x3: {  	_ = 	snop  }
0x4: {  	_ = 	snop  }
0x5: {  	_ = 	snop  }
0x6: {  	_ = 	snop  }
0x7: {  	_ = 	snop  }
__scs_overlays_trampoline_lowered:
0x8: {  	[smem:$0x3FAE] =	sst s0  }
0x9: {  	[smem:$0x3FAF] =	sst s1  }
0xa: {  	[smem:$0x3FB0] =	sst s2  }
0xb: {  	[smem:$0x3FB1] =	sst s3  }
0xc: {  	[smem:$0x3FB2] =	sst s4  }
0xd: {  	[smem:$0x3FB3] =	sst s5  }
0xe: {  	[smem:$0x3FB4] =	sst s6  }
0xf: {  	[smem:$0x3FB5] =	sst s7  }
0x10: {  	[smem:$0x3FB6] =	sst s8  }
0x11: {  	[smem:$0x3FB7] =	sst s9;
	s0 =	simm.s32 @!p0 $0x0  }
0x12: {  	s1 =	sld [smem:$0x3F9D];
	s0 =	simm.s32 @p0 $0x1  }
0x13: {  	[smem:$0x3FB8] =	sst s0;
	s0 =	simm.s32 @!p1 $0x0  }
0x14: {  	s2 =	sld [smem:$0x3F9C];
	s0 =	simm.s32 @p1 $0x1  }
0x15: {  	[smem:$0x3FB9] =	sst s0;
	s0 =	simm.s32 @!p2 $0x0  }
0x16: {  	s3 =	sld [smem:$0x3FDB];
	s0 =	simm.s32 @p2 $0x1  }
0x17: {  	s4 =	simm.s32 $0x1BF5;
	[smem:$0x3FBB] =	sst s0  }
0x18: {  	s0 =	sld [smem:$0x3F9E];
	_ =	swait.ge [sflag:s4], $0x0  }
0x19: {  	s7 =	sld [smem:$0x3F9F]  }
0x1a: {  	s8 =	sadd.s32 $0xFFFFE003, lr  }
0x1b: {  	s9 =	sadd.s32 $0xFFFFFEF7, lr;
	s5 =	simm.s32 $0xFFFFFFFF;
	p2 =	slt.u32 s8, $0xFFFFF086  }
0x1c: {  	p1 =	slt.u32 s9, $0xF7A;
	s5 =	simm.s32 @!p2 $0x0  }
0x1d: {  	s5 =	simm.s32 @p1 $0x1;
	p0 =	seq.s32 s7, s2  }
0x1e: {  	s7 =	smul.u32 @!p0 $0xF7A, s2;
	p2 =	seq.s32 @!p0 s5, $0x0  }
0x1f: {  	s9 =	smul.u32 $0xF7A, s1;
	s8 =	simm.s32 @!p0 $0x1BF5;
	p2 =	por !p2, p0  }
0x20: {  	[sflag:s8] =	ssyncset.s32 @!p0 $0xFFFFF086;
	s6 =	sadd.s32 @!p0 s3, s7;
	s7 =	simm.s32 @!p0 $0x108  }
0x21: {  	s3 =	sadd.s32 s3, s9;
	s6 =	sadd.s32 @!p0 $0x88, s6;
	s7 =	simm.s32 @p2 $0x1082  }
0x22: {  	[simem:s7], [sflag:s8] =	dma.local @!p0 [hbm:s6], $0xF7A  }
0x23: {  	s9 =	sor.u32 $0xD0000000, s2;
	s6 =	simm.s32 $0x108;
	_ =	swait.ge @!p0 [sflag:s8], $0x0  }
0x24: {  	s3 =	sadd.s32 $0x88, s3;
	s6 =	simm.s32 @!p1 $0x1082;
	[sflag:s4] =	ssyncset.s32 $0xFFFFF086  }
0x25: {  	[simem:s6], [sflag:s4] =	dma.local [hbm:s3], $0xF7A  }
0x26: {  	[smem:$0x3F9F] =	sst s1;
	(tag) =	ssettag s2;
	_ =	strace s9  }
0x27: {  	s1 =	sld [smem:$0x3FAF]  }
0x28: {  	s2 =	sld [smem:$0x3FB0]  }
0x29: {  	s4 =	sld [smem:$0x3FB2]  }
0x2a: {  	p0 =	seq.s32 s5, $0x0;
	s5 =	sld [smem:$0x3FB3]  }
0x2b: {  	s6 =	sld [smem:$0x3FB4]  }
0x2c: {  	s7 =	sld [smem:$0x3FB5]  }
0x2d: {  	s3 =	simm.s32 $0x108;
	s8 =	sld [smem:$0x3FB6]  }
0x2e: {  	s3 =	simm.s32 @!p0 $0x1082;
	s9 =	sld [smem:$0x3FB7]  }
0x2f: {  	lr =	sadd.s32 s0, s3;
	s0 =	sld [smem:$0x3FAE]  }
0x30: {  	s3 =	sld [smem:$0x3FB1]  }
0x31: {  	[smem:$0x3FBA] =	sst s10  }
0x32: {  	s10 =	sld [smem:$0x3FB8];
	_ =	sdelay $0x3  }
0x33: {  	p0 =	seq.s32 s10, $0x1;
	s10 =	sld [smem:$0x3FBA];
	_ =	sdelay $0x3  }
0x34: {  	[smem:$0x3FBA] =	sst s10  }
0x35: {  	s10 =	sld [smem:$0x3FB9];
	_ =	sdelay $0x3  }
0x36: {  	p1 =	seq.s32 s10, $0x1;
	s10 =	sld [smem:$0x3FBA];
	_ =	sdelay $0x3  }
0x37: {  	[smem:$0x3FBA] =	sst s10  }
0x38: {  	s10 =	sld [smem:$0x3FBB]  }
0x39: {  	_ = 	snop;
	(pc) =	sbr.ind lr, $3  }
0x3a: {  	_ = 	snop  }
0x3b: {  	_ = 	snop  }
0x3c: {  	p2 =	seq.s32 s10, $0x1;
	s10 =	sld [smem:$0x3FBA]  }
0x3d: {  	_ =	shalt  }
0x3e: {  	_ =	shalt  }
0x3f: {  	_ =	shalt  }
0x40: {  	_ =	shalt  }
0x41: {  	_ =	shalt  }
0x42: {  	_ =	shalt  }
0x43: {  	_ =	shalt  }
0x44: {  	_ =	shalt  }
0x45: {  	_ =	shalt  }
0x46: {  	_ =	shalt  }
0x47: {  	_ =	shalt  }
0x48: {  	_ =	shalt  }
0x49: {  	_ =	shalt  }
0x4a: {  	_ =	shalt  }
0x4b: {  	_ =	shalt  }
0x4c: {  	_ =	shalt  }
0x4d: {  	_ =	shalt  }
0x4e: {  	_ =	shalt  }
0x4f: {  	_ =	shalt  }
0x50: {  	_ =	shalt  }
0x51: {  	_ =	shalt  }
0x52: {  	_ =	shalt  }
0x53: {  	_ =	shalt  }
0x54: {  	_ =	shalt  }
0x55: {  	_ =	shalt  }
0x56: {  	_ =	shalt  }
0x57: {  	_ =	shalt  }
0x58: {  	_ =	shalt  }
0x59: {  	_ =	shalt  }
0x5a: {  	_ =	shalt  }
0x5b: {  	_ =	shalt  }
0x5c: {  	_ =	shalt  }
0x5d: {  	_ =	shalt  }
0x5e: {  	_ =	shalt  }
0x5f: {  	_ =	shalt  }
0x60: {  	_ =	shalt  }
0x61: {  	_ =	shalt  }
0x62: {  	_ =	shalt  }
0x63: {  	_ =	shalt  }
0x64: {  	_ =	shalt  }
0x65: {  	_ =	shalt  }
0x66: {  	_ =	shalt  }
0x67: {  	_ =	shalt  }
0x68: {  	_ =	shalt  }
0x69: {  	_ =	shalt  }
0x6a: {  	_ =	shalt  }
0x6b: {  	_ =	shalt  }
0x6c: {  	_ =	shalt  }
0x6d: {  	_ =	shalt  }
0x6e: {  	_ =	shalt  }
0x6f: {  	_ =	shalt  }
0x70: {  	_ =	shalt  }
0x71: {  	_ =	shalt  }
0x72: {  	_ =	shalt  }
0x73: {  	_ =	shalt  }
0x74: {  	_ =	shalt  }
0x75: {  	_ =	shalt  }
0x76: {  	_ =	shalt  }
0x77: {  	_ =	shalt  }
0x78: {  	_ =	shalt  }
0x79: {  	_ =	shalt  }
0x7a: {  	_ =	shalt  }
0x7b: {  	_ =	shalt  }
0x7c: {  	_ =	shalt  }
0x7d: {  	_ =	shalt  }
0x7e: {  	_ =	shalt  }
0x7f: {  	_ =	shalt  }
0x80: {  	_ =	shalt  }
0x81: {  	_ =	shalt  }
0x82: {  	_ =	shalt  }
0x83: {  	_ =	shalt  }
0x84: {  	_ =	shalt  }
0x85: {  	_ =	shalt  }
0x86: {  	_ =	shalt  }
0x87: {  	_ =	shalt  }
.Lfunc_end0:
.L_simem_size_0:
called_computation_lowered:
.L_overlay_start_0:
0x88: {  	s2 =	sld [smem:$0x3FD9]  }
0x89: {  	s3 =	sld [smem:$0x3FFE];
	_ =	sdelay $0x1  }
0x8a: {  	s1 =	srdreg.scid  }
0x8b: {  	s0 =	sand.u32 $0x1, s1  }
0x8c: {  	s18 =	sshll.u32 s0, $0xA;
	s2 =	sadd.s32 s3, s2  }
0x8d: {  	s2 =	sadd.s32 s2, s18  }
0x8e: {  	[smem:$0x3FC6] =	sst s2  }
0x8f: {  	_ = 	snop  }
0x90: {  	s2 =	sld [smem:$0x3FC9]  }
0x91: {  	s19 =	sld [smem:$0x3FC8]  }
0x92: {  	s4 =	sld [smem:$0x3FD0];
	(tm) =	ssettm $0x1  }
0x93: {  	s5 =	sld [smem:$0x3FFB];
	_ =	sdelay $0x3  }
0x94: {  	_ =	strace s5  }
0x95: {  	s5 =	sld [smem:$0x3FFC];
	_ =	sdelay $0x3  }
0x96: {  	_ =	strace s5  }
0x97: {  	s5 =	sld [smem:$0x3FFD];
	_ =	sdelay $0x3  }
0x98: {  	_ =	strace s5  }
0x99: {  	_ =	strace $0x8FFFFFFF  }
0x9a: {  	s20 =	sld [smem:$0x3FDB];
	_ =	sdelay $0x1  }
0x9b: {  	s6 =	simm.s32 $_scs_section_size  }
0x9c: {  	s7 =	simm.s32 $_size__tile_overlayer_lowered;
	s8 =	simm.s32 $_tile_overlayer_lowered  }
0x9d: {  	s23 =	simm.s32 $0x1BFF;
	s22 =	sshll.u32 s8, $0x1;
	s5 =	sadd.s32 s6, s20  }
0x9e: {  	s9 =	simm.s32 $0x0;
	s21 =	sshll.u32 s7, $0x1;
	s7 =	sadd.s32 s22, s5  }
0x9f: {  	[timem:s9], [sflag:s23] =	dma.local [hbm:s7], s21  }
0xa0: {  	_ =	swait.ge [sflag:s23], s21  }
0xa1: {  	s6 =	ssub.s32 $0x0, s21;
	[sflag:s23] =	ssyncset.done $0x0  }
0xa2: {  	[sflag:s23] =	ssyncadd.s32 s6;
	_ =	sdelay $0x1  }
0xa3: {  	s24 =	simm.s32 $0x1B8B  }
0xa4: {  	_ =	swait.ge [sflag:s24], $0x1  }
0xa5: {  	[sflag:s24] =	ssyncset.done $0x0  }
0xa6: {  	s25 =	simm.s32 $0x1B8E;
	[sflag:s24] =	ssyncadd.s32 $0xFFFFFFFF  }
0xa7: {  	s26 =	simm.s32 $execute0_lowered;
	[smem:$0x3FD2] =	sst s25  }
0xa8: {  	s6 =	sshll.u32 s26, $0x1;
	_ =	strace $0x80000046;
	[dreg:$0x1] =	wrdreg $0xFFFFFFFF  }
0xa9: {  	s28 =	simm.s32 $_size_execute0_lowered;
	s5 =	sadd.s32 s5, s6;
	[dreg:$0x0] =	wrdreg $0x0  }
0xaa: {  	s6 =	sshll.u32 s28, $0x1;
	[dreg:$0x2] =	wrdreg s5  }
0xab: {  	[dreg:$0x3] =	wrdreg s6  }
0xac: {  	[dreg:$0x4] =	wrdreg $0xC0  }
0xad: {  	_ =	task [dreg:s9], $0x5FFFF  }
0xae: {  	[dreg:$0x1] =	wrdreg $0xFFFFFFFF  }
0xaf: {  	[dreg:$0x0] =	wrdreg $0x60  }
0xb0: {  	[dreg:$0x2] =	wrdreg s2  }
0xb1: {  	[dreg:$0x3] =	wrdreg s19  }
0xb2: {  	[dreg:$0x4] =	wrdreg s4  }
0xb3: {  	[dreg:$0x5] =	wrdreg $0x9  }
0xb4: {  	_ =	task.clear_ibuf [dreg:s9], $0x6FFFF;
	_ =	strace $0x90000046  }
0xb5: {  	s29 =	simm.s32 $0x9;
	_ =	strace $0x80000048  }
0xb6: {  	_ =	swait.ge [sflag:s29], $0x1  }
0xb7: {  	[sflag:s29] =	ssyncadd.s32 $0xFFFFFFFF  }
0xb8: {  	_ =	strace $0x90000048  }
0xb9: {  	_ =	sfence  }
0xba: {  	s30 =	sld [smem:$0x0];
	_ =	sdelay $0x2  }
0xbb: {  	s31 =	sshll.u32 s1, $0xD;
	s1 =	sshrl.u32 s1, $0x2  }
0xbc: {  	s3 =	sand.u32 $0x4000, s31;
	s1 =	sadd.s32 s1, s30  }
0xbd: {  	s0 =	sor.u32 s3, s0;
	s1 =	sshll.u32 s1, $0x11  }
0xbe: {  	s0 =	sor.u32 s1, s0  }
0xbf: {  	s0 =	sadd.s32 $0x8F2B, s0  }
0xc0: {  	[sflag:s0] =	ssyncadd.remote.s32 $0x1  }
0xc1: {  	_ =	sfence.sel $0xFFFF  }
0xc2: {  	[dreg:$0x0] =	wrdreg $0xFFFFFFFF;
	(pc) =	sbr.abs _section_cstart, $3  }
0xc3: {  	[dreg:$0x1] =	wrdreg $0xFFFFFFFF  }
0xc4: {  	_ =	task.clear_ibuf [dreg:s9], $0x2FFFF;
	_ =	strace $0x9FFFFFFF  }
0xc5: {  	(tm) =	ssettm $0x7FFFFFFF  }
tec
execute0_lowered:
.L_overlay_start_1:
0x0: {  	(tag) =	ssettag $0x1  }
0x1: {  	s6 =	rddreg [dreg:$0x0]  }
0x2: {  	s1 =	rddreg [dreg:$0x1]  }
0x3: {  	s3 =	rddreg [dreg:$0x2]  }
0x4: {  	s0 =	rddreg [dreg:$0x3];
	s5 =	srdreg.scid  }
0x5: {  	s4 =	simm.s32 $0x0;
	s2 =	stileid.u32;
	s10 =	simm.s32 $0x4  }
0x6: {  	s11 =	simm.s32 $0x0;
	s5 =	sand.u32 $0x1, s5;
	s8 =	sshll.u32 s2, $0x9  }
0x7: {  	[smem:$0x7FF] =	sst s4;
	s7 =	ssub.s32 $0x2, s5;
	s5 =	sshll.u32 s5, $0x8  }
0x8: {  	_ =	strace $0x80000047;
	s9 =	sshrl.u32 s7, $0x1;
	s5 =	sor.u32 s5, s8  }
0x9: {  	s7 =	ssub.s32 s7, s9;
	s8 =	sshll.u32 s5, $0x8;
	s9 =	simm.s32 $0x3  }
0xa: {  	s6 =	sadd.s32 s6, s8;
	s7 =	smax.u32 s7, $0x1;
	s8 =	simm.s32 $0x8000  }
.LBB2_1:
0xb: {  	[tilespmem:s8], [sflag:$0x1] =	stream.linear.gather [hbm4b:s6+s4], $0x8000, $0x38;
	[tilespmem:$0x18000] =	vst v63  }
0xc: {  	s16 =	simm.s32 $0x0  }
.LBB2_2:
0xd: {  	s12 =	sand.u32 $0x1, s16;
	s14 =	sshll.u32 s16, $0x2  }
0xe: {  	s13 =	sand.u32 $0x3, s16;
	s14 =	sand.u32 $0xF0, s14;
	s15 =	sadd.s32 $0x1, s12  }
0xf: {  	p0 =	sne.s32 s13, $0x0;
	s14 =	sor.u32 s5, s14;
	_ =	swait.ge [sflag:s15], $0x8000  }
0x10: {  	p1 =	seq.s32 s16, $0x0;
	[sflag:s15] =	ssyncset.done $0x0;
	s17 =	sshll.u32 @!p0 s14, $0x8  }
0x11: {  	[sflag:s15] =	ssyncadd.s32 $0xFFFF8000;
	s15 =	sadd.s32 @!p0 s1, s17;
	s17 =	simm.s32 @!p0 $0x0  }
0x12: {  	[tilespmem:s17], [sflag:$0x5] =	stream.linear.gather @!p0 [hbm4b:s15+s17], $0x8000, $0x38;
	[tilespmem:$0x18000] =	vst v63  }
.Ltmp0:
0x13: {  	_ = 	snop;
	(pc) =	sbr.rel @p1 .LBB2_5-.Ltmp0, $4  }
0x14: {  	s17 =	simm.s32 @!p0 $0x5  }
0x15: {  	_ =	swait.ge @!p0 [sflag:s17], $0x8000  }
0x16: {  	s15 =	sadd.s32 $0x1, s16;
	[sflag:s17] =	ssyncset.done @!p0 $0x0  }
0x17: {  	[sflag:s17] =	ssyncadd.s32 @!p0 $0xFFFF8000;
	s17 =	sand.u32 $0x1, s15  }
0x18: {  	p0 =	seq.s32 s16, $0x3F  }
.Ltmp1:
0x19: {  	_ = 	snop;
	(pc) =	sbr.rel @p0 .LBB2_6-.Ltmp1, $1  }
0x1a: {  	_ =	sdelay $0x3  }
0x1b: {  	s16 =	sadd.s32 $0x3, s17  }
0x1c: {  	_ =	swait.ge [sflag:s16], $0x8000  }
0x1d: {  	[sflag:s16] =	ssyncset.done $0x0  }
0x1e: {  	[sflag:s16] =	ssyncadd.s32 $0xFFFF8000  }
.LBB2_5:
0x1f: {  	s16 =	sshll.u32 s15, $0xA  }
0x20: {  	s18 =	sshll.u32 s15, $0x15;
	s16 =	sand.u32 $0x1F000, s16  }
0x21: {  	s19 =	sshll.u32 s17, $0xF;
	s18 =	sand.u32 $0x600000, s18;
	s16 =	sadd.s32 s16, s6  }
0x22: {  	s31 =	sadd.s32 $0x1, s17;
	s19 =	sadd.s32 $0x8000, s19;
	s16 =	sadd.s32 s18, s16  }
0x23: {  	[tilespmem:s19], [sflag:s31] =	stream.linear.gather [hbm4b:s16+s4], $0x8000, $0x38;
	[tilespmem:$0x18000] =	vst v63  }
.LBB2_6:
0x24: {  	s17 =	simm.s32 $0x0;
	s16 =	simm.s32 $0x0  }
0x25: {  	s16 =	sand.u32 $0x4000, s16;
	s18 =	sand.u32 $0x380, s17  }
0x26: {  	s19 =	sor.u32 s18, s16  }
0x27: {  	v0 =	vld [tilespmem:s19+$0x0];
	_ =	sdelay $0x1  }
0x28: {  	s25 =	sshll.u32 s12, $0xF  }
0x29: {  	s16 =	sadd.s32 $0x8000, s25  }
0x2a: {  	s18 =	sadd.s32 s16, s19  }
0x2b: {  	[tilespmem:s18+$0x0] =	vst.add.f32.msk $0xffff, v0  }
0x2c: {  	v0 =	vld [tilespmem:s19+$0x10];
	_ =	sdelay $0x4  }
0x2d: {  	[tilespmem:s18+$0x10] =	vst.add.f32.msk $0xffff, v0  }
0x2e: {  	v0 =	vld [tilespmem:s19+$0x20];
	_ =	sdelay $0x4  }
0x2f: {  	[tilespmem:s18+$0x20] =	vst.add.f32.msk $0xffff, v0  }
0x30: {  	v0 =	vld [tilespmem:s19+$0x30];
	_ =	sdelay $0x4  }
0x31: {  	[tilespmem:s18+$0x30] =	vst.add.f32.msk $0xffff, v0  }
0x32: {  	v0 =	vld [tilespmem:s19+$0x40];
	_ =	sdelay $0x4  }
0x33: {  	[tilespmem:s18+$0x40] =	vst.add.f32.msk $0xffff, v0  }
0x34: {  	v0 =	vld [tilespmem:s19+$0x50];
	_ =	sdelay $0x4  }
0x35: {  	[tilespmem:s18+$0x50] =	vst.add.f32.msk $0xffff, v0  }
0x36: {  	v0 =	vld [tilespmem:s19+$0x60];
	_ =	sdelay $0x4  }
0x37: {  	[tilespmem:s18+$0x60] =	vst.add.f32.msk $0xffff, v0  }
0x38: {  	v0 =	vld [tilespmem:s19+$0x70];
	_ =	sdelay $0x4  }
0x39: {  	[tilespmem:s18+$0x70] =	vst.add.f32.msk $0xffff, v0  }
0x3a: {  	v0 =	vld [tilespmem:s19+$0x400];
	_ =	sdelay $0x4  }
0x3b: {  	[tilespmem:s18+$0x400] =	vst.add.f32.msk $0xffff, v0  }
0x3c: {  	v0 =	vld [tilespmem:s19+$0x410];
	_ =	sdelay $0x4  }
0x3d: {  	[tilespmem:s18+$0x410] =	vst.add.f32.msk $0xffff, v0  }
0x3e: {  	v0 =	vld [tilespmem:s19+$0x420];
	_ =	sdelay $0x4  }
0x3f: {  	[tilespmem:s18+$0x420] =	vst.add.f32.msk $0xffff, v0  }
0x40: {  	v0 =	vld [tilespmem:s19+$0x430];
	_ =	sdelay $0x4  }
0x41: {  	[tilespmem:s18+$0x430] =	vst.add.f32.msk $0xffff, v0  }
0x42: {  	v0 =	vld [tilespmem:s19+$0x440];
	_ =	sdelay $0x4  }
0x43: {  	[tilespmem:s18+$0x440] =	vst.add.f32.msk $0xffff, v0  }
0x44: {  	v0 =	vld [tilespmem:s19+$0x450];
	_ =	sdelay $0x4  }
0x45: {  	[tilespmem:s18+$0x450] =	vst.add.f32.msk $0xffff, v0  }
0x46: {  	v0 =	vld [tilespmem:s19+$0x460];
	_ =	sdelay $0x4  }
0x47: {  	[tilespmem:s18+$0x460] =	vst.add.f32.msk $0xffff, v0  }
0x48: {  	v0 =	vld [tilespmem:s19+$0x470];
	_ =	sdelay $0x4  }
0x49: {  	[tilespmem:s18+$0x470] =	vst.add.f32.msk $0xffff, v0  }
0x4a: {  	v0 =	vld [tilespmem:s19+$0x800];
	_ =	sdelay $0x4  }
0x4b: {  	[tilespmem:s18+$0x800] =	vst.add.f32.msk $0xffff, v0  }
0x4c: {  	v0 =	vld [tilespmem:s19+$0x810];
	_ =	sdelay $0x4  }
0x4d: {  	[tilespmem:s18+$0x810] =	vst.add.f32.msk $0xffff, v0  }
0x4e: {  	v0 =	vld [tilespmem:s19+$0x820];
	_ =	sdelay $0x4  }
0x4f: {  	[tilespmem:s18+$0x820] =	vst.add.f32.msk $0xffff, v0  }
0x50: {  	v0 =	vld [tilespmem:s19+$0x830];
	_ =	sdelay $0x4  }
0x51: {  	[tilespmem:s18+$0x830] =	vst.add.f32.msk $0xffff, v0  }
0x52: {  	v0 =	vld [tilespmem:s19+$0x840];
	_ =	sdelay $0x4  }
0x53: {  	[tilespmem:s18+$0x840] =	vst.add.f32.msk $0xffff, v0  }
0x54: {  	v0 =	vld [tilespmem:s19+$0x850];
	_ =	sdelay $0x4  }
0x55: {  	[tilespmem:s18+$0x850] =	vst.add.f32.msk $0xffff, v0  }
0x56: {  	v0 =	vld [tilespmem:s19+$0x860];
	_ =	sdelay $0x4  }
0x57: {  	[tilespmem:s18+$0x860] =	vst.add.f32.msk $0xffff, v0  }
0x58: {  	v0 =	vld [tilespmem:s19+$0x870];
	_ =	sdelay $0x4  }
0x59: {  	[tilespmem:s18+$0x870] =	vst.add.f32.msk $0xffff, v0  }
0x5a: {  	v0 =	vld [tilespmem:s19+$0xC00];
	_ =	sdelay $0x4  }
0x5b: {  	[tilespmem:s18+$0xC00] =	vst.add.f32.msk $0xffff, v0  }
0x5c: {  	v0 =	vld [tilespmem:s19+$0xC10];
	_ =	sdelay $0x4  }
0x5d: {  	[tilespmem:s18+$0xC10] =	vst.add.f32.msk $0xffff, v0  }
0x5e: {  	v0 =	vld [tilespmem:s19+$0xC20];
	_ =	sdelay $0x4  }
0x5f: {  	[tilespmem:s18+$0xC20] =	vst.add.f32.msk $0xffff, v0  }
0x60: {  	v0 =	vld [tilespmem:s19+$0xC30];
	_ =	sdelay $0x4  }
0x61: {  	[tilespmem:s18+$0xC30] =	vst.add.f32.msk $0xffff, v0  }
0x62: {  	v0 =	vld [tilespmem:s19+$0xC40];
	_ =	sdelay $0x4  }
0x63: {  	[tilespmem:s18+$0xC40] =	vst.add.f32.msk $0xffff, v0  }
0x64: {  	v0 =	vld [tilespmem:s19+$0xC50];
	_ =	sdelay $0x4  }
0x65: {  	[tilespmem:s18+$0xC50] =	vst.add.f32.msk $0xffff, v0  }
0x66: {  	v0 =	vld [tilespmem:s19+$0xC60];
	_ =	sdelay $0x4  }
0x67: {  	[tilespmem:s18+$0xC60] =	vst.add.f32.msk $0xffff, v0  }
0x68: {  	v0 =	vld [tilespmem:s19+$0xC70];
	_ =	sdelay $0x4  }
0x69: {  	[tilespmem:s18+$0xC70] =	vst.add.f32.msk $0xffff, v0  }
0x6a: {  	v0 =	vld [tilespmem:s19+$0x1000];
	_ =	sdelay $0x4  }
0x6b: {  	[tilespmem:s18+$0x1000] =	vst.add.f32.msk $0xffff, v0  }
0x6c: {  	v0 =	vld [tilespmem:s19+$0x1010];
	_ =	sdelay $0x4  }
0x6d: {  	[tilespmem:s18+$0x1010] =	vst.add.f32.msk $0xffff, v0  }
0x6e: {  	v0 =	vld [tilespmem:s19+$0x1020];
	_ =	sdelay $0x4  }
0x6f: {  	[tilespmem:s18+$0x1020] =	vst.add.f32.msk $0xffff, v0  }
0x70: {  	v0 =	vld [tilespmem:s19+$0x1030];
	_ =	sdelay $0x4  }
0x71: {  	[tilespmem:s18+$0x1030] =	vst.add.f32.msk $0xffff, v0  }
0x72: {  	v0 =	vld [tilespmem:s19+$0x1040];
	_ =	sdelay $0x4  }
0x73: {  	[tilespmem:s18+$0x1040] =	vst.add.f32.msk $0xffff, v0  }
0x74: {  	v0 =	vld [tilespmem:s19+$0x1050];
	_ =	sdelay $0x4  }
0x75: {  	[tilespmem:s18+$0x1050] =	vst.add.f32.msk $0xffff, v0  }
0x76: {  	v0 =	vld [tilespmem:s19+$0x1060];
	_ =	sdelay $0x4  }
0x77: {  	[tilespmem:s18+$0x1060] =	vst.add.f32.msk $0xffff, v0  }
0x78: {  	v0 =	vld [tilespmem:s19+$0x1070];
	_ =	sdelay $0x4  }
0x79: {  	[tilespmem:s18+$0x1070] =	vst.add.f32.msk $0xffff, v0  }
0x7a: {  	v0 =	vld [tilespmem:s19+$0x1400];
	_ =	sdelay $0x4  }
0x7b: {  	[tilespmem:s18+$0x1400] =	vst.add.f32.msk $0xffff, v0  }
0x7c: {  	v0 =	vld [tilespmem:s19+$0x1410];
	_ =	sdelay $0x4  }
0x7d: {  	[tilespmem:s18+$0x1410] =	vst.add.f32.msk $0xffff, v0  }
0x7e: {  	v0 =	vld [tilespmem:s19+$0x1420];
	_ =	sdelay $0x4  }
0x7f: {  	[tilespmem:s18+$0x1420] =	vst.add.f32.msk $0xffff, v0  }
0x80: {  	v0 =	vld [tilespmem:s19+$0x1430];
	_ =	sdelay $0x4  }
0x81: {  	[tilespmem:s18+$0x1430] =	vst.add.f32.msk $0xffff, v0  }
0x82: {  	v0 =	vld [tilespmem:s19+$0x1440];
	_ =	sdelay $0x4  }
0x83: {  	[tilespmem:s18+$0x1440] =	vst.add.f32.msk $0xffff, v0  }
0x84: {  	v0 =	vld [tilespmem:s19+$0x1450];
	_ =	sdelay $0x4  }
0x85: {  	[tilespmem:s18+$0x1450] =	vst.add.f32.msk $0xffff, v0  }
0x86: {  	v0 =	vld [tilespmem:s19+$0x1460];
	_ =	sdelay $0x4  }
0x87: {  	[tilespmem:s18+$0x1460] =	vst.add.f32.msk $0xffff, v0  }
0x88: {  	v0 =	vld [tilespmem:s19+$0x1470];
	_ =	sdelay $0x4  }
0x89: {  	[tilespmem:s18+$0x1470] =	vst.add.f32.msk $0xffff, v0  }
0x8a: {  	v0 =	vld [tilespmem:s19+$0x1800];
	_ =	sdelay $0x4  }
0x8b: {  	[tilespmem:s18+$0x1800] =	vst.add.f32.msk $0xffff, v0  }
0x8c: {  	v0 =	vld [tilespmem:s19+$0x1810];
	_ =	sdelay $0x4  }
0x8d: {  	[tilespmem:s18+$0x1810] =	vst.add.f32.msk $0xffff, v0  }
0x8e: {  	v0 =	vld [tilespmem:s19+$0x1820];
	_ =	sdelay $0x4  }
0x8f: {  	[tilespmem:s18+$0x1820] =	vst.add.f32.msk $0xffff, v0  }
0x90: {  	v0 =	vld [tilespmem:s19+$0x1830];
	_ =	sdelay $0x4  }
0x91: {  	[tilespmem:s18+$0x1830] =	vst.add.f32.msk $0xffff, v0  }
0x92: {  	v0 =	vld [tilespmem:s19+$0x1840];
	_ =	sdelay $0x4  }
0x93: {  	[tilespmem:s18+$0x1840] =	vst.add.f32.msk $0xffff, v0  }
0x94: {  	v0 =	vld [tilespmem:s19+$0x1850];
	_ =	sdelay $0x4  }
0x95: {  	[tilespmem:s18+$0x1850] =	vst.add.f32.msk $0xffff, v0  }
0x96: {  	v0 =	vld [tilespmem:s19+$0x1860];
	_ =	sdelay $0x4  }
0x97: {  	[tilespmem:s18+$0x1860] =	vst.add.f32.msk $0xffff, v0  }
0x98: {  	v0 =	vld [tilespmem:s19+$0x1870];
	_ =	sdelay $0x4  }
0x99: {  	[tilespmem:s18+$0x1870] =	vst.add.f32.msk $0xffff, v0  }
0x9a: {  	v0 =	vld [tilespmem:s19+$0x1C00];
	_ =	sdelay $0x4  }
0x9b: {  	[tilespmem:s18+$0x1C00] =	vst.add.f32.msk $0xffff, v0  }
0x9c: {  	v0 =	vld [tilespmem:s19+$0x1C10];
	_ =	sdelay $0x4  }
0x9d: {  	[tilespmem:s18+$0x1C10] =	vst.add.f32.msk $0xffff, v0  }
0x9e: {  	v0 =	vld [tilespmem:s19+$0x1C20];
	_ =	sdelay $0x4  }
0x9f: {  	[tilespmem:s18+$0x1C20] =	vst.add.f32.msk $0xffff, v0  }
0xa0: {  	v0 =	vld [tilespmem:s19+$0x1C30];
	_ =	sdelay $0x4  }
0xa1: {  	[tilespmem:s18+$0x1C30] =	vst.add.f32.msk $0xffff, v0  }
0xa2: {  	v0 =	vld [tilespmem:s19+$0x1C40];
	_ =	sdelay $0x4  }
0xa3: {  	[tilespmem:s18+$0x1C40] =	vst.add.f32.msk $0xffff, v0  }
0xa4: {  	v0 =	vld [tilespmem:s19+$0x1C50];
	_ =	sdelay $0x4  }
0xa5: {  	[tilespmem:s18+$0x1C50] =	vst.add.f32.msk $0xffff, v0  }
0xa6: {  	v0 =	vld [tilespmem:s19+$0x1C60];
	_ =	sdelay $0x4  }
0xa7: {  	[tilespmem:s18+$0x1C60] =	vst.add.f32.msk $0xffff, v0  }
0xa8: {  	v0 =	vld [tilespmem:s19+$0x1C70];
	_ =	sdelay $0x4  }
0xa9: {  	[tilespmem:s18+$0x1C70] =	vst.add.f32.msk $0xffff, v0  }
0xaa: {  	v0 =	vld [tilespmem:s19+$0x2000];
	_ =	sdelay $0x4  }
0xab: {  	[tilespmem:s18+$0x2000] =	vst.add.f32.msk $0xffff, v0  }
0xac: {  	v0 =	vld [tilespmem:s19+$0x2010];
	_ =	sdelay $0x4  }
0xad: {  	[tilespmem:s18+$0x2010] =	vst.add.f32.msk $0xffff, v0  }
0xae: {  	v0 =	vld [tilespmem:s19+$0x2020];
	_ =	sdelay $0x4  }
0xaf: {  	[tilespmem:s18+$0x2020] =	vst.add.f32.msk $0xffff, v0  }
0xb0: {  	v0 =	vld [tilespmem:s19+$0x2030];
	_ =	sdelay $0x4  }
0xb1: {  	[tilespmem:s18+$0x2030] =	vst.add.f32.msk $0xffff, v0  }
0xb2: {  	v0 =	vld [tilespmem:s19+$0x2040];
	_ =	sdelay $0x4  }
0xb3: {  	[tilespmem:s18+$0x2040] =	vst.add.f32.msk $0xffff, v0  }
0xb4: {  	v0 =	vld [tilespmem:s19+$0x2050];
	_ =	sdelay $0x4  }
0xb5: {  	[tilespmem:s18+$0x2050] =	vst.add.f32.msk $0xffff, v0  }
0xb6: {  	v0 =	vld [tilespmem:s19+$0x2060];
	_ =	sdelay $0x4  }
0xb7: {  	[tilespmem:s18+$0x2060] =	vst.add.f32.msk $0xffff, v0  }
0xb8: {  	v0 =	vld [tilespmem:s19+$0x2070];
	_ =	sdelay $0x4  }
0xb9: {  	[tilespmem:s18+$0x2070] =	vst.add.f32.msk $0xffff, v0  }
0xba: {  	v0 =	vld [tilespmem:s19+$0x2400];
	_ =	sdelay $0x4  }
0xbb: {  	[tilespmem:s18+$0x2400] =	vst.add.f32.msk $0xffff, v0  }
0xbc: {  	v0 =	vld [tilespmem:s19+$0x2410];
	_ =	sdelay $0x4  }
0xbd: {  	[tilespmem:s18+$0x2410] =	vst.add.f32.msk $0xffff, v0  }
0xbe: {  	v0 =	vld [tilespmem:s19+$0x2420];
	_ =	sdelay $0x4  }
0xbf: {  	[tilespmem:s18+$0x2420] =	vst.add.f32.msk $0xffff, v0  }
0xc0: {  	v0 =	vld [tilespmem:s19+$0x2430];
	_ =	sdelay $0x4  }
0xc1: {  	[tilespmem:s18+$0x2430] =	vst.add.f32.msk $0xffff, v0  }
0xc2: {  	v0 =	vld [tilespmem:s19+$0x2440];
	_ =	sdelay $0x4  }
0xc3: {  	[tilespmem:s18+$0x2440] =	vst.add.f32.msk $0xffff, v0  }
0xc4: {  	v0 =	vld [tilespmem:s19+$0x2450];
	_ =	sdelay $0x4  }
0xc5: {  	[tilespmem:s18+$0x2450] =	vst.add.f32.msk $0xffff, v0  }
0xc6: {  	v0 =	vld [tilespmem:s19+$0x2460];
	_ =	sdelay $0x4  }
0xc7: {  	[tilespmem:s18+$0x2460] =	vst.add.f32.msk $0xffff, v0  }
0xc8: {  	v0 =	vld [tilespmem:s19+$0x2470];
	_ =	sdelay $0x4  }
0xc9: {  	[tilespmem:s18+$0x2470] =	vst.add.f32.msk $0xffff, v0  }
0xca: {  	v0 =	vld [tilespmem:s19+$0x2800];
	_ =	sdelay $0x4  }
0xcb: {  	[tilespmem:s18+$0x2800] =	vst.add.f32.msk $0xffff, v0  }
0xcc: {  	v0 =	vld [tilespmem:s19+$0x2810];
	_ =	sdelay $0x4  }
0xcd: {  	[tilespmem:s18+$0x2810] =	vst.add.f32.msk $0xffff, v0  }
0xce: {  	v0 =	vld [tilespmem:s19+$0x2820];
	_ =	sdelay $0x4  }
0xcf: {  	[tilespmem:s18+$0x2820] =	vst.add.f32.msk $0xffff, v0  }
0xd0: {  	v0 =	vld [tilespmem:s19+$0x2830];
	_ =	sdelay $0x4  }
0xd1: {  	[tilespmem:s18+$0x2830] =	vst.add.f32.msk $0xffff, v0  }
0xd2: {  	v0 =	vld [tilespmem:s19+$0x2840];
	_ =	sdelay $0x4  }
0xd3: {  	[tilespmem:s18+$0x2840] =	vst.add.f32.msk $0xffff, v0  }
0xd4: {  	v0 =	vld [tilespmem:s19+$0x2850];
	_ =	sdelay $0x4  }
0xd5: {  	[tilespmem:s18+$0x2850] =	vst.add.f32.msk $0xffff, v0  }
0xd6: {  	v0 =	vld [tilespmem:s19+$0x2860];
	_ =	sdelay $0x4  }
0xd7: {  	[tilespmem:s18+$0x2860] =	vst.add.f32.msk $0xffff, v0  }
0xd8: {  	v0 =	vld [tilespmem:s19+$0x2870];
	_ =	sdelay $0x4  }
0xd9: {  	[tilespmem:s18+$0x2870] =	vst.add.f32.msk $0xffff, v0  }
0xda: {  	v0 =	vld [tilespmem:s19+$0x2C00];
	_ =	sdelay $0x4  }
0xdb: {  	[tilespmem:s18+$0x2C00] =	vst.add.f32.msk $0xffff, v0  }
0xdc: {  	v0 =	vld [tilespmem:s19+$0x2C10];
	_ =	sdelay $0x4  }
0xdd: {  	[tilespmem:s18+$0x2C10] =	vst.add.f32.msk $0xffff, v0  }
0xde: {  	v0 =	vld [tilespmem:s19+$0x2C20];
	_ =	sdelay $0x4  }
0xdf: {  	[tilespmem:s18+$0x2C20] =	vst.add.f32.msk $0xffff, v0  }
0xe0: {  	v0 =	vld [tilespmem:s19+$0x2C30];
	_ =	sdelay $0x4  }
0xe1: {  	[tilespmem:s18+$0x2C30] =	vst.add.f32.msk $0xffff, v0  }
0xe2: {  	v0 =	vld [tilespmem:s19+$0x2C40];
	_ =	sdelay $0x4  }
0xe3: {  	[tilespmem:s18+$0x2C40] =	vst.add.f32.msk $0xffff, v0  }
0xe4: {  	v0 =	vld [tilespmem:s19+$0x2C50];
	_ =	sdelay $0x4  }
0xe5: {  	[tilespmem:s18+$0x2C50] =	vst.add.f32.msk $0xffff, v0  }
0xe6: {  	v0 =	vld [tilespmem:s19+$0x2C60];
	_ =	sdelay $0x4  }
0xe7: {  	[tilespmem:s18+$0x2C60] =	vst.add.f32.msk $0xffff, v0  }
0xe8: {  	v0 =	vld [tilespmem:s19+$0x2C70];
	_ =	sdelay $0x4  }
0xe9: {  	[tilespmem:s18+$0x2C70] =	vst.add.f32.msk $0xffff, v0  }
0xea: {  	v0 =	vld [tilespmem:s19+$0x3000];
	_ =	sdelay $0x4  }
0xeb: {  	[tilespmem:s18+$0x3000] =	vst.add.f32.msk $0xffff, v0  }
0xec: {  	v0 =	vld [tilespmem:s19+$0x3010];
	_ =	sdelay $0x4  }
0xed: {  	[tilespmem:s18+$0x3010] =	vst.add.f32.msk $0xffff, v0  }
0xee: {  	v0 =	vld [tilespmem:s19+$0x3020];
	_ =	sdelay $0x4  }
0xef: {  	[tilespmem:s18+$0x3020] =	vst.add.f32.msk $0xffff, v0  }
0xf0: {  	v0 =	vld [tilespmem:s19+$0x3030];
	_ =	sdelay $0x4  }
0xf1: {  	[tilespmem:s18+$0x3030] =	vst.add.f32.msk $0xffff, v0  }
0xf2: {  	v0 =	vld [tilespmem:s19+$0x3040];
	_ =	sdelay $0x4  }
0xf3: {  	[tilespmem:s18+$0x3040] =	vst.add.f32.msk $0xffff, v0  }
0xf4: {  	v0 =	vld [tilespmem:s19+$0x3050];
	_ =	sdelay $0x4  }
0xf5: {  	[tilespmem:s18+$0x3050] =	vst.add.f32.msk $0xffff, v0  }
0xf6: {  	v0 =	vld [tilespmem:s19+$0x3060];
	_ =	sdelay $0x4  }
0xf7: {  	[tilespmem:s18+$0x3060] =	vst.add.f32.msk $0xffff, v0  }
0xf8: {  	v0 =	vld [tilespmem:s19+$0x3070];
	_ =	sdelay $0x4  }
0xf9: {  	[tilespmem:s18+$0x3070] =	vst.add.f32.msk $0xffff, v0  }
0xfa: {  	v0 =	vld [tilespmem:s19+$0x3400];
	_ =	sdelay $0x4  }
0xfb: {  	[tilespmem:s18+$0x3400] =	vst.add.f32.msk $0xffff, v0  }
0xfc: {  	v0 =	vld [tilespmem:s19+$0x3410];
	_ =	sdelay $0x4  }
0xfd: {  	[tilespmem:s18+$0x3410] =	vst.add.f32.msk $0xffff, v0  }
0xfe: {  	v0 =	vld [tilespmem:s19+$0x3420];
	_ =	sdelay $0x4  }
0xff: {  	[tilespmem:s18+$0x3420] =	vst.add.f32.msk $0xffff, v0  }
0x100: {  	v0 =	vld [tilespmem:s19+$0x3430];
	_ =	sdelay $0x4  }
0x101: {  	[tilespmem:s18+$0x3430] =	vst.add.f32.msk $0xffff, v0  }
0x102: {  	v0 =	vld [tilespmem:s19+$0x3440];
	_ =	sdelay $0x4  }
0x103: {  	[tilespmem:s18+$0x3440] =	vst.add.f32.msk $0xffff, v0  }
0x104: {  	v0 =	vld [tilespmem:s19+$0x3450];
	_ =	sdelay $0x4  }
0x105: {  	[tilespmem:s18+$0x3450] =	vst.add.f32.msk $0xffff, v0  }
0x106: {  	v0 =	vld [tilespmem:s19+$0x3460];
	_ =	sdelay $0x4  }
0x107: {  	[tilespmem:s18+$0x3460] =	vst.add.f32.msk $0xffff, v0  }
0x108: {  	v0 =	vld [tilespmem:s19+$0x3470];
	_ =	sdelay $0x1  }
0x109: {  	s26 =	sand.u32 $0x7, s17  }
0x10a: {  	s19 =	sshll.u32 s26, $0x7  }
0x10b: {  	s19 =	sadd.s32 $0x0, s19  }
0x10c: {  	s20 =	sor.u32 $0x3800, s19;
	[tilespmem:s18+$0x3470] =	vst.add.f32.msk $0xffff, v0  }
0x10d: {  	v0 =	vld [tilespmem:s20+$0x0];
	_ =	sdelay $0x4  }
0x10e: {  	s28 =	sor.u32 $0x3810, s19;
	[tilespmem:s18+$0x3800] =	vst.add.f32.msk $0xffff, v0  }
0x10f: {  	v0 =	vld [tilespmem:s28+$0x0];
	_ =	sdelay $0x4  }
0x110: {  	s29 =	sor.u32 $0x3820, s19;
	[tilespmem:s18+$0x3810] =	vst.add.f32.msk $0xffff, v0  }
0x111: {  	v0 =	vld [tilespmem:s29+$0x0];
	_ =	sdelay $0x4  }
0x112: {  	s30 =	sor.u32 $0x3830, s19;
	[tilespmem:s18+$0x3820] =	vst.add.f32.msk $0xffff, v0  }
0x113: {  	v0 =	vld [tilespmem:s30+$0x0];
	_ =	sdelay $0x4  }
0x114: {  	s31 =	sor.u32 $0x3840, s19;
	[tilespmem:s18+$0x3830] =	vst.add.f32.msk $0xffff, v0  }
0x115: {  	v0 =	vld [tilespmem:s31+$0x0];
	_ =	sdelay $0x4  }
0x116: {  	s21 =	sor.u32 $0x3850, s19;
	[tilespmem:s18+$0x3840] =	vst.add.f32.msk $0xffff, v0  }
0x117: {  	v0 =	vld [tilespmem:s21+$0x0];
	_ =	sdelay $0x4  }
0x118: {  	s22 =	sor.u32 $0x3860, s19;
	[tilespmem:s18+$0x3850] =	vst.add.f32.msk $0xffff, v0  }
0x119: {  	v0 =	vld [tilespmem:s22+$0x0];
	_ =	sdelay $0x4  }
0x11a: {  	s23 =	sor.u32 $0x3870, s19;
	[tilespmem:s18+$0x3860] =	vst.add.f32.msk $0xffff, v0  }
0x11b: {  	v0 =	vld [tilespmem:s23+$0x0];
	_ =	sdelay $0x4  }
0x11c: {  	s24 =	sor.u32 $0x3C00, s19;
	[tilespmem:s18+$0x3870] =	vst.add.f32.msk $0xffff, v0  }
0x11d: {  	v0 =	vld [tilespmem:s24+$0x0];
	_ =	sdelay $0x4  }
0x11e: {  	s25 =	sor.u32 $0x3C10, s19;
	[tilespmem:s18+$0x3C00] =	vst.add.f32.msk $0xffff, v0  }
0x11f: {  	v0 =	vld [tilespmem:s25+$0x0];
	_ =	sdelay $0x4  }
0x120: {  	s26 =	sor.u32 $0x3C20, s19;
	[tilespmem:s18+$0x3C10] =	vst.add.f32.msk $0xffff, v0  }
0x121: {  	v0 =	vld [tilespmem:s26+$0x0];
	_ =	sdelay $0x4  }
0x122: {  	s28 =	sor.u32 $0x3C30, s19;
	[tilespmem:s18+$0x3C20] =	vst.add.f32.msk $0xffff, v0  }
0x123: {  	v0 =	vld [tilespmem:s28+$0x0];
	_ =	sdelay $0x4  }
0x124: {  	s29 =	sor.u32 $0x3C40, s19;
	[tilespmem:s18+$0x3C30] =	vst.add.f32.msk $0xffff, v0  }
0x125: {  	v0 =	vld [tilespmem:s29+$0x0];
	_ =	sdelay $0x4  }
0x126: {  	s30 =	sor.u32 $0x3C50, s19;
	[tilespmem:s18+$0x3C40] =	vst.add.f32.msk $0xffff, v0  }
0x127: {  	v0 =	vld [tilespmem:s30+$0x0];
	_ =	sdelay $0x4  }
0x128: {  	s31 =	sor.u32 $0x3C60, s19;
	[tilespmem:s18+$0x3C50] =	vst.add.f32.msk $0xffff, v0  }
0x129: {  	v0 =	vld [tilespmem:s31+$0x0];
	_ =	sdelay $0x4  }
0x12a: {  	s19 =	sor.u32 $0x3C70, s19;
	[tilespmem:s18+$0x3C60] =	vst.add.f32.msk $0xffff, v0  }
0x12b: {  	v0 =	vld [tilespmem:s19+$0x0];
	_ =	sdelay $0x1  }
0x12c: {  	s20 =	simm.s32 $0x80;
	s21 =	simm.s32 $0xFFFF8800  }
0x12d: {  	s22 =	simm.s32 $0x100;
	s23 =	simm.s32 $0x800;
	s19 =	simm.s32 $0x0  }
.LBB2_7:
0x12e: {  	p0 =	sne.s32 s22, $0x780;
	s23 =	sand.u32 $0x4000, s23;
	s20 =	sand.u32 $0x380, s20  }
0x12f: {  	s23 =	sor.u32 s20, s23;
	[tilespmem:s18+$0x3C70] =	vst.add.f32.msk $0xffff, v0;
	s20 =	smov.u32 s22  }
0x130: {  	v0 =	vld [tilespmem:s23+$0x0];
	_ =	sdelay $0x3  }
0x131: {  	s18 =	sadd.s32 s16, s23  }
0x132: {  	[tilespmem:s18+$0x0] =	vst.add.f32.msk $0xffff, v0  }
0x133: {  	v0 =	vld [tilespmem:s23+$0x10];
	_ =	sdelay $0x4  }
0x134: {  	[tilespmem:s18+$0x10] =	vst.add.f32.msk $0xffff, v0  }
0x135: {  	v0 =	vld [tilespmem:s23+$0x20];
	_ =	sdelay $0x4  }
0x136: {  	[tilespmem:s18+$0x20] =	vst.add.f32.msk $0xffff, v0  }
0x137: {  	v0 =	vld [tilespmem:s23+$0x30];
	_ =	sdelay $0x4  }
0x138: {  	[tilespmem:s18+$0x30] =	vst.add.f32.msk $0xffff, v0  }
0x139: {  	v0 =	vld [tilespmem:s23+$0x40];
	_ =	sdelay $0x4  }
0x13a: {  	[tilespmem:s18+$0x40] =	vst.add.f32.msk $0xffff, v0  }
0x13b: {  	v0 =	vld [tilespmem:s23+$0x50];
	_ =	sdelay $0x4  }
0x13c: {  	[tilespmem:s18+$0x50] =	vst.add.f32.msk $0xffff, v0  }
0x13d: {  	v0 =	vld [tilespmem:s23+$0x60];
	_ =	sdelay $0x4  }
0x13e: {  	[tilespmem:s18+$0x60] =	vst.add.f32.msk $0xffff, v0  }
0x13f: {  	v0 =	vld [tilespmem:s23+$0x70];
	_ =	sdelay $0x4  }
0x140: {  	[tilespmem:s18+$0x70] =	vst.add.f32.msk $0xffff, v0  }
0x141: {  	v0 =	vld [tilespmem:s23+$0x400];
	_ =	sdelay $0x4  }
0x142: {  	[tilespmem:s18+$0x400] =	vst.add.f32.msk $0xffff, v0  }
0x143: {  	v0 =	vld [tilespmem:s23+$0x410];
	_ =	sdelay $0x4  }
0x144: {  	[tilespmem:s18+$0x410] =	vst.add.f32.msk $0xffff, v0  }
0x145: {  	v0 =	vld [tilespmem:s23+$0x420];
	_ =	sdelay $0x4  }
0x146: {  	[tilespmem:s18+$0x420] =	vst.add.f32.msk $0xffff, v0  }
0x147: {  	v0 =	vld [tilespmem:s23+$0x430];
	_ =	sdelay $0x4  }
0x148: {  	[tilespmem:s18+$0x430] =	vst.add.f32.msk $0xffff, v0  }
0x149: {  	v0 =	vld [tilespmem:s23+$0x440];
	_ =	sdelay $0x4  }
0x14a: {  	[tilespmem:s18+$0x440] =	vst.add.f32.msk $0xffff, v0  }
0x14b: {  	v0 =	vld [tilespmem:s23+$0x450];
	_ =	sdelay $0x4  }
0x14c: {  	[tilespmem:s18+$0x450] =	vst.add.f32.msk $0xffff, v0  }
0x14d: {  	v0 =	vld [tilespmem:s23+$0x460];
	_ =	sdelay $0x4  }
0x14e: {  	[tilespmem:s18+$0x460] =	vst.add.f32.msk $0xffff, v0  }
0x14f: {  	v0 =	vld [tilespmem:s23+$0x470];
	_ =	sdelay $0x4  }
0x150: {  	[tilespmem:s18+$0x470] =	vst.add.f32.msk $0xffff, v0  }
0x151: {  	v0 =	vld [tilespmem:s23+$0x800];
	_ =	sdelay $0x4  }
0x152: {  	[tilespmem:s18+$0x800] =	vst.add.f32.msk $0xffff, v0  }
0x153: {  	v0 =	vld [tilespmem:s23+$0x810];
	_ =	sdelay $0x4  }
0x154: {  	[tilespmem:s18+$0x810] =	vst.add.f32.msk $0xffff, v0  }
0x155: {  	v0 =	vld [tilespmem:s23+$0x820];
	_ =	sdelay $0x4  }
0x156: {  	[tilespmem:s18+$0x820] =	vst.add.f32.msk $0xffff, v0  }
0x157: {  	v0 =	vld [tilespmem:s23+$0x830];
	_ =	sdelay $0x4  }
0x158: {  	[tilespmem:s18+$0x830] =	vst.add.f32.msk $0xffff, v0  }
0x159: {  	v0 =	vld [tilespmem:s23+$0x840];
	_ =	sdelay $0x4  }
0x15a: {  	[tilespmem:s18+$0x840] =	vst.add.f32.msk $0xffff, v0  }
0x15b: {  	v0 =	vld [tilespmem:s23+$0x850];
	_ =	sdelay $0x4  }
0x15c: {  	[tilespmem:s18+$0x850] =	vst.add.f32.msk $0xffff, v0  }
0x15d: {  	v0 =	vld [tilespmem:s23+$0x860];
	_ =	sdelay $0x4  }
0x15e: {  	[tilespmem:s18+$0x860] =	vst.add.f32.msk $0xffff, v0  }
0x15f: {  	v0 =	vld [tilespmem:s23+$0x870];
	_ =	sdelay $0x4  }
0x160: {  	[tilespmem:s18+$0x870] =	vst.add.f32.msk $0xffff, v0  }
0x161: {  	v0 =	vld [tilespmem:s23+$0xC00];
	_ =	sdelay $0x4  }
0x162: {  	[tilespmem:s18+$0xC00] =	vst.add.f32.msk $0xffff, v0  }
0x163: {  	v0 =	vld [tilespmem:s23+$0xC10];
	_ =	sdelay $0x4  }
0x164: {  	[tilespmem:s18+$0xC10] =	vst.add.f32.msk $0xffff, v0  }
0x165: {  	v0 =	vld [tilespmem:s23+$0xC20];
	_ =	sdelay $0x4  }
0x166: {  	[tilespmem:s18+$0xC20] =	vst.add.f32.msk $0xffff, v0  }
0x167: {  	v0 =	vld [tilespmem:s23+$0xC30];
	_ =	sdelay $0x4  }
0x168: {  	[tilespmem:s18+$0xC30] =	vst.add.f32.msk $0xffff, v0  }
0x169: {  	v0 =	vld [tilespmem:s23+$0xC40];
	_ =	sdelay $0x4  }
0x16a: {  	[tilespmem:s18+$0xC40] =	vst.add.f32.msk $0xffff, v0  }
0x16b: {  	v0 =	vld [tilespmem:s23+$0xC50];
	_ =	sdelay $0x4  }
0x16c: {  	[tilespmem:s18+$0xC50] =	vst.add.f32.msk $0xffff, v0  }
0x16d: {  	v0 =	vld [tilespmem:s23+$0xC60];
	_ =	sdelay $0x4  }
0x16e: {  	[tilespmem:s18+$0xC60] =	vst.add.f32.msk $0xffff, v0  }
0x16f: {  	v0 =	vld [tilespmem:s23+$0xC70];
	_ =	sdelay $0x4  }
0x170: {  	[tilespmem:s18+$0xC70] =	vst.add.f32.msk $0xffff, v0  }
0x171: {  	v0 =	vld [tilespmem:s23+$0x1000];
	_ =	sdelay $0x4  }
0x172: {  	[tilespmem:s18+$0x1000] =	vst.add.f32.msk $0xffff, v0  }
0x173: {  	v0 =	vld [tilespmem:s23+$0x1010];
	_ =	sdelay $0x4  }
0x174: {  	[tilespmem:s18+$0x1010] =	vst.add.f32.msk $0xffff, v0  }
0x175: {  	v0 =	vld [tilespmem:s23+$0x1020];
	_ =	sdelay $0x4  }
0x176: {  	[tilespmem:s18+$0x1020] =	vst.add.f32.msk $0xffff, v0  }
0x177: {  	v0 =	vld [tilespmem:s23+$0x1030];
	_ =	sdelay $0x4  }
0x178: {  	[tilespmem:s18+$0x1030] =	vst.add.f32.msk $0xffff, v0  }
0x179: {  	v0 =	vld [tilespmem:s23+$0x1040];
	_ =	sdelay $0x4  }
0x17a: {  	[tilespmem:s18+$0x1040] =	vst.add.f32.msk $0xffff, v0  }
0x17b: {  	v0 =	vld [tilespmem:s23+$0x1050];
	_ =	sdelay $0x4  }
0x17c: {  	[tilespmem:s18+$0x1050] =	vst.add.f32.msk $0xffff, v0  }
0x17d: {  	v0 =	vld [tilespmem:s23+$0x1060];
	_ =	sdelay $0x4  }
0x17e: {  	[tilespmem:s18+$0x1060] =	vst.add.f32.msk $0xffff, v0  }
0x17f: {  	v0 =	vld [tilespmem:s23+$0x1070];
	_ =	sdelay $0x4  }
0x180: {  	[tilespmem:s18+$0x1070] =	vst.add.f32.msk $0xffff, v0  }
0x181: {  	v0 =	vld [tilespmem:s23+$0x1400];
	_ =	sdelay $0x4  }
0x182: {  	[tilespmem:s18+$0x1400] =	vst.add.f32.msk $0xffff, v0  }
0x183: {  	v0 =	vld [tilespmem:s23+$0x1410];
	_ =	sdelay $0x4  }
0x184: {  	[tilespmem:s18+$0x1410] =	vst.add.f32.msk $0xffff, v0  }
0x185: {  	v0 =	vld [tilespmem:s23+$0x1420];
	_ =	sdelay $0x4  }
0x186: {  	[tilespmem:s18+$0x1420] =	vst.add.f32.msk $0xffff, v0  }
0x187: {  	v0 =	vld [tilespmem:s23+$0x1430];
	_ =	sdelay $0x4  }
0x188: {  	[tilespmem:s18+$0x1430] =	vst.add.f32.msk $0xffff, v0  }
0x189: {  	v0 =	vld [tilespmem:s23+$0x1440];
	_ =	sdelay $0x4  }
0x18a: {  	[tilespmem:s18+$0x1440] =	vst.add.f32.msk $0xffff, v0  }
0x18b: {  	v0 =	vld [tilespmem:s23+$0x1450];
	_ =	sdelay $0x4  }
0x18c: {  	[tilespmem:s18+$0x1450] =	vst.add.f32.msk $0xffff, v0  }
0x18d: {  	v0 =	vld [tilespmem:s23+$0x1460];
	_ =	sdelay $0x4  }
0x18e: {  	[tilespmem:s18+$0x1460] =	vst.add.f32.msk $0xffff, v0  }
0x18f: {  	v0 =	vld [tilespmem:s23+$0x1470];
	_ =	sdelay $0x4  }
0x190: {  	[tilespmem:s18+$0x1470] =	vst.add.f32.msk $0xffff, v0  }
0x191: {  	v0 =	vld [tilespmem:s23+$0x1800];
	_ =	sdelay $0x4  }
0x192: {  	[tilespmem:s18+$0x1800] =	vst.add.f32.msk $0xffff, v0  }
0x193: {  	v0 =	vld [tilespmem:s23+$0x1810];
	_ =	sdelay $0x4  }
0x194: {  	[tilespmem:s18+$0x1810] =	vst.add.f32.msk $0xffff, v0  }
0x195: {  	v0 =	vld [tilespmem:s23+$0x1820];
	_ =	sdelay $0x4  }
0x196: {  	[tilespmem:s18+$0x1820] =	vst.add.f32.msk $0xffff, v0  }
0x197: {  	v0 =	vld [tilespmem:s23+$0x1830];
	_ =	sdelay $0x4  }
0x198: {  	[tilespmem:s18+$0x1830] =	vst.add.f32.msk $0xffff, v0  }
0x199: {  	v0 =	vld [tilespmem:s23+$0x1840];
	_ =	sdelay $0x4  }
0x19a: {  	[tilespmem:s18+$0x1840] =	vst.add.f32.msk $0xffff, v0  }
0x19b: {  	v0 =	vld [tilespmem:s23+$0x1850];
	_ =	sdelay $0x4  }
0x19c: {  	[tilespmem:s18+$0x1850] =	vst.add.f32.msk $0xffff, v0  }
0x19d: {  	v0 =	vld [tilespmem:s23+$0x1860];
	_ =	sdelay $0x4  }
0x19e: {  	[tilespmem:s18+$0x1860] =	vst.add.f32.msk $0xffff, v0  }
0x19f: {  	v0 =	vld [tilespmem:s23+$0x1870];
	_ =	sdelay $0x4  }
0x1a0: {  	[tilespmem:s18+$0x1870] =	vst.add.f32.msk $0xffff, v0  }
0x1a1: {  	v0 =	vld [tilespmem:s23+$0x1C00];
	_ =	sdelay $0x4  }
0x1a2: {  	[tilespmem:s18+$0x1C00] =	vst.add.f32.msk $0xffff, v0  }
0x1a3: {  	v0 =	vld [tilespmem:s23+$0x1C10];
	_ =	sdelay $0x4  }
0x1a4: {  	[tilespmem:s18+$0x1C10] =	vst.add.f32.msk $0xffff, v0  }
0x1a5: {  	v0 =	vld [tilespmem:s23+$0x1C20];
	_ =	sdelay $0x4  }
0x1a6: {  	[tilespmem:s18+$0x1C20] =	vst.add.f32.msk $0xffff, v0  }
0x1a7: {  	v0 =	vld [tilespmem:s23+$0x1C30];
	_ =	sdelay $0x4  }
0x1a8: {  	[tilespmem:s18+$0x1C30] =	vst.add.f32.msk $0xffff, v0  }
0x1a9: {  	v0 =	vld [tilespmem:s23+$0x1C40];
	_ =	sdelay $0x4  }
0x1aa: {  	[tilespmem:s18+$0x1C40] =	vst.add.f32.msk $0xffff, v0  }
0x1ab: {  	v0 =	vld [tilespmem:s23+$0x1C50];
	_ =	sdelay $0x4  }
0x1ac: {  	[tilespmem:s18+$0x1C50] =	vst.add.f32.msk $0xffff, v0  }
0x1ad: {  	v0 =	vld [tilespmem:s23+$0x1C60];
	_ =	sdelay $0x4  }
0x1ae: {  	[tilespmem:s18+$0x1C60] =	vst.add.f32.msk $0xffff, v0  }
0x1af: {  	v0 =	vld [tilespmem:s23+$0x1C70];
	_ =	sdelay $0x4  }
0x1b0: {  	[tilespmem:s18+$0x1C70] =	vst.add.f32.msk $0xffff, v0  }
0x1b1: {  	v0 =	vld [tilespmem:s23+$0x2000];
	_ =	sdelay $0x4  }
0x1b2: {  	[tilespmem:s18+$0x2000] =	vst.add.f32.msk $0xffff, v0  }
0x1b3: {  	v0 =	vld [tilespmem:s23+$0x2010];
	_ =	sdelay $0x4  }
0x1b4: {  	[tilespmem:s18+$0x2010] =	vst.add.f32.msk $0xffff, v0  }
0x1b5: {  	v0 =	vld [tilespmem:s23+$0x2020];
	_ =	sdelay $0x4  }
0x1b6: {  	[tilespmem:s18+$0x2020] =	vst.add.f32.msk $0xffff, v0  }
0x1b7: {  	v0 =	vld [tilespmem:s23+$0x2030];
	_ =	sdelay $0x4  }
0x1b8: {  	[tilespmem:s18+$0x2030] =	vst.add.f32.msk $0xffff, v0  }
0x1b9: {  	v0 =	vld [tilespmem:s23+$0x2040];
	_ =	sdelay $0x4  }
0x1ba: {  	[tilespmem:s18+$0x2040] =	vst.add.f32.msk $0xffff, v0  }
0x1bb: {  	v0 =	vld [tilespmem:s23+$0x2050];
	_ =	sdelay $0x4  }
0x1bc: {  	[tilespmem:s18+$0x2050] =	vst.add.f32.msk $0xffff, v0  }
0x1bd: {  	v0 =	vld [tilespmem:s23+$0x2060];
	_ =	sdelay $0x4  }
0x1be: {  	[tilespmem:s18+$0x2060] =	vst.add.f32.msk $0xffff, v0  }
0x1bf: {  	v0 =	vld [tilespmem:s23+$0x2070];
	_ =	sdelay $0x4  }
0x1c0: {  	[tilespmem:s18+$0x2070] =	vst.add.f32.msk $0xffff, v0  }
0x1c1: {  	v0 =	vld [tilespmem:s23+$0x2400];
	_ =	sdelay $0x4  }
0x1c2: {  	[tilespmem:s18+$0x2400] =	vst.add.f32.msk $0xffff, v0  }
0x1c3: {  	v0 =	vld [tilespmem:s23+$0x2410];
	_ =	sdelay $0x4  }
0x1c4: {  	[tilespmem:s18+$0x2410] =	vst.add.f32.msk $0xffff, v0  }
0x1c5: {  	v0 =	vld [tilespmem:s23+$0x2420];
	_ =	sdelay $0x4  }
0x1c6: {  	[tilespmem:s18+$0x2420] =	vst.add.f32.msk $0xffff, v0  }
0x1c7: {  	v0 =	vld [tilespmem:s23+$0x2430];
	_ =	sdelay $0x4  }
0x1c8: {  	[tilespmem:s18+$0x2430] =	vst.add.f32.msk $0xffff, v0  }
0x1c9: {  	v0 =	vld [tilespmem:s23+$0x2440];
	_ =	sdelay $0x4  }
0x1ca: {  	[tilespmem:s18+$0x2440] =	vst.add.f32.msk $0xffff, v0  }
0x1cb: {  	v0 =	vld [tilespmem:s23+$0x2450];
	_ =	sdelay $0x4  }
0x1cc: {  	[tilespmem:s18+$0x2450] =	vst.add.f32.msk $0xffff, v0  }
0x1cd: {  	v0 =	vld [tilespmem:s23+$0x2460];
	_ =	sdelay $0x4  }
0x1ce: {  	[tilespmem:s18+$0x2460] =	vst.add.f32.msk $0xffff, v0  }
0x1cf: {  	v0 =	vld [tilespmem:s23+$0x2470];
	_ =	sdelay $0x4  }
0x1d0: {  	[tilespmem:s18+$0x2470] =	vst.add.f32.msk $0xffff, v0  }
0x1d1: {  	v0 =	vld [tilespmem:s23+$0x2800];
	_ =	sdelay $0x4  }
0x1d2: {  	[tilespmem:s18+$0x2800] =	vst.add.f32.msk $0xffff, v0  }
0x1d3: {  	v0 =	vld [tilespmem:s23+$0x2810];
	_ =	sdelay $0x4  }
0x1d4: {  	[tilespmem:s18+$0x2810] =	vst.add.f32.msk $0xffff, v0  }
0x1d5: {  	v0 =	vld [tilespmem:s23+$0x2820];
	_ =	sdelay $0x4  }
0x1d6: {  	[tilespmem:s18+$0x2820] =	vst.add.f32.msk $0xffff, v0  }
0x1d7: {  	v0 =	vld [tilespmem:s23+$0x2830];
	_ =	sdelay $0x4  }
0x1d8: {  	[tilespmem:s18+$0x2830] =	vst.add.f32.msk $0xffff, v0  }
0x1d9: {  	v0 =	vld [tilespmem:s23+$0x2840];
	_ =	sdelay $0x4  }
0x1da: {  	[tilespmem:s18+$0x2840] =	vst.add.f32.msk $0xffff, v0  }
0x1db: {  	v0 =	vld [tilespmem:s23+$0x2850];
	_ =	sdelay $0x4  }
0x1dc: {  	[tilespmem:s18+$0x2850] =	vst.add.f32.msk $0xffff, v0  }
0x1dd: {  	v0 =	vld [tilespmem:s23+$0x2860];
	_ =	sdelay $0x4  }
0x1de: {  	[tilespmem:s18+$0x2860] =	vst.add.f32.msk $0xffff, v0  }
0x1df: {  	v0 =	vld [tilespmem:s23+$0x2870];
	_ =	sdelay $0x4  }
0x1e0: {  	[tilespmem:s18+$0x2870] =	vst.add.f32.msk $0xffff, v0  }
0x1e1: {  	v0 =	vld [tilespmem:s23+$0x2C00];
	_ =	sdelay $0x4  }
0x1e2: {  	[tilespmem:s18+$0x2C00] =	vst.add.f32.msk $0xffff, v0  }
0x1e3: {  	v0 =	vld [tilespmem:s23+$0x2C10];
	_ =	sdelay $0x4  }
0x1e4: {  	[tilespmem:s18+$0x2C10] =	vst.add.f32.msk $0xffff, v0  }
0x1e5: {  	v0 =	vld [tilespmem:s23+$0x2C20];
	_ =	sdelay $0x4  }
0x1e6: {  	[tilespmem:s18+$0x2C20] =	vst.add.f32.msk $0xffff, v0  }
0x1e7: {  	v0 =	vld [tilespmem:s23+$0x2C30];
	_ =	sdelay $0x4  }
0x1e8: {  	[tilespmem:s18+$0x2C30] =	vst.add.f32.msk $0xffff, v0  }
0x1e9: {  	v0 =	vld [tilespmem:s23+$0x2C40];
	_ =	sdelay $0x4  }
0x1ea: {  	[tilespmem:s18+$0x2C40] =	vst.add.f32.msk $0xffff, v0  }
0x1eb: {  	v0 =	vld [tilespmem:s23+$0x2C50];
	_ =	sdelay $0x4  }
0x1ec: {  	[tilespmem:s18+$0x2C50] =	vst.add.f32.msk $0xffff, v0  }
0x1ed: {  	v0 =	vld [tilespmem:s23+$0x2C60];
	_ =	sdelay $0x4  }
0x1ee: {  	[tilespmem:s18+$0x2C60] =	vst.add.f32.msk $0xffff, v0  }
0x1ef: {  	v0 =	vld [tilespmem:s23+$0x2C70];
	_ =	sdelay $0x4  }
0x1f0: {  	[tilespmem:s18+$0x2C70] =	vst.add.f32.msk $0xffff, v0  }
0x1f1: {  	v0 =	vld [tilespmem:s23+$0x3000];
	_ =	sdelay $0x4  }
0x1f2: {  	[tilespmem:s18+$0x3000] =	vst.add.f32.msk $0xffff, v0  }
0x1f3: {  	v0 =	vld [tilespmem:s23+$0x3010];
	_ =	sdelay $0x4  }
0x1f4: {  	[tilespmem:s18+$0x3010] =	vst.add.f32.msk $0xffff, v0  }
0x1f5: {  	v0 =	vld [tilespmem:s23+$0x3020];
	_ =	sdelay $0x4  }
0x1f6: {  	[tilespmem:s18+$0x3020] =	vst.add.f32.msk $0xffff, v0  }
0x1f7: {  	v0 =	vld [tilespmem:s23+$0x3030];
	_ =	sdelay $0x4  }
0x1f8: {  	[tilespmem:s18+$0x3030] =	vst.add.f32.msk $0xffff, v0  }
0x1f9: {  	v0 =	vld [tilespmem:s23+$0x3040];
	_ =	sdelay $0x4  }
0x1fa: {  	[tilespmem:s18+$0x3040] =	vst.add.f32.msk $0xffff, v0  }
0x1fb: {  	v0 =	vld [tilespmem:s23+$0x3050];
	_ =	sdelay $0x4  }
0x1fc: {  	[tilespmem:s18+$0x3050] =	vst.add.f32.msk $0xffff, v0  }
0x1fd: {  	v0 =	vld [tilespmem:s23+$0x3060];
	_ =	sdelay $0x4  }
0x1fe: {  	[tilespmem:s18+$0x3060] =	vst.add.f32.msk $0xffff, v0  }
0x1ff: {  	v0 =	vld [tilespmem:s23+$0x3070];
	_ =	sdelay $0x4  }
0x200: {  	[tilespmem:s18+$0x3070] =	vst.add.f32.msk $0xffff, v0  }
0x201: {  	v0 =	vld [tilespmem:s23+$0x3400];
	_ =	sdelay $0x4  }
0x202: {  	[tilespmem:s18+$0x3400] =	vst.add.f32.msk $0xffff, v0  }
0x203: {  	v0 =	vld [tilespmem:s23+$0x3410];
	_ =	sdelay $0x4  }
0x204: {  	[tilespmem:s18+$0x3410] =	vst.add.f32.msk $0xffff, v0  }
0x205: {  	v0 =	vld [tilespmem:s23+$0x3420];
	_ =	sdelay $0x4  }
0x206: {  	[tilespmem:s18+$0x3420] =	vst.add.f32.msk $0xffff, v0  }
0x207: {  	v0 =	vld [tilespmem:s23+$0x3430];
	_ =	sdelay $0x4  }
0x208: {  	[tilespmem:s18+$0x3430] =	vst.add.f32.msk $0xffff, v0  }
0x209: {  	v0 =	vld [tilespmem:s23+$0x3440];
	_ =	sdelay $0x4  }
0x20a: {  	[tilespmem:s18+$0x3440] =	vst.add.f32.msk $0xffff, v0  }
0x20b: {  	v0 =	vld [tilespmem:s23+$0x3450];
	_ =	sdelay $0x4  }
0x20c: {  	[tilespmem:s18+$0x3450] =	vst.add.f32.msk $0xffff, v0  }
0x20d: {  	v0 =	vld [tilespmem:s23+$0x3460];
	_ =	sdelay $0x4  }
0x20e: {  	[tilespmem:s18+$0x3460] =	vst.add.f32.msk $0xffff, v0  }
0x20f: {  	v0 =	vld [tilespmem:s23+$0x3470]  }
0x210: {  	s17 =	sadd.s32 $0x1, s17  }
0x211: {  	s23 =	sand.u32 $0x7, s17  }
0x212: {  	s19 =	sadd.s32 $0x800, s19;
	s23 =	sshll.u32 s23, $0x7  }
0x213: {  	s23 =	sadd.s32 s23, s19  }
0x214: {  	s24 =	sor.u32 $0x3800, s23;
	[tilespmem:s18+$0x3470] =	vst.add.f32.msk $0xffff, v0  }
0x215: {  	v0 =	vld [tilespmem:s24+$0x0];
	_ =	sdelay $0x4  }
0x216: {  	s24 =	sor.u32 $0x3810, s23;
	[tilespmem:s18+$0x3800] =	vst.add.f32.msk $0xffff, v0  }
0x217: {  	v0 =	vld [tilespmem:s24+$0x0];
	_ =	sdelay $0x4  }
0x218: {  	s24 =	sor.u32 $0x3820, s23;
	[tilespmem:s18+$0x3810] =	vst.add.f32.msk $0xffff, v0  }
0x219: {  	v0 =	vld [tilespmem:s24+$0x0];
	_ =	sdelay $0x4  }
0x21a: {  	s24 =	sor.u32 $0x3830, s23;
	[tilespmem:s18+$0x3820] =	vst.add.f32.msk $0xffff, v0  }
0x21b: {  	v0 =	vld [tilespmem:s24+$0x0];
	_ =	sdelay $0x4  }
0x21c: {  	s24 =	sor.u32 $0x3840, s23;
	[tilespmem:s18+$0x3830] =	vst.add.f32.msk $0xffff, v0  }
0x21d: {  	v0 =	vld [tilespmem:s24+$0x0];
	_ =	sdelay $0x4  }
0x21e: {  	s24 =	sor.u32 $0x3850, s23;
	[tilespmem:s18+$0x3840] =	vst.add.f32.msk $0xffff, v0  }
0x21f: {  	v0 =	vld [tilespmem:s24+$0x0];
	_ =	sdelay $0x4  }
0x220: {  	s24 =	sor.u32 $0x3860, s23;
	[tilespmem:s18+$0x3850] =	vst.add.f32.msk $0xffff, v0  }
0x221: {  	v0 =	vld [tilespmem:s24+$0x0];
	_ =	sdelay $0x4  }
0x222: {  	s24 =	sor.u32 $0x3870, s23;
	[tilespmem:s18+$0x3860] =	vst.add.f32.msk $0xffff, v0  }
0x223: {  	v0 =	vld [tilespmem:s24+$0x0];
	_ =	sdelay $0x4  }
0x224: {  	s24 =	sor.u32 $0x3C00, s23;
	[tilespmem:s18+$0x3870] =	vst.add.f32.msk $0xffff, v0  }
0x225: {  	v0 =	vld [tilespmem:s24+$0x0];
	_ =	sdelay $0x4  }
0x226: {  	s24 =	sor.u32 $0x3C10, s23;
	[tilespmem:s18+$0x3C00] =	vst.add.f32.msk $0xffff, v0  }
0x227: {  	v0 =	vld [tilespmem:s24+$0x0];
	_ =	sdelay $0x4  }
0x228: {  	s24 =	sor.u32 $0x3C20, s23;
	[tilespmem:s18+$0x3C10] =	vst.add.f32.msk $0xffff, v0  }
0x229: {  	v0 =	vld [tilespmem:s24+$0x0];
	_ =	sdelay $0x4  }
0x22a: {  	s24 =	sor.u32 $0x3C30, s23;
	[tilespmem:s18+$0x3C20] =	vst.add.f32.msk $0xffff, v0  }
0x22b: {  	v0 =	vld [tilespmem:s24+$0x0];
	_ =	sdelay $0x4  }
0x22c: {  	s24 =	sor.u32 $0x3C40, s23;
	[tilespmem:s18+$0x3C30] =	vst.add.f32.msk $0xffff, v0  }
0x22d: {  	v0 =	vld [tilespmem:s24+$0x0];
	_ =	sdelay $0x4  }
0x22e: {  	s24 =	sor.u32 $0x3C50, s23;
	[tilespmem:s18+$0x3C40] =	vst.add.f32.msk $0xffff, v0  }
0x22f: {  	v0 =	vld [tilespmem:s24+$0x0];
	_ =	sdelay $0x4  }
0x230: {  	s24 =	sor.u32 $0x3C60, s23;
	[tilespmem:s18+$0x3C50] =	vst.add.f32.msk $0xffff, v0  }
0x231: {  	v0 =	vld [tilespmem:s24+$0x0];
	_ =	sdelay $0x4  }
.Ltmp2:
0x232: {  	s23 =	sor.u32 $0x3C70, s23;
	[tilespmem:s18+$0x3C60] =	vst.add.f32.msk $0xffff, v0;
	(pc) =	sbr.rel @p0 .LBB2_7-.Ltmp2, $3  }
0x233: {  	v0 =	vld [tilespmem:s23+$0x0];
	_ =	sdelay $0x1  }
0x234: {  	s21 =	sadd.s32 $0x800, s21  }
0x235: {  	s22 =	sadd.s32 $0x80, s22;
	s23 =	sadd.s32 $0x8000, s21  }
0x236: {  	s21 =	sand.u32 $0x4000, s23;
	s20 =	sand.u32 $0x380, s20  }
0x237: {  	s20 =	sor.u32 s20, s21;
	[tilespmem:s18+$0x3C70] =	vst.add.f32.msk $0xffff, v0  }
0x238: {  	v0 =	vld [tilespmem:s20+$0x0];
	_ =	sdelay $0x3  }
0x239: {  	s18 =	sadd.s32 s16, s20  }
0x23a: {  	[tilespmem:s18+$0x0] =	vst.add.f32.msk $0xffff, v0  }
0x23b: {  	v0 =	vld [tilespmem:s20+$0x10];
	_ =	sdelay $0x4  }
0x23c: {  	[tilespmem:s18+$0x10] =	vst.add.f32.msk $0xffff, v0  }
0x23d: {  	v0 =	vld [tilespmem:s20+$0x20];
	_ =	sdelay $0x4  }
0x23e: {  	[tilespmem:s18+$0x20] =	vst.add.f32.msk $0xffff, v0  }
0x23f: {  	v0 =	vld [tilespmem:s20+$0x30];
	_ =	sdelay $0x4  }
0x240: {  	[tilespmem:s18+$0x30] =	vst.add.f32.msk $0xffff, v0  }
0x241: {  	v0 =	vld [tilespmem:s20+$0x40];
	_ =	sdelay $0x4  }
0x242: {  	[tilespmem:s18+$0x40] =	vst.add.f32.msk $0xffff, v0  }
0x243: {  	v0 =	vld [tilespmem:s20+$0x50];
	_ =	sdelay $0x4  }
0x244: {  	[tilespmem:s18+$0x50] =	vst.add.f32.msk $0xffff, v0  }
0x245: {  	v0 =	vld [tilespmem:s20+$0x60];
	_ =	sdelay $0x4  }
0x246: {  	[tilespmem:s18+$0x60] =	vst.add.f32.msk $0xffff, v0  }
0x247: {  	v0 =	vld [tilespmem:s20+$0x70];
	_ =	sdelay $0x4  }
0x248: {  	[tilespmem:s18+$0x70] =	vst.add.f32.msk $0xffff, v0  }
0x249: {  	v0 =	vld [tilespmem:s20+$0x400];
	_ =	sdelay $0x4  }
0x24a: {  	[tilespmem:s18+$0x400] =	vst.add.f32.msk $0xffff, v0  }
0x24b: {  	v0 =	vld [tilespmem:s20+$0x410];
	_ =	sdelay $0x4  }
0x24c: {  	[tilespmem:s18+$0x410] =	vst.add.f32.msk $0xffff, v0  }
0x24d: {  	v0 =	vld [tilespmem:s20+$0x420];
	_ =	sdelay $0x4  }
0x24e: {  	[tilespmem:s18+$0x420] =	vst.add.f32.msk $0xffff, v0  }
0x24f: {  	v0 =	vld [tilespmem:s20+$0x430];
	_ =	sdelay $0x4  }
0x250: {  	[tilespmem:s18+$0x430] =	vst.add.f32.msk $0xffff, v0  }
0x251: {  	v0 =	vld [tilespmem:s20+$0x440];
	_ =	sdelay $0x4  }
0x252: {  	[tilespmem:s18+$0x440] =	vst.add.f32.msk $0xffff, v0  }
0x253: {  	v0 =	vld [tilespmem:s20+$0x450];
	_ =	sdelay $0x4  }
0x254: {  	[tilespmem:s18+$0x450] =	vst.add.f32.msk $0xffff, v0  }
0x255: {  	v0 =	vld [tilespmem:s20+$0x460];
	_ =	sdelay $0x4  }
0x256: {  	[tilespmem:s18+$0x460] =	vst.add.f32.msk $0xffff, v0  }
0x257: {  	v0 =	vld [tilespmem:s20+$0x470];
	_ =	sdelay $0x4  }
0x258: {  	[tilespmem:s18+$0x470] =	vst.add.f32.msk $0xffff, v0  }
0x259: {  	v0 =	vld [tilespmem:s20+$0x800];
	_ =	sdelay $0x4  }
0x25a: {  	[tilespmem:s18+$0x800] =	vst.add.f32.msk $0xffff, v0  }
0x25b: {  	v0 =	vld [tilespmem:s20+$0x810];
	_ =	sdelay $0x4  }
0x25c: {  	[tilespmem:s18+$0x810] =	vst.add.f32.msk $0xffff, v0  }
0x25d: {  	v0 =	vld [tilespmem:s20+$0x820];
	_ =	sdelay $0x4  }
0x25e: {  	[tilespmem:s18+$0x820] =	vst.add.f32.msk $0xffff, v0  }
0x25f: {  	v0 =	vld [tilespmem:s20+$0x830];
	_ =	sdelay $0x4  }
0x260: {  	[tilespmem:s18+$0x830] =	vst.add.f32.msk $0xffff, v0  }
0x261: {  	v0 =	vld [tilespmem:s20+$0x840];
	_ =	sdelay $0x4  }
0x262: {  	[tilespmem:s18+$0x840] =	vst.add.f32.msk $0xffff, v0  }
0x263: {  	v0 =	vld [tilespmem:s20+$0x850];
	_ =	sdelay $0x4  }
0x264: {  	[tilespmem:s18+$0x850] =	vst.add.f32.msk $0xffff, v0  }
0x265: {  	v0 =	vld [tilespmem:s20+$0x860];
	_ =	sdelay $0x4  }
0x266: {  	[tilespmem:s18+$0x860] =	vst.add.f32.msk $0xffff, v0  }
0x267: {  	v0 =	vld [tilespmem:s20+$0x870];
	_ =	sdelay $0x4  }
0x268: {  	[tilespmem:s18+$0x870] =	vst.add.f32.msk $0xffff, v0  }
0x269: {  	v0 =	vld [tilespmem:s20+$0xC00];
	_ =	sdelay $0x4  }
0x26a: {  	[tilespmem:s18+$0xC00] =	vst.add.f32.msk $0xffff, v0  }
0x26b: {  	v0 =	vld [tilespmem:s20+$0xC10];
	_ =	sdelay $0x4  }
0x26c: {  	[tilespmem:s18+$0xC10] =	vst.add.f32.msk $0xffff, v0  }
0x26d: {  	v0 =	vld [tilespmem:s20+$0xC20];
	_ =	sdelay $0x4  }
0x26e: {  	[tilespmem:s18+$0xC20] =	vst.add.f32.msk $0xffff, v0  }
0x26f: {  	v0 =	vld [tilespmem:s20+$0xC30];
	_ =	sdelay $0x4  }
0x270: {  	[tilespmem:s18+$0xC30] =	vst.add.f32.msk $0xffff, v0  }
0x271: {  	v0 =	vld [tilespmem:s20+$0xC40];
	_ =	sdelay $0x4  }
0x272: {  	[tilespmem:s18+$0xC40] =	vst.add.f32.msk $0xffff, v0  }
0x273: {  	v0 =	vld [tilespmem:s20+$0xC50];
	_ =	sdelay $0x4  }
0x274: {  	[tilespmem:s18+$0xC50] =	vst.add.f32.msk $0xffff, v0  }
0x275: {  	v0 =	vld [tilespmem:s20+$0xC60];
	_ =	sdelay $0x4  }
0x276: {  	[tilespmem:s18+$0xC60] =	vst.add.f32.msk $0xffff, v0  }
0x277: {  	v0 =	vld [tilespmem:s20+$0xC70];
	_ =	sdelay $0x4  }
0x278: {  	[tilespmem:s18+$0xC70] =	vst.add.f32.msk $0xffff, v0  }
0x279: {  	v0 =	vld [tilespmem:s20+$0x1000];
	_ =	sdelay $0x4  }
0x27a: {  	[tilespmem:s18+$0x1000] =	vst.add.f32.msk $0xffff, v0  }
0x27b: {  	v0 =	vld [tilespmem:s20+$0x1010];
	_ =	sdelay $0x4  }
0x27c: {  	[tilespmem:s18+$0x1010] =	vst.add.f32.msk $0xffff, v0  }
0x27d: {  	v0 =	vld [tilespmem:s20+$0x1020];
	_ =	sdelay $0x4  }
0x27e: {  	[tilespmem:s18+$0x1020] =	vst.add.f32.msk $0xffff, v0  }
0x27f: {  	v0 =	vld [tilespmem:s20+$0x1030];
	_ =	sdelay $0x4  }
0x280: {  	[tilespmem:s18+$0x1030] =	vst.add.f32.msk $0xffff, v0  }
0x281: {  	v0 =	vld [tilespmem:s20+$0x1040];
	_ =	sdelay $0x4  }
0x282: {  	[tilespmem:s18+$0x1040] =	vst.add.f32.msk $0xffff, v0  }
0x283: {  	v0 =	vld [tilespmem:s20+$0x1050];
	_ =	sdelay $0x4  }
0x284: {  	[tilespmem:s18+$0x1050] =	vst.add.f32.msk $0xffff, v0  }
0x285: {  	v0 =	vld [tilespmem:s20+$0x1060];
	_ =	sdelay $0x4  }
0x286: {  	[tilespmem:s18+$0x1060] =	vst.add.f32.msk $0xffff, v0  }
0x287: {  	v0 =	vld [tilespmem:s20+$0x1070];
	_ =	sdelay $0x4  }
0x288: {  	[tilespmem:s18+$0x1070] =	vst.add.f32.msk $0xffff, v0  }
0x289: {  	v0 =	vld [tilespmem:s20+$0x1400];
	_ =	sdelay $0x4  }
0x28a: {  	[tilespmem:s18+$0x1400] =	vst.add.f32.msk $0xffff, v0  }
0x28b: {  	v0 =	vld [tilespmem:s20+$0x1410];
	_ =	sdelay $0x4  }
0x28c: {  	[tilespmem:s18+$0x1410] =	vst.add.f32.msk $0xffff, v0  }
0x28d: {  	v0 =	vld [tilespmem:s20+$0x1420];
	_ =	sdelay $0x4  }
0x28e: {  	[tilespmem:s18+$0x1420] =	vst.add.f32.msk $0xffff, v0  }
0x28f: {  	v0 =	vld [tilespmem:s20+$0x1430];
	_ =	sdelay $0x4  }
0x290: {  	[tilespmem:s18+$0x1430] =	vst.add.f32.msk $0xffff, v0  }
0x291: {  	v0 =	vld [tilespmem:s20+$0x1440];
	_ =	sdelay $0x4  }
0x292: {  	[tilespmem:s18+$0x1440] =	vst.add.f32.msk $0xffff, v0  }
0x293: {  	v0 =	vld [tilespmem:s20+$0x1450];
	_ =	sdelay $0x4  }
0x294: {  	[tilespmem:s18+$0x1450] =	vst.add.f32.msk $0xffff, v0  }
0x295: {  	v0 =	vld [tilespmem:s20+$0x1460];
	_ =	sdelay $0x4  }
0x296: {  	[tilespmem:s18+$0x1460] =	vst.add.f32.msk $0xffff, v0  }
0x297: {  	v0 =	vld [tilespmem:s20+$0x1470];
	_ =	sdelay $0x4  }
0x298: {  	[tilespmem:s18+$0x1470] =	vst.add.f32.msk $0xffff, v0  }
0x299: {  	v0 =	vld [tilespmem:s20+$0x1800];
	_ =	sdelay $0x4  }
0x29a: {  	[tilespmem:s18+$0x1800] =	vst.add.f32.msk $0xffff, v0  }
0x29b: {  	v0 =	vld [tilespmem:s20+$0x1810];
	_ =	sdelay $0x4  }
0x29c: {  	[tilespmem:s18+$0x1810] =	vst.add.f32.msk $0xffff, v0  }
0x29d: {  	v0 =	vld [tilespmem:s20+$0x1820];
	_ =	sdelay $0x4  }
0x29e: {  	[tilespmem:s18+$0x1820] =	vst.add.f32.msk $0xffff, v0  }
0x29f: {  	v0 =	vld [tilespmem:s20+$0x1830];
	_ =	sdelay $0x4  }
0x2a0: {  	[tilespmem:s18+$0x1830] =	vst.add.f32.msk $0xffff, v0  }
0x2a1: {  	v0 =	vld [tilespmem:s20+$0x1840];
	_ =	sdelay $0x4  }
0x2a2: {  	[tilespmem:s18+$0x1840] =	vst.add.f32.msk $0xffff, v0  }
0x2a3: {  	v0 =	vld [tilespmem:s20+$0x1850];
	_ =	sdelay $0x4  }
0x2a4: {  	[tilespmem:s18+$0x1850] =	vst.add.f32.msk $0xffff, v0  }
0x2a5: {  	v0 =	vld [tilespmem:s20+$0x1860];
	_ =	sdelay $0x4  }
0x2a6: {  	[tilespmem:s18+$0x1860] =	vst.add.f32.msk $0xffff, v0  }
0x2a7: {  	v0 =	vld [tilespmem:s20+$0x1870];
	_ =	sdelay $0x4  }
0x2a8: {  	[tilespmem:s18+$0x1870] =	vst.add.f32.msk $0xffff, v0  }
0x2a9: {  	v0 =	vld [tilespmem:s20+$0x1C00];
	_ =	sdelay $0x4  }
0x2aa: {  	[tilespmem:s18+$0x1C00] =	vst.add.f32.msk $0xffff, v0  }
0x2ab: {  	v0 =	vld [tilespmem:s20+$0x1C10];
	_ =	sdelay $0x4  }
0x2ac: {  	[tilespmem:s18+$0x1C10] =	vst.add.f32.msk $0xffff, v0  }
0x2ad: {  	v0 =	vld [tilespmem:s20+$0x1C20];
	_ =	sdelay $0x4  }
0x2ae: {  	[tilespmem:s18+$0x1C20] =	vst.add.f32.msk $0xffff, v0  }
0x2af: {  	v0 =	vld [tilespmem:s20+$0x1C30];
	_ =	sdelay $0x4  }
0x2b0: {  	[tilespmem:s18+$0x1C30] =	vst.add.f32.msk $0xffff, v0  }
0x2b1: {  	v0 =	vld [tilespmem:s20+$0x1C40];
	_ =	sdelay $0x4  }
0x2b2: {  	[tilespmem:s18+$0x1C40] =	vst.add.f32.msk $0xffff, v0  }
0x2b3: {  	v0 =	vld [tilespmem:s20+$0x1C50];
	_ =	sdelay $0x4  }
0x2b4: {  	[tilespmem:s18+$0x1C50] =	vst.add.f32.msk $0xffff, v0  }
0x2b5: {  	v0 =	vld [tilespmem:s20+$0x1C60];
	_ =	sdelay $0x4  }
0x2b6: {  	[tilespmem:s18+$0x1C60] =	vst.add.f32.msk $0xffff, v0  }
0x2b7: {  	v0 =	vld [tilespmem:s20+$0x1C70];
	_ =	sdelay $0x4  }
0x2b8: {  	[tilespmem:s18+$0x1C70] =	vst.add.f32.msk $0xffff, v0  }
0x2b9: {  	v0 =	vld [tilespmem:s20+$0x2000];
	_ =	sdelay $0x4  }
0x2ba: {  	[tilespmem:s18+$0x2000] =	vst.add.f32.msk $0xffff, v0  }
0x2bb: {  	v0 =	vld [tilespmem:s20+$0x2010];
	_ =	sdelay $0x4  }
0x2bc: {  	[tilespmem:s18+$0x2010] =	vst.add.f32.msk $0xffff, v0  }
0x2bd: {  	v0 =	vld [tilespmem:s20+$0x2020];
	_ =	sdelay $0x4  }
0x2be: {  	[tilespmem:s18+$0x2020] =	vst.add.f32.msk $0xffff, v0  }
0x2bf: {  	v0 =	vld [tilespmem:s20+$0x2030];
	_ =	sdelay $0x4  }
0x2c0: {  	[tilespmem:s18+$0x2030] =	vst.add.f32.msk $0xffff, v0  }
0x2c1: {  	v0 =	vld [tilespmem:s20+$0x2040];
	_ =	sdelay $0x4  }
0x2c2: {  	[tilespmem:s18+$0x2040] =	vst.add.f32.msk $0xffff, v0  }
0x2c3: {  	v0 =	vld [tilespmem:s20+$0x2050];
	_ =	sdelay $0x4  }
0x2c4: {  	[tilespmem:s18+$0x2050] =	vst.add.f32.msk $0xffff, v0  }
0x2c5: {  	v0 =	vld [tilespmem:s20+$0x2060];
	_ =	sdelay $0x4  }
0x2c6: {  	[tilespmem:s18+$0x2060] =	vst.add.f32.msk $0xffff, v0  }
0x2c7: {  	v0 =	vld [tilespmem:s20+$0x2070];
	_ =	sdelay $0x4  }
0x2c8: {  	[tilespmem:s18+$0x2070] =	vst.add.f32.msk $0xffff, v0  }
0x2c9: {  	v0 =	vld [tilespmem:s20+$0x2400];
	_ =	sdelay $0x4  }
0x2ca: {  	[tilespmem:s18+$0x2400] =	vst.add.f32.msk $0xffff, v0  }
0x2cb: {  	v0 =	vld [tilespmem:s20+$0x2410];
	_ =	sdelay $0x4  }
0x2cc: {  	[tilespmem:s18+$0x2410] =	vst.add.f32.msk $0xffff, v0  }
0x2cd: {  	v0 =	vld [tilespmem:s20+$0x2420];
	_ =	sdelay $0x4  }
0x2ce: {  	[tilespmem:s18+$0x2420] =	vst.add.f32.msk $0xffff, v0  }
0x2cf: {  	v0 =	vld [tilespmem:s20+$0x2430];
	_ =	sdelay $0x4  }
0x2d0: {  	[tilespmem:s18+$0x2430] =	vst.add.f32.msk $0xffff, v0  }
0x2d1: {  	v0 =	vld [tilespmem:s20+$0x2440];
	_ =	sdelay $0x4  }
0x2d2: {  	[tilespmem:s18+$0x2440] =	vst.add.f32.msk $0xffff, v0  }
0x2d3: {  	v0 =	vld [tilespmem:s20+$0x2450];
	_ =	sdelay $0x4  }
0x2d4: {  	[tilespmem:s18+$0x2450] =	vst.add.f32.msk $0xffff, v0  }
0x2d5: {  	v0 =	vld [tilespmem:s20+$0x2460];
	_ =	sdelay $0x4  }
0x2d6: {  	[tilespmem:s18+$0x2460] =	vst.add.f32.msk $0xffff, v0  }
0x2d7: {  	v0 =	vld [tilespmem:s20+$0x2470];
	_ =	sdelay $0x4  }
0x2d8: {  	[tilespmem:s18+$0x2470] =	vst.add.f32.msk $0xffff, v0  }
0x2d9: {  	v0 =	vld [tilespmem:s20+$0x2800];
	_ =	sdelay $0x4  }
0x2da: {  	[tilespmem:s18+$0x2800] =	vst.add.f32.msk $0xffff, v0  }
0x2db: {  	v0 =	vld [tilespmem:s20+$0x2810];
	_ =	sdelay $0x4  }
0x2dc: {  	[tilespmem:s18+$0x2810] =	vst.add.f32.msk $0xffff, v0  }
0x2dd: {  	v0 =	vld [tilespmem:s20+$0x2820];
	_ =	sdelay $0x4  }
0x2de: {  	[tilespmem:s18+$0x2820] =	vst.add.f32.msk $0xffff, v0  }
0x2df: {  	v0 =	vld [tilespmem:s20+$0x2830];
	_ =	sdelay $0x4  }
0x2e0: {  	[tilespmem:s18+$0x2830] =	vst.add.f32.msk $0xffff, v0  }
0x2e1: {  	v0 =	vld [tilespmem:s20+$0x2840];
	_ =	sdelay $0x4  }
0x2e2: {  	[tilespmem:s18+$0x2840] =	vst.add.f32.msk $0xffff, v0  }
0x2e3: {  	v0 =	vld [tilespmem:s20+$0x2850];
	_ =	sdelay $0x4  }
0x2e4: {  	[tilespmem:s18+$0x2850] =	vst.add.f32.msk $0xffff, v0  }
0x2e5: {  	v0 =	vld [tilespmem:s20+$0x2860];
	_ =	sdelay $0x4  }
0x2e6: {  	[tilespmem:s18+$0x2860] =	vst.add.f32.msk $0xffff, v0  }
0x2e7: {  	v0 =	vld [tilespmem:s20+$0x2870];
	_ =	sdelay $0x4  }
0x2e8: {  	[tilespmem:s18+$0x2870] =	vst.add.f32.msk $0xffff, v0  }
0x2e9: {  	v0 =	vld [tilespmem:s20+$0x2C00];
	_ =	sdelay $0x4  }
0x2ea: {  	[tilespmem:s18+$0x2C00] =	vst.add.f32.msk $0xffff, v0  }
0x2eb: {  	v0 =	vld [tilespmem:s20+$0x2C10];
	_ =	sdelay $0x4  }
0x2ec: {  	[tilespmem:s18+$0x2C10] =	vst.add.f32.msk $0xffff, v0  }
0x2ed: {  	v0 =	vld [tilespmem:s20+$0x2C20];
	_ =	sdelay $0x4  }
0x2ee: {  	[tilespmem:s18+$0x2C20] =	vst.add.f32.msk $0xffff, v0  }
0x2ef: {  	v0 =	vld [tilespmem:s20+$0x2C30];
	_ =	sdelay $0x4  }
0x2f0: {  	[tilespmem:s18+$0x2C30] =	vst.add.f32.msk $0xffff, v0  }
0x2f1: {  	v0 =	vld [tilespmem:s20+$0x2C40];
	_ =	sdelay $0x4  }
0x2f2: {  	[tilespmem:s18+$0x2C40] =	vst.add.f32.msk $0xffff, v0  }
0x2f3: {  	v0 =	vld [tilespmem:s20+$0x2C50];
	_ =	sdelay $0x4  }
0x2f4: {  	[tilespmem:s18+$0x2C50] =	vst.add.f32.msk $0xffff, v0  }
0x2f5: {  	v0 =	vld [tilespmem:s20+$0x2C60];
	_ =	sdelay $0x4  }
0x2f6: {  	[tilespmem:s18+$0x2C60] =	vst.add.f32.msk $0xffff, v0  }
0x2f7: {  	v0 =	vld [tilespmem:s20+$0x2C70];
	_ =	sdelay $0x4  }
0x2f8: {  	[tilespmem:s18+$0x2C70] =	vst.add.f32.msk $0xffff, v0  }
0x2f9: {  	v0 =	vld [tilespmem:s20+$0x3000];
	_ =	sdelay $0x4  }
0x2fa: {  	[tilespmem:s18+$0x3000] =	vst.add.f32.msk $0xffff, v0  }
0x2fb: {  	v0 =	vld [tilespmem:s20+$0x3010];
	_ =	sdelay $0x4  }
0x2fc: {  	[tilespmem:s18+$0x3010] =	vst.add.f32.msk $0xffff, v0  }
0x2fd: {  	v0 =	vld [tilespmem:s20+$0x3020];
	_ =	sdelay $0x4  }
0x2fe: {  	[tilespmem:s18+$0x3020] =	vst.add.f32.msk $0xffff, v0  }
0x2ff: {  	v0 =	vld [tilespmem:s20+$0x3030];
	_ =	sdelay $0x4  }
0x300: {  	[tilespmem:s18+$0x3030] =	vst.add.f32.msk $0xffff, v0  }
0x301: {  	v0 =	vld [tilespmem:s20+$0x3040];
	_ =	sdelay $0x4  }
0x302: {  	[tilespmem:s18+$0x3040] =	vst.add.f32.msk $0xffff, v0  }
0x303: {  	v0 =	vld [tilespmem:s20+$0x3050];
	_ =	sdelay $0x4  }
0x304: {  	[tilespmem:s18+$0x3050] =	vst.add.f32.msk $0xffff, v0  }
0x305: {  	v0 =	vld [tilespmem:s20+$0x3060];
	_ =	sdelay $0x4  }
0x306: {  	[tilespmem:s18+$0x3060] =	vst.add.f32.msk $0xffff, v0  }
0x307: {  	v0 =	vld [tilespmem:s20+$0x3070];
	_ =	sdelay $0x4  }
0x308: {  	[tilespmem:s18+$0x3070] =	vst.add.f32.msk $0xffff, v0  }
0x309: {  	v0 =	vld [tilespmem:s20+$0x3400];
	_ =	sdelay $0x4  }
0x30a: {  	[tilespmem:s18+$0x3400] =	vst.add.f32.msk $0xffff, v0  }
0x30b: {  	v0 =	vld [tilespmem:s20+$0x3410];
	_ =	sdelay $0x4  }
0x30c: {  	[tilespmem:s18+$0x3410] =	vst.add.f32.msk $0xffff, v0  }
0x30d: {  	v0 =	vld [tilespmem:s20+$0x3420];
	_ =	sdelay $0x4  }
0x30e: {  	[tilespmem:s18+$0x3420] =	vst.add.f32.msk $0xffff, v0  }
0x30f: {  	v0 =	vld [tilespmem:s20+$0x3430];
	_ =	sdelay $0x4  }
0x310: {  	[tilespmem:s18+$0x3430] =	vst.add.f32.msk $0xffff, v0  }
0x311: {  	v0 =	vld [tilespmem:s20+$0x3440];
	_ =	sdelay $0x4  }
0x312: {  	[tilespmem:s18+$0x3440] =	vst.add.f32.msk $0xffff, v0  }
0x313: {  	v0 =	vld [tilespmem:s20+$0x3450];
	_ =	sdelay $0x4  }
0x314: {  	[tilespmem:s18+$0x3450] =	vst.add.f32.msk $0xffff, v0  }
0x315: {  	v0 =	vld [tilespmem:s20+$0x3460];
	_ =	sdelay $0x4  }
0x316: {  	[tilespmem:s18+$0x3460] =	vst.add.f32.msk $0xffff, v0  }
0x317: {  	v0 =	vld [tilespmem:s20+$0x3470]  }
0x318: {  	s17 =	sadd.s32 $0x1, s17  }
0x319: {  	s17 =	sand.u32 $0x7, s17  }
0x31a: {  	s19 =	sadd.s32 $0x800, s19;
	s17 =	sshll.u32 s17, $0x7  }
0x31b: {  	s17 =	sadd.s32 s17, s19  }
0x31c: {  	s19 =	sor.u32 $0x3800, s17;
	[tilespmem:s18+$0x3470] =	vst.add.f32.msk $0xffff, v0  }
0x31d: {  	v0 =	vld [tilespmem:s19+$0x0];
	_ =	sdelay $0x4  }
0x31e: {  	s29 =	sor.u32 $0x3810, s17;
	[tilespmem:s18+$0x3800] =	vst.add.f32.msk $0xffff, v0  }
0x31f: {  	v0 =	vld [tilespmem:s29+$0x0];
	_ =	sdelay $0x4  }
0x320: {  	s30 =	sor.u32 $0x3820, s17;
	[tilespmem:s18+$0x3810] =	vst.add.f32.msk $0xffff, v0  }
0x321: {  	v0 =	vld [tilespmem:s30+$0x0];
	_ =	sdelay $0x4  }
0x322: {  	s31 =	sor.u32 $0x3830, s17;
	[tilespmem:s18+$0x3820] =	vst.add.f32.msk $0xffff, v0  }
0x323: {  	v0 =	vld [tilespmem:s31+$0x0];
	_ =	sdelay $0x4  }
0x324: {  	s20 =	sor.u32 $0x3840, s17;
	[tilespmem:s18+$0x3830] =	vst.add.f32.msk $0xffff, v0  }
0x325: {  	v0 =	vld [tilespmem:s20+$0x0];
	_ =	sdelay $0x4  }
0x326: {  	s21 =	sor.u32 $0x3850, s17;
	[tilespmem:s18+$0x3840] =	vst.add.f32.msk $0xffff, v0  }
0x327: {  	v0 =	vld [tilespmem:s21+$0x0];
	_ =	sdelay $0x4  }
0x328: {  	s22 =	sor.u32 $0x3860, s17;
	[tilespmem:s18+$0x3850] =	vst.add.f32.msk $0xffff, v0  }
0x329: {  	v0 =	vld [tilespmem:s22+$0x0];
	_ =	sdelay $0x4  }
0x32a: {  	s23 =	sor.u32 $0x3870, s17;
	[tilespmem:s18+$0x3860] =	vst.add.f32.msk $0xffff, v0  }
0x32b: {  	v0 =	vld [tilespmem:s23+$0x0];
	_ =	sdelay $0x4  }
0x32c: {  	s24 =	sor.u32 $0x3C00, s17;
	[tilespmem:s18+$0x3870] =	vst.add.f32.msk $0xffff, v0  }
0x32d: {  	v0 =	vld [tilespmem:s24+$0x0];
	_ =	sdelay $0x4  }
0x32e: {  	s25 =	sor.u32 $0x3C10, s17;
	[tilespmem:s18+$0x3C00] =	vst.add.f32.msk $0xffff, v0  }
0x32f: {  	v0 =	vld [tilespmem:s25+$0x0];
	_ =	sdelay $0x4  }
0x330: {  	s26 =	sor.u32 $0x3C20, s17;
	[tilespmem:s18+$0x3C10] =	vst.add.f32.msk $0xffff, v0  }
0x331: {  	v0 =	vld [tilespmem:s26+$0x0];
	_ =	sdelay $0x4  }
0x332: {  	s28 =	sor.u32 $0x3C30, s17;
	[tilespmem:s18+$0x3C20] =	vst.add.f32.msk $0xffff, v0  }
0x333: {  	v0 =	vld [tilespmem:s28+$0x0];
	_ =	sdelay $0x4  }
0x334: {  	s29 =	sor.u32 $0x3C40, s17;
	[tilespmem:s18+$0x3C30] =	vst.add.f32.msk $0xffff, v0  }
0x335: {  	v0 =	vld [tilespmem:s29+$0x0];
	_ =	sdelay $0x4  }
0x336: {  	s30 =	sor.u32 $0x3C50, s17;
	[tilespmem:s18+$0x3C40] =	vst.add.f32.msk $0xffff, v0  }
0x337: {  	v0 =	vld [tilespmem:s30+$0x0];
	_ =	sdelay $0x4  }
0x338: {  	s31 =	sor.u32 $0x3C60, s17;
	[tilespmem:s18+$0x3C50] =	vst.add.f32.msk $0xffff, v0  }
0x339: {  	v0 =	vld [tilespmem:s31+$0x0];
	_ =	sdelay $0x4  }
0x33a: {  	s17 =	sor.u32 $0x3C70, s17;
	[tilespmem:s18+$0x3C60] =	vst.add.f32.msk $0xffff, v0  }
0x33b: {  	v0 =	vld [tilespmem:s17+$0x0];
	_ =	sdelay $0x1  }
0x33c: {  	p0 =	sne.s32 s15, $0x40  }
.Ltmp3:
0x33d: {  	s13 =	sshll.u32 s13, $0x15;
	(pc) =	sbr.rel @p0 .LBB2_2-.Ltmp3, $4  }
0x33e: {  	s14 =	sshll.u32 s14, $0x8;
	s13 =	sadd.s32 s3, s13  }
0x33f: {  	s12 =	sadd.s32 $0x3, s12;
	s13 =	sadd.s32 s14, s13;
	[tilespmem:s18+$0x3C70] =	vst.add.f32.msk $0xffff, v0  }
0x340: {  	[hbm4b:s13+s4] =	stream.linear.scatter [tilespmem:s16], [sflag:s12], $0x8000, $0x38;
	[tilespmem:$0x18000] =	vst v63  }
0x341: {  	s16 =	smov.u32 s15  }
0x342: {  	s11 =	sadd.s32 $0x1, s11  }
0x343: {  	_ =	swait.ge [sflag:s9], $0x8000;
	p0 =	sne.s32 s11, s7  }
.Ltmp4:
0x344: {  	[sflag:s9] =	ssyncset.done $0x0;
	(pc) =	sbr.rel @p0 .LBB2_1-.Ltmp4, $4  }
0x345: {  	[sflag:s9] =	ssyncadd.s32 $0xFFFF8000  }
0x346: {  	_ =	swait.ge [sflag:s10], $0x8000  }
0x347: {  	[sflag:s10] =	ssyncset.done $0x0  }
0x348: {  	[sflag:s10] =	ssyncadd.s32 $0xFFFF8000  }
0x349: {  	_ =	sfence.sel $0x180000  }
0x34a: {  	[bflag:$0x0] =	sbarrier.arrive $0xFFFF  }
0x34b: {  	p0 =	sne.s32 s2, $0x0;
	_ =	strace $0x90000047  }
0x34c: {  	s0 =	sadd.s32 @!p0 $0x100000, s0;
	[bflag:$0x2] =	sbarrier.arrive $0xFFFF  }
0x34d: {  	[sflag:s0] =	ssyncadd.tile.s32 @!p0 $0x1;
	_ =	shalt  }
.Lfunc_end2:
_tile_overlayer_lowered:
.L_overlay_start_2:
0x34e: {  	(tag) =	ssettag $0x2  }
0x34f: {  	s0 =	rddreg [dreg:$0x0];
	s2 =	stileid.u32  }
0x350: {  	s1 =	rddreg [dreg:$0x1];
	p0 =	sne.s32 s2, $0x0  }
0x351: {  	s3 =	rddreg [dreg:$0x2];
	[bflag:$0x3] =	sbarrier.arrive $0xFFFF;
	s2 =	simm.s32 @!p0 $0x1C05  }
0x352: {  	[timem:s3], [sflag:s2] =	dma.local @!p0 [hbm:s0], s1  }
0x353: {  	s0 =	simm.s32 @!p0 $0x5  }
0x354: {  	_ =	swait.ge @!p0 [sflag:s0], s1  }
0x355: {  	s1 =	ssub.s32 @!p0 $0x0, s1;
	[sflag:s0] =	ssyncset.done @!p0 $0x0  }
0x356: {  	[sflag:s0] =	ssyncadd.s32 @!p0 s1  }
0x357: {  	[bflag:$0x3] =	sbarrier.arrive $0xFFFF  }
0x358: {  	_ =	shalt  }

</sc_bundles>
